<compile_context>
chip_gen: v7x
topology: tpu7x:2x2x1
jax: 0.10.2.dev20260603
libtpu: 0.0.44.dev20260713+nightly
codegen_flags: <defaults>
</compile_context>

<pallas_src>
import functools

import jax
import jax.numpy as jnp
from jax import lax
from jax.experimental import pallas as pl
from jax.experimental.pallas import tpu as pltpu
from jax.experimental.pallas import tpu_sc as plsc

EMBED = 64
CFG = 7
OBS = 6
N_NODES = 10000
N_OBST = 32
N_EDGES = 160000

H = 2 * EMBED

NB = 2000
EB = 3200

_TEMP = float(EMBED) ** 0.5



def _ln(x, g, b):
    mu = jnp.mean(x, axis=-1, keepdims=True)
    var = jnp.mean((x - mu) ** 2, axis=-1, keepdims=True)
    return (x - mu) * lax.rsqrt(var + 1e-6) * g + b


def _dotT(x, w):
    return lax.dot_general(x, w, (((1,), (1,)), ((), ())),
                           preferred_element_type=jnp.float32)


def _prelude_body(path_ref, obst_ref,
                  wnc_ref, bnc_ref,
                  nfw1_ref, nfb1_ref, nfw2_ref, nfb2_ref,
                  onw1_ref, onb1_ref, onw2_ref, onb2_ref,
                  attw_ref, attln_ref,
                  mfw_ref, mfb_ref, mfln_ref,
                  ofw_ref, ofb_ref, ofln_ref,
                  wea1_ref, wea2_ref, be_ref,
                  nc_ref, nf_ref, p0_ref):
    path = path_ref[...]
    obst = obst_ref[...]

    nc = _dotT(path, wnc_ref[...]) + bnc_ref[...]
    nf = _dotT(jax.nn.relu(_dotT(path, nfw1_ref[...]) + nfb1_ref[...]),
               nfw2_ref[...]) + nfb2_ref[...]
    oc = _dotT(jax.nn.relu(_dotT(obst, onw1_ref[...]) + onb1_ref[...]),
               onw2_ref[...]) + onb2_ref[...]

    def ff(x, w, bb, lnp):
        h = _dotT(jax.nn.relu(_dotT(x, w[0]) + bb[0]), w[1]) + bb[1]
        return _ln(x + h, lnp[0], lnp[1])

    for blk in range(3):
        aw = attw_ref[blk]
        aln = attln_ref[blk]
        mq = _dotT(nf, aw[0])
        mk = _dotT(nf, aw[1])
        mv = _dotT(nf, aw[2])
        ok = _dotT(oc, aw[1])
        ov = _dotT(oc, aw[2])
        l0 = jnp.sum(mq * mk, axis=-1, keepdims=True) / _TEMP
        lo = _dotT(mq, ok) / _TEMP
        mx = jnp.maximum(l0, jnp.max(lo, axis=-1, keepdims=True))
        e0 = jnp.exp(l0 - mx)
        eo = jnp.exp(lo - mx)
        z = e0 + jnp.sum(eo, axis=-1, keepdims=True)
        new = (e0 / z) * mv + jnp.dot(eo / z, ov,
                                      preferred_element_type=jnp.float32)
        nf = _ln(new + nf, aln[0], aln[1])
        nf = ff(nf, mfw_ref[blk], mfb_ref[blk], mfln_ref[blk])
        oc = ff(oc, ofw_ref[blk], ofb_ref[blk], ofln_ref[blk])

    p0 = _dotT(nc, wea1_ref[...]) + _dotT(nf, wea2_ref[...]) + be_ref[...]
    nc_ref[...] = nc
    nf_ref[...] = nf
    p0_ref[...] = p0


def _k1_body(p0_ref, hi_ref, web_ref, wsrc_ref, b1_ref, wdst_ref,
             enc_ref, u_ref, v_ref):
    enc = p0_ref[...] + _dotT(hi_ref[...], web_ref[...])
    enc_ref[...] = enc
    u_ref[...] = _dotT(enc, wsrc_ref[...]) + b1_ref[...]
    v_ref[...] = _dotT(enc, wdst_ref[...])


def _k2_body(m_ref, w2_ref, b2c_ref, yt_ref):
    yt_ref[...] = lax.dot_general(
        w2_ref[...], jax.nn.relu(m_ref[...]), (((1,), (1,)), ((), ())),
        preferred_element_type=jnp.float32) + b2c_ref[...]


def _k3_body(enc_ref, outt_ref, nc_ref, l1a_ref, l1b_ref, lb_ref,
             da_ref, dbm_ref, db_ref, hi_ref, dec_ref):
    outt = jnp.maximum(outt_ref[0], outt_ref[1])
    outt = jnp.where(outt == -jnp.inf, 0.0, outt)
    hi = (_dotT(enc_ref[...], l1a_ref[...])
          + lax.dot_general(outt, l1b_ref[...],
                            (((0,), (1,)), ((), ())),
                            preferred_element_type=jnp.float32)
          + lb_ref[...])
    hi_ref[...] = hi
    dec_ref[...] = (_dotT(nc_ref[...], da_ref[...])
                    + _dotT(hi, dbm_ref[...]) + db_ref[...])


def _k4_body(dec_ref, sw_ref, sb_ref, res_ref):
    res_ref[...] = _dotT(dec_ref[...], sw_ref[...]) + sb_ref[...]


def _full(shape):
    return pl.BlockSpec(shape, lambda *_: tuple(0 for _ in shape))


def _rows(shape):
    n = len(shape)
    return pl.BlockSpec(shape, lambda i: (i,) + tuple(0 for _ in range(n - 1)))



_SC_NC, _SC_NS = 2, 16
_NW = _SC_NC * _SC_NS
_EPT = N_EDGES // _NW
_GC = 200

_CW = H // _SC_NS
_EHALF = N_EDGES // _SC_NC
_SCH = 3200
_NSCH = _EHALF // _SCH
_NGR = _SCH // 16

_mesh = plsc.VectorSubcoreMesh(core_axis_name="c", subcore_axis_name="s")
_sc_params = pltpu.CompilerParams(needs_layout_passes=False)


def _wid():
    return lax.axis_index("s") * _SC_NC + lax.axis_index("c")


_GH = (96, 104)


def _sc_gather_body(u_hbm, v_hbm, src_hbm, dst_hbm, m_hbm,
                    sidx0, didx0, ubuf0, vbuf0,
                    sidx1, didx1, ubuf1, vbuf1,
                    obuf0, obuf1, gsem0, gsem1, wsem0, wsem1):
    base = _wid() * _EPT
    nch = _EPT // _GC
    bufs = ((sidx0, didx0, ubuf0, vbuf0, gsem0),
            (sidx1, didx1, ubuf1, vbuf1, gsem1))
    obufs = ((obuf0, wsem0), (obuf1, wsem1))

    def start(k, b):
        e0 = base + k * _GC
        sidx, didx, ubuf, vbuf, gsem = bufs[b]
        pltpu.sync_copy(src_hbm.at[pl.ds(e0, _GC)], sidx)
        pltpu.sync_copy(dst_hbm.at[pl.ds(e0, _GC)], didx)
        pltpu.async_copy(u_hbm.at[sidx], ubuf, gsem)
        pltpu.async_copy(v_hbm.at[didx], vbuf, gsem)

    def finish(k, b, drain_wb):
        e0 = base + k * _GC
        sidx, didx, ubuf, vbuf, gsem = bufs[b]
        pltpu.make_async_copy(u_hbm.at[sidx], ubuf, gsem).wait()
        pltpu.make_async_copy(v_hbm.at[didx], vbuf, gsem).wait()
        r0 = 0
        for h in range(2):
            obuf, wsem = obufs[h]
            gh = _GH[h]

            @pl.when(drain_wb)
            def _():
                pltpu.make_async_copy(
                    obuf, m_hbm.at[pl.ds(e0, gh)], wsem).wait()

            def row(i, c2, r0=r0):
                for j in range(H // 16):
                    sl = pl.ds(j * 16, 16)
                    obuf[i, sl] = ubuf[r0 + i, sl] + vbuf[r0 + i, sl]
                return c2

            lax.fori_loop(0, gh, row, 0)
            pltpu.async_copy(obuf, m_hbm.at[pl.ds(e0 + r0, gh)], wsem)
            r0 += gh

    start(0, 0)

    def step(k, carry):
        b = lax.rem(k, 2)

        @pl.when(k + 1 < nch)
        def _():
            lax.switch(1 - b, [lambda: start(k + 1, 0),
                               lambda: start(k + 1, 1)])
        lax.switch(b, [lambda: finish(k, 0, k >= 1),
                       lambda: finish(k, 1, k >= 1)])
        return carry

    lax.fori_loop(0, nch, step, 0)
    for h in range(2):
        obuf, wsem = obufs[h]
        pltpu.make_async_copy(obuf, m_hbm.at[pl.ds(base, _GH[h])],
                              wsem).wait()


_sc_gather = pl.kernel(
    _sc_gather_body,
    out_type=jax.ShapeDtypeStruct((N_EDGES, H), jnp.float32),
    mesh=_mesh,
    compiler_params=_sc_params,
    scratch_types=[
        pltpu.VMEM((_GC,), jnp.int32),
        pltpu.VMEM((_GC,), jnp.int32),
        pltpu.VMEM((_GC, H), jnp.float32),
        pltpu.VMEM((_GC, H), jnp.float32),
        pltpu.VMEM((_GC,), jnp.int32),
        pltpu.VMEM((_GC,), jnp.int32),
        pltpu.VMEM((_GC, H), jnp.float32),
        pltpu.VMEM((_GC, H), jnp.float32),
        pltpu.VMEM((_GH[0], H), jnp.float32),
        pltpu.VMEM((_GH[1], H), jnp.float32),
        pltpu.SemaphoreType.DMA,
        pltpu.SemaphoreType.DMA,
        pltpu.SemaphoreType.DMA,
        pltpu.SemaphoreType.DMA,
    ],
)


def _sc_scatter_body(yt_hbm, dst_hbm, outt_hbm, acc, ybuf, dbuf, sbuf, sem):
    half = lax.axis_index("c")
    r0 = lax.axis_index("s") * _CW
    ebase = half * _EHALF
    neg = jnp.full((16,), -jnp.inf, jnp.float32)
    iota = lax.iota(jnp.int32, 16)
    mask8 = iota < _CW

    for c in range(_CW):
        def initrow(i, c2, c=c):
            acc[c, pl.ds(i * 16, 16)] = neg
            return c2
        lax.fori_loop(0, N_NODES // 16, initrow, 0)

    def chunk(k, carry):
        e0 = ebase + k * _SCH
        pltpu.sync_copy(dst_hbm.at[pl.ds(e0, _SCH)], dbuf)
        cp = pltpu.async_copy(yt_hbm.at[pl.ds(r0, _CW), pl.ds(e0, _SCH)],
                              ybuf, sem)
        cp.wait()

        def group(g, c2):
            off = g * 16
            d16 = dbuf[pl.ds(off, 16)]
            plsc.store_scatter(sbuf, [d16], iota)
            rb = plsc.load_gather(sbuf, [d16])
            anydup = jnp.any(rb != iota)

            def fast(_):
                for c in range(_CW):
                    yv = ybuf[c, pl.ds(off, 16)]
                    cvec = jnp.full((16,), c, jnp.int32)
                    av = plsc.load_gather(acc, [cvec, d16])
                    plsc.store_scatter(acc, [cvec, d16], jnp.maximum(av, yv))
                return 0

            def slow(_):
                iotac = jnp.where(mask8, iota, 0)

                def per_edge(j, c3):
                    col = jnp.full((16,), 1, jnp.int32) * (off + j)
                    dj = plsc.load_gather(dbuf, [col], mask=mask8)
                    dj = jnp.where(mask8, dj, 0)
                    yv = plsc.load_gather(ybuf, [iotac, col], mask=mask8)
                    av = plsc.load_gather(acc, [iotac, dj], mask=mask8)
                    plsc.store_scatter(acc, [iotac, dj], jnp.maximum(av, yv),
                                       mask=mask8)
                    return c3
                lax.fori_loop(0, 16, per_edge, 0)
                return 0

            lax.cond(anydup, slow, fast, 0)
            return c2

        lax.fori_loop(0, _NGR, group, 0)
        return carry

    lax.fori_loop(0, _NSCH, chunk, 0)

    pltpu.sync_copy(acc, outt_hbm.at[half, pl.ds(r0, _CW), :])


_sc_scatter = pl.kernel(
    _sc_scatter_body,
    out_type=jax.ShapeDtypeStruct((_SC_NC, H, N_NODES), jnp.float32),
    mesh=_mesh,
    compiler_params=_sc_params,
    scratch_types=[
        pltpu.VMEM((_CW, N_NODES), jnp.float32),
        pltpu.VMEM((_CW, _SCH), jnp.float32),
        pltpu.VMEM((_SCH,), jnp.int32),
        pltpu.VMEM((N_NODES,), jnp.int32),
        pltpu.SemaphoreType.DMA,
    ],
)




def kernel(path, obstacles, edge_index, loop, params):
    f32 = jnp.float32
    grid_n = N_NODES // NB

    path_p = jnp.pad(path, ((0, 0), (0, 1)))
    obst_p = jnp.pad(obstacles, ((0, 0), (0, 2)))
    wnc = jnp.pad(params['node_code']['W'], ((0, 0), (0, 1)))
    bnc = params['node_code']['b'].reshape(1, EMBED)
    nfw1 = jnp.pad(params['nfc']['W1'], ((0, 0), (0, 1)))
    nfb1 = params['nfc']['b1'].reshape(1, EMBED)
    nfw2 = params['nfc']['W2']
    nfb2 = params['nfc']['b2'].reshape(1, EMBED)
    onw1 = jnp.pad(params['onc']['W1'], ((0, 0), (0, 2)))
    onb1 = params['onc']['b1'].reshape(1, EMBED)
    onw2 = params['onc']['W2']
    onb2 = params['onc']['b2'].reshape(1, EMBED)

    blocks = params['blocks']
    attw = jnp.stack([jnp.stack([bp['attn']['Wq'], bp['attn']['Wk'],
                                 bp['attn']['Wv']]) for bp in blocks])
    attln = jnp.stack([jnp.stack([bp['attn']['ln_g'], bp['attn']['ln_b']])
                       for bp in blocks])

    def ffpack(key):
        w = jnp.stack([jnp.stack([bp[key]['W1'], bp[key]['W2']])
                       for bp in blocks])
        b = jnp.stack([jnp.stack([bp[key]['b1'], bp[key]['b2']])
                       for bp in blocks])
        g = jnp.stack([jnp.stack([bp[key]['ln_g'], bp[key]['ln_b']])
                       for bp in blocks])
        return w, b, g

    mfw, mfb, mfln = ffpack('map_ff')
    ofw, ofb, ofln = ffpack('obs_ff')

    we = params['encoder']['W']
    wea1, wea2, web = we[:, :EMBED], we[:, EMBED:H], we[:, H:]
    be = params['encoder']['b'].reshape(1, H)

    w1 = params['mpnn']['lin0_W1']
    wsrc = w1[:, :H] + w1[:, H:2 * H]
    wdst = w1[:, 2 * H:] - w1[:, :H]
    b1 = params['mpnn']['lin0_b1'].reshape(1, H)
    w2 = params['mpnn']['lin0_W2']
    b2c = params['mpnn']['lin0_b2'].reshape(H, 1)
    l1 = params['mpnn']['lin1_W']
    l1a, l1b = l1[:, :H], l1[:, H:]
    lb = params['mpnn']['lin1_b'].reshape(1, H)
    dw = params['decoder']['W']
    da, dbm = dw[:, :EMBED], dw[:, EMBED:]
    db = params['decoder']['b'].reshape(1, EMBED)
    sw = jnp.pad(params['smooth']['W'], ((0, 1), (0, 0)))
    sb = jnp.pad(params['smooth']['b'], (0, 1)).reshape(1, 8)

    src = edge_index[0]
    dst = edge_index[1]

    nc, nf, p0 = pl.pallas_call(
        _prelude_body,
        grid=(grid_n,),
        in_specs=[
            _rows((NB, 8)), _full((N_OBST, 8)),
            _full(wnc.shape), _full(bnc.shape),
            _full(nfw1.shape), _full(nfb1.shape),
            _full(nfw2.shape), _full(nfb2.shape),
            _full(onw1.shape), _full(onb1.shape),
            _full(onw2.shape), _full(onb2.shape),
            _full(attw.shape), _full(attln.shape),
            _full(mfw.shape), _full(mfb.shape), _full(mfln.shape),
            _full(ofw.shape), _full(ofb.shape), _full(ofln.shape),
            _full(wea1.shape), _full(wea2.shape), _full(be.shape),
        ],
        out_specs=[_rows((NB, EMBED)), _rows((NB, EMBED)), _rows((NB, H))],
        out_shape=[jax.ShapeDtypeStruct((N_NODES, EMBED), f32),
                   jax.ShapeDtypeStruct((N_NODES, EMBED), f32),
                   jax.ShapeDtypeStruct((N_NODES, H), f32)],
    )(path_p, obst_p, wnc, bnc, nfw1, nfb1, nfw2, nfb2,
      onw1, onb1, onw2, onb2, attw, attln, mfw, mfb, mfln,
      ofw, ofb, ofln, wea1, wea2, be)

    h0 = jnp.concatenate([nc, nf], axis=1)

    k1 = pl.pallas_call(
        _k1_body,
        grid=(grid_n,),
        in_specs=[_rows((NB, H)), _rows((NB, H)), _full((H, H)),
                  _full((H, H)), _full((1, H)), _full((H, H))],
        out_specs=[_rows((NB, H))] * 3,
        out_shape=[jax.ShapeDtypeStruct((N_NODES, H), f32)] * 3,
    )

    k2 = pl.pallas_call(
        _k2_body,
        grid=(N_EDGES // EB,),
        in_specs=[_rows((EB, H)), _full((H, H)), _full((H, 1))],
        out_specs=[pl.BlockSpec((H, EB), lambda j: (0, j))],
        out_shape=[jax.ShapeDtypeStruct((H, N_EDGES), f32)],
    )

    k3 = pl.pallas_call(
        _k3_body,
        grid=(1,),
        in_specs=[_full((N_NODES, H)), _full((_SC_NC, H, N_NODES)),
                  _full((N_NODES, EMBED)), _full((H, H)), _full((H, H)),
                  _full((1, H)), _full((EMBED, EMBED)), _full((EMBED, H)),
                  _full((1, EMBED))],
        out_specs=[_full((N_NODES, H)), _full((N_NODES, EMBED))],
        out_shape=[jax.ShapeDtypeStruct((N_NODES, H), f32),
                   jax.ShapeDtypeStruct((N_NODES, EMBED), f32)],
    )

    def body(_, carry):
        hi, dec = carry
        enc, u, v = k1(p0, hi, web, wsrc, b1, wdst)
        m = _sc_gather(u, v, src, dst)
        yt, = k2(m, w2, b2c)
        outt = _sc_scatter(yt, dst)
        hi2, dec2 = k3(enc, outt, nc, l1a, l1b, lb, da, dbm, db)
        return hi2, dec2

    hi, dec = lax.fori_loop(0, loop, body,
                            (h0, jnp.zeros((N_NODES, EMBED), f32)))

    res8, = pl.pallas_call(
        _k4_body,
        grid=(grid_n,),
        in_specs=[_rows((NB, EMBED)), _full((8, EMBED)), _full((1, 8))],
        out_specs=[_rows((NB, 8))],
        out_shape=[jax.ShapeDtypeStruct((N_NODES, 8), f32)],
    )(dec, sw, sb)
    return res8[:, :CFG]

# --- scband reference (transcript-rebuilt; emitter-appended) ---
"""Pipeline reference for scband-model-smoother-13348758356093 (READ-ONLY COPY).

The authoritative reference and input builder live on the scoring server;
editing this copy changes nothing except your own understanding.
"""

import jax, jax.numpy as jnp
import numpy as np

EMBED = 64
CFG = 7
OBS = 6
N_NODES = 10000
N_OBST = 32
N_EDGES = 160000


def _lin(x, W, b=None):
    y = x @ W.T
    if b is not None:
        y = y + b
    return y


def _ln(x, g, b):
    mu = jnp.mean(x, axis=-1, keepdims=True)
    var = jnp.mean((x - mu) ** 2, axis=-1, keepdims=True)
    return (x - mu) / jnp.sqrt(var + 1e-6) * g + b


def _ff(x, p):
    h = jax.nn.relu(_lin(x, p['W1'], p['b1']))
    h = _lin(h, p['W2'], p['b2'])
    return _ln(x + h, p['ln_g'], p['ln_b'])


def _attn(mc, oc, p, temp):
    mv = _lin(mc, p['Wv'])
    ov = _lin(oc, p['Wv'])
    mq = _lin(mc, p['Wq'])
    mk = _lin(mc, p['Wk'])
    ok = _lin(oc, p['Wk'])
    obs_att = mq @ ok.T
    self_att = jnp.sum(mq * mk, axis=-1)
    whole = jnp.concatenate([self_att[:, None], obs_att], axis=-1)
    whole = jax.nn.softmax(whole / temp, axis=-1)
    vals = jnp.concatenate([mv[:, None, :], jnp.broadcast_to(ov[None, :, :], (mc.shape[0], ov.shape[0], ov.shape[1]))], axis=1)
    new = jnp.sum(whole[..., None] * vals, axis=1)
    return _ln(new + mc, p['ln_g'], p['ln_b'])


def _block(mc, oc, p, temp):
    mc = _attn(mc, oc, p['attn'], temp)
    mc = _ff(mc, p['map_ff'])
    oc = _ff(oc, p['obs_ff'])
    return mc, oc


def _mpnn(x, edge_index, p):
    src = edge_index[0]
    dst = edge_index[1]
    x_j = x[src]
    x_i = x[dst]
    z = jnp.concatenate([x_j - x_i, x_j, x_i], axis=-1)
    m = jax.nn.relu(_lin(z, p['lin0_W1'], p['lin0_b1']))
    m = _lin(m, p['lin0_W2'], p['lin0_b2'])
    out = jax.ops.segment_max(m, dst, num_segments=x.shape[0])
    out = jnp.where(jnp.isneginf(out), 0.0, out)
    return _lin(jnp.concatenate([x, out], axis=-1), p['lin1_W'], p['lin1_b'])


def _forward(path, obstacles, params, edge_index, loop):
    temp = float(EMBED) ** 0.5
    nc = _lin(path, params['node_code']['W'], params['node_code']['b'])
    nf = _lin(jax.nn.relu(_lin(path, params['nfc']['W1'], params['nfc']['b1'])), params['nfc']['W2'], params['nfc']['b2'])
    oc = obstacles.reshape(-1, OBS)
    oc = _lin(jax.nn.relu(_lin(oc, params['onc']['W1'], params['onc']['b1'])), params['onc']['W2'], params['onc']['b2'])
    for bp in params['blocks']:
        nf, oc = _block(nf, oc, bp, temp)
    h0 = jnp.concatenate([nc, nf], axis=-1)

    def _body(_, carry):
        hi, dec = carry
        enc = _lin(jnp.concatenate([h0, hi], axis=-1), params['encoder']['W'], params['encoder']['b'])
        hi = _mpnn(enc, edge_index, params['mpnn'])
        dec = _lin(jnp.concatenate([nc, hi], axis=-1), params['decoder']['W'], params['decoder']['b'])
        return hi, dec

    hi, dec = jax.lax.fori_loop(0, loop, _body, (h0, jnp.zeros_like(nc)))
    return _lin(dec, params['smooth']['W'], params['smooth']['b'])


def setup_inputs(seed: int = 0):
    key = jax.random.key(seed)
    ks = iter(jax.random.split(key, 64))

    def nrm(shape):
        return jax.random.normal(next(ks), shape, dtype=jnp.float32) * 0.05

    def ffp(d):
        return {'W1': nrm((d, d)), 'b1': jnp.zeros((d,), jnp.float32), 'W2': nrm((d, d)), 'b2': jnp.zeros((d,), jnp.float32), 'ln_g': jnp.ones((d,), jnp.float32), 'ln_b': jnp.zeros((d,), jnp.float32)}

    e = EMBED
    params = {
        'node_code': {'W': nrm((e, CFG)), 'b': jnp.zeros((e,), jnp.float32)},
        'nfc': {'W1': nrm((e, CFG)), 'b1': jnp.zeros((e,), jnp.float32), 'W2': nrm((e, e)), 'b2': jnp.zeros((e,), jnp.float32)},
        'onc': {'W1': nrm((e, OBS)), 'b1': jnp.zeros((e,), jnp.float32), 'W2': nrm((e, e)), 'b2': jnp.zeros((e,), jnp.float32)},
        'blocks': [{'attn': {'Wk': nrm((e, e)), 'Wq': nrm((e, e)), 'Wv': nrm((e, e)), 'ln_g': jnp.ones((e,), jnp.float32), 'ln_b': jnp.zeros((e,), jnp.float32)}, 'map_ff': ffp(e), 'obs_ff': ffp(e)} for _ in range(3)],
        'encoder': {'W': nrm((2 * e, 4 * e)), 'b': jnp.zeros((2 * e,), jnp.float32)},
        'mpnn': {'lin0_W1': nrm((2 * e, 6 * e)), 'lin0_b1': jnp.zeros((2 * e,), jnp.float32), 'lin0_W2': nrm((2 * e, 2 * e)), 'lin0_b2': jnp.zeros((2 * e,), jnp.float32), 'lin1_W': nrm((2 * e, 4 * e)), 'lin1_b': jnp.zeros((2 * e,), jnp.float32)},
        'decoder': {'W': nrm((e, 3 * e)), 'b': jnp.zeros((e,), jnp.float32)},
        'smooth': {'W': nrm((CFG, e)), 'b': jnp.zeros((CFG,), jnp.float32)},
    }
    path = jax.random.normal(next(ks), (N_NODES, CFG), dtype=jnp.float32)
    obstacles = jax.random.normal(next(ks), (N_OBST, OBS), dtype=jnp.float32)
    edge_index = jax.random.randint(next(ks), (2, N_EDGES), 0, N_NODES, dtype=jnp.int32)
    return {'path': path, 'obstacles': obstacles, 'edge_index': edge_index, 'loop': 3, 'params': params}


def reference(path, obstacles, edge_index, loop, params):
    return _forward(path, obstacles, params, edge_index, loop)

if __name__ == "__main__":
    import jax
    _d = setup_inputs()
    print(jax.jit(kernel)(*tuple(_d.values())))

</pallas_src>

<mosaic_0001>
#map = affine_map<(d0, d1) -> (0, 0)>
#map1 = affine_map<(d0, d1) -> (0)>
#map2 = affine_map<(d0, d1) -> (0, 0, 0)>
module attributes {stable_mosaic.version = 14 : i64} {
  func.func @_sc_scatter_body(%arg0: i32, %arg1: i32, %arg2: memref<128x160000xf32, #tpu.memory_space<hbm>>, %arg3: memref<160000xi32, #tpu.memory_space<hbm>>, %arg4: memref<2x128x10000xf32, #tpu.memory_space<hbm>>, %arg5: memref<8x10000xf32, #tpu.memory_space<vmem>>, %arg6: memref<8x3200xf32, #tpu.memory_space<vmem>>, %arg7: memref<3200xi32, #tpu.memory_space<vmem>>, %arg8: memref<10000xi32, #tpu.memory_space<vmem>>, %arg9: memref<!tpu.dma_semaphore, #tpu.memory_space<semaphore_mem>>) attributes {dimension_semantics = [#tpu.dimension_semantics<core_parallel>, #tpu.dimension_semantics<subcore_parallel>], iteration_bounds = array<i64: 2, 16>, scalar_prefetch = 0 : i64, scratch_operands = 5 : i64, tpu.core_type = #tpu.core_type<sc_vector_subcore>, window_params = [{transform_indices = #map}, {transform_indices = #map1}, {transform_indices = #map2}]} {
    %mul3A = arith.constant 8 : i32
    %mul3A_0 = arith.muli %arg1, %mul3A : i32
    %mul3A_1 = arith.constant 80000 : i32
    %mul3A_2 = arith.muli %arg0, %mul3A_1 : i32
    %broadcast_in_dim3A = arith.constant 0xFF800000 : f32
    %broadcast_in_dim3A_3 = vector.broadcast %broadcast_in_dim3A : f32 to vector<16xf32>
    %iota3A = tpu.iota {dimensions = array<i32: 0>} : vector<16xi32>
    %lt3A = arith.constant 8 : i32
    %lt3A_4 = vector.broadcast %lt3A : i32 to vector<16xi32>
    %lt3A_5 = arith.cmpi slt, %iota3A, %lt3A_4 : vector<16xi32>
    %scan3A = arith.constant 0 : i32
    %scan3A_6 = arith.constant 0 : i32
    %scan3A_7 = arith.constant 625 : i32
    %scan3A_8 = arith.addi %scan3A_6, %scan3A_7 : i32
    %scan3A_9 = arith.constant 1 : i32
    scf.for %scan3A_59 = %scan3A_6 to %scan3A_8 step %scan3A_9  : i32 {
      %mul3A_60 = arith.constant 16 : i32
      %mul3A_61 = arith.muli %scan3A_59, %mul3A_60 : i32
      %swap3A = arith.constant 0 : i32
      %swap3A_62 = arith.index_cast %swap3A : i32 to index
      %swap3A_63 = arith.index_cast %mul3A_61 : i32 to index
      %swap3A_64 = tpu.vector_load %arg5[%swap3A_62, %swap3A_63] {strides = array<i32>} : memref<8x10000xf32, #tpu.memory_space<vmem>>, vector<16xf32>,
      tpu.vector_store %arg5[%swap3A_62, %swap3A_63], %broadcast_in_dim3A_3 {strides = array<i32>} : memref<8x10000xf32, #tpu.memory_space<vmem>>, vector<16xf32>,
    }
    %scan3A_10 = arith.constant 625 : i32
    %scan3A_11 = arith.constant 0 : i32
    %scan3A_12 = arith.constant 0 : i32
    %scan3A_13 = arith.constant 625 : i32
    %scan3A_14 = arith.addi %scan3A_12, %scan3A_13 : i32
    %scan3A_15 = arith.constant 1 : i32
    scf.for %scan3A_59 = %scan3A_12 to %scan3A_14 step %scan3A_15  : i32 {
      %mul3A_60 = arith.constant 16 : i32
      %mul3A_61 = arith.muli %scan3A_59, %mul3A_60 : i32
      %swap3A = arith.constant 1 : i32
      %swap3A_62 = arith.index_cast %swap3A : i32 to index
      %swap3A_63 = arith.index_cast %mul3A_61 : i32 to index
      %swap3A_64 = tpu.vector_load %arg5[%swap3A_62, %swap3A_63] {strides = array<i32>} : memref<8x10000xf32, #tpu.memory_space<vmem>>, vector<16xf32>,
      tpu.vector_store %arg5[%swap3A_62, %swap3A_63], %broadcast_in_dim3A_3 {strides = array<i32>} : memref<8x10000xf32, #tpu.memory_space<vmem>>, vector<16xf32>,
    }
    %scan3A_16 = arith.constant 625 : i32
    %scan3A_17 = arith.constant 0 : i32
    %scan3A_18 = arith.constant 0 : i32
    %scan3A_19 = arith.constant 625 : i32
    %scan3A_20 = arith.addi %scan3A_18, %scan3A_19 : i32
    %scan3A_21 = arith.constant 1 : i32
    scf.for %scan3A_59 = %scan3A_18 to %scan3A_20 step %scan3A_21  : i32 {
      %mul3A_60 = arith.constant 16 : i32
      %mul3A_61 = arith.muli %scan3A_59, %mul3A_60 : i32
      %swap3A = arith.constant 2 : i32
      %swap3A_62 = arith.index_cast %swap3A : i32 to index
      %swap3A_63 = arith.index_cast %mul3A_61 : i32 to index
      %swap3A_64 = tpu.vector_load %arg5[%swap3A_62, %swap3A_63] {strides = array<i32>} : memref<8x10000xf32, #tpu.memory_space<vmem>>, vector<16xf32>,
      tpu.vector_store %arg5[%swap3A_62, %swap3A_63], %broadcast_in_dim3A_3 {strides = array<i32>} : memref<8x10000xf32, #tpu.memory_space<vmem>>, vector<16xf32>,
    }
    %scan3A_22 = arith.constant 625 : i32
    %scan3A_23 = arith.constant 0 : i32
    %scan3A_24 = arith.constant 0 : i32
    %scan3A_25 = arith.constant 625 : i32
    %scan3A_26 = arith.addi %scan3A_24, %scan3A_25 : i32
    %scan3A_27 = arith.constant 1 : i32
    scf.for %scan3A_59 = %scan3A_24 to %scan3A_26 step %scan3A_27  : i32 {
      %mul3A_60 = arith.constant 16 : i32
      %mul3A_61 = arith.muli %scan3A_59, %mul3A_60 : i32
      %swap3A = arith.constant 3 : i32
      %swap3A_62 = arith.index_cast %swap3A : i32 to index
      %swap3A_63 = arith.index_cast %mul3A_61 : i32 to index
      %swap3A_64 = tpu.vector_load %arg5[%swap3A_62, %swap3A_63] {strides = array<i32>} : memref<8x10000xf32, #tpu.memory_space<vmem>>, vector<16xf32>,
      tpu.vector_store %arg5[%swap3A_62, %swap3A_63], %broadcast_in_dim3A_3 {strides = array<i32>} : memref<8x10000xf32, #tpu.memory_space<vmem>>, vector<16xf32>,
    }
    %scan3A_28 = arith.constant 625 : i32
    %scan3A_29 = arith.constant 0 : i32
    %scan3A_30 = arith.constant 0 : i32
    %scan3A_31 = arith.constant 625 : i32
    %scan3A_32 = arith.addi %scan3A_30, %scan3A_31 : i32
    %scan3A_33 = arith.constant 1 : i32
    scf.for %scan3A_59 = %scan3A_30 to %scan3A_32 step %scan3A_33  : i32 {
      %mul3A_60 = arith.constant 16 : i32
      %mul3A_61 = arith.muli %scan3A_59, %mul3A_60 : i32
      %swap3A = arith.constant 4 : i32
      %swap3A_62 = arith.index_cast %swap3A : i32 to index
      %swap3A_63 = arith.index_cast %mul3A_61 : i32 to index
      %swap3A_64 = tpu.vector_load %arg5[%swap3A_62, %swap3A_63] {strides = array<i32>} : memref<8x10000xf32, #tpu.memory_space<vmem>>, vector<16xf32>,
      tpu.vector_store %arg5[%swap3A_62, %swap3A_63], %broadcast_in_dim3A_3 {strides = array<i32>} : memref<8x10000xf32, #tpu.memory_space<vmem>>, vector<16xf32>,
    }
    %scan3A_34 = arith.constant 625 : i32
    %scan3A_35 = arith.constant 0 : i32
    %scan3A_36 = arith.constant 0 : i32
    %scan3A_37 = arith.constant 625 : i32
    %scan3A_38 = arith.addi %scan3A_36, %scan3A_37 : i32
    %scan3A_39 = arith.constant 1 : i32
    scf.for %scan3A_59 = %scan3A_36 to %scan3A_38 step %scan3A_39  : i32 {
      %mul3A_60 = arith.constant 16 : i32
      %mul3A_61 = arith.muli %scan3A_59, %mul3A_60 : i32
      %swap3A = arith.constant 5 : i32
      %swap3A_62 = arith.index_cast %swap3A : i32 to index
      %swap3A_63 = arith.index_cast %mul3A_61 : i32 to index
      %swap3A_64 = tpu.vector_load %arg5[%swap3A_62, %swap3A_63] {strides = array<i32>} : memref<8x10000xf32, #tpu.memory_space<vmem>>, vector<16xf32>,
      tpu.vector_store %arg5[%swap3A_62, %swap3A_63], %broadcast_in_dim3A_3 {strides = array<i32>} : memref<8x10000xf32, #tpu.memory_space<vmem>>, vector<16xf32>,
    }
    %scan3A_40 = arith.constant 625 : i32
    %scan3A_41 = arith.constant 0 : i32
    %scan3A_42 = arith.constant 0 : i32
    %scan3A_43 = arith.constant 625 : i32
    %scan3A_44 = arith.addi %scan3A_42, %scan3A_43 : i32
    %scan3A_45 = arith.constant 1 : i32
    scf.for %scan3A_59 = %scan3A_42 to %scan3A_44 step %scan3A_45  : i32 {
      %mul3A_60 = arith.constant 16 : i32
      %mul3A_61 = arith.muli %scan3A_59, %mul3A_60 : i32
      %swap3A = arith.constant 6 : i32
      %swap3A_62 = arith.index_cast %swap3A : i32 to index
      %swap3A_63 = arith.index_cast %mul3A_61 : i32 to index
      %swap3A_64 = tpu.vector_load %arg5[%swap3A_62, %swap3A_63] {strides = array<i32>} : memref<8x10000xf32, #tpu.memory_space<vmem>>, vector<16xf32>,
      tpu.vector_store %arg5[%swap3A_62, %swap3A_63], %broadcast_in_dim3A_3 {strides = array<i32>} : memref<8x10000xf32, #tpu.memory_space<vmem>>, vector<16xf32>,
    }
    %scan3A_46 = arith.constant 625 : i32
    %scan3A_47 = arith.constant 0 : i32
    %scan3A_48 = arith.constant 0 : i32
    %scan3A_49 = arith.constant 625 : i32
    %scan3A_50 = arith.addi %scan3A_48, %scan3A_49 : i32
    %scan3A_51 = arith.constant 1 : i32
    scf.for %scan3A_59 = %scan3A_48 to %scan3A_50 step %scan3A_51  : i32 {
      %mul3A_60 = arith.constant 16 : i32
      %mul3A_61 = arith.muli %scan3A_59, %mul3A_60 : i32
      %swap3A = arith.constant 7 : i32
      %swap3A_62 = arith.index_cast %swap3A : i32 to index
      %swap3A_63 = arith.index_cast %mul3A_61 : i32 to index
      %swap3A_64 = tpu.vector_load %arg5[%swap3A_62, %swap3A_63] {strides = array<i32>} : memref<8x10000xf32, #tpu.memory_space<vmem>>, vector<16xf32>,
      tpu.vector_store %arg5[%swap3A_62, %swap3A_63], %broadcast_in_dim3A_3 {strides = array<i32>} : memref<8x10000xf32, #tpu.memory_space<vmem>>, vector<16xf32>,
    }
    %scan3A_52 = arith.constant 625 : i32
    %scan3A_53 = arith.constant 0 : i32
    %scan3A_54 = arith.constant 0 : i32
    %scan3A_55 = arith.constant 25 : i32
    %scan3A_56 = arith.addi %scan3A_54, %scan3A_55 : i32
    %scan3A_57 = arith.constant 1 : i32
    scf.for %scan3A_59 = %scan3A_54 to %scan3A_56 step %scan3A_57  : i32 {
      %mul3A_60 = arith.constant 3200 : i32
      %mul3A_61 = arith.muli %scan3A_59, %mul3A_60 : i32
      %add3A = arith.addi %mul3A_2, %mul3A_61 : i32
      "tpu.region"() ({
        %run_scoped3A = tpu.sem_alloc : memref<!tpu.dma_semaphore, #tpu.memory_space<semaphore_mem>>
        %dma_start3A_70 = tpu.memref_slice %arg3[%add3A] : memref<160000xi32, #tpu.memory_space<hbm>> -> memref<3200xi32, #tpu.memory_space<hbm>>
        %dma_start3A_71 = tpu.memref_slice %arg3[%add3A] : memref<160000xi32, #tpu.memory_space<hbm>> -> memref<3200xi32, #tpu.memory_space<hbm>>
        tpu.enqueue_dma source(%dma_start3A_71 : memref<3200xi32, #tpu.memory_space<hbm>>) target(%arg7 : memref<3200xi32, #tpu.memory_space<vmem>>) target_semaphore(%run_scoped3A : memref<!tpu.dma_semaphore, #tpu.memory_space<semaphore_mem>>)
        %dma_wait3A_72 = tpu.memref_slice %arg3[%add3A] : memref<160000xi32, #tpu.memory_space<hbm>> -> memref<3200xi32, #tpu.memory_space<hbm>>
        %dma_wait3A_73 = tpu.memref_slice %arg3[%add3A] : memref<160000xi32, #tpu.memory_space<hbm>> -> memref<3200xi32, #tpu.memory_space<hbm>>
        tpu.wait_dma2 semaphore(%run_scoped3A : memref<!tpu.dma_semaphore, #tpu.memory_space<semaphore_mem>>) src(%dma_wait3A_73 : memref<3200xi32, #tpu.memory_space<hbm>>) dst(%arg7 : memref<3200xi32, #tpu.memory_space<vmem>>)
        tpu.yield
      }) : () -> ()
      %dma_start3A = tpu.memref_slice %arg2[%mul3A_0, %add3A] : memref<128x160000xf32, #tpu.memory_space<hbm>> -> memref<8x3200xf32, #tpu.memory_space<hbm>>
      %dma_start3A_62 = tpu.memref_slice %arg2[%mul3A_0, %add3A] : memref<128x160000xf32, #tpu.memory_space<hbm>> -> memref<8x3200xf32, #tpu.memory_space<hbm>>
      tpu.enqueue_dma source(%dma_start3A_62 : memref<8x3200xf32, #tpu.memory_space<hbm>>) target(%arg6 : memref<8x3200xf32, #tpu.memory_space<vmem>>) target_semaphore(%arg9 : memref<!tpu.dma_semaphore, #tpu.memory_space<semaphore_mem>>)
      %dma_wait3A = tpu.memref_slice %arg2[%mul3A_0, %add3A] : memref<128x160000xf32, #tpu.memory_space<hbm>> -> memref<8x3200xf32, #tpu.memory_space<hbm>>
      %dma_wait3A_63 = tpu.memref_slice %arg2[%mul3A_0, %add3A] : memref<128x160000xf32, #tpu.memory_space<hbm>> -> memref<8x3200xf32, #tpu.memory_space<hbm>>
      tpu.wait_dma2 semaphore(%arg9 : memref<!tpu.dma_semaphore, #tpu.memory_space<semaphore_mem>>) src(%dma_wait3A_63 : memref<8x3200xf32, #tpu.memory_space<hbm>>) dst(%arg6 : memref<8x3200xf32, #tpu.memory_space<vmem>>)
      %scan3A_64 = arith.constant 0 : i32
      %scan3A_65 = arith.constant 0 : i32
      %scan3A_66 = arith.constant 200 : i32
      %scan3A_67 = arith.addi %scan3A_65, %scan3A_66 : i32
      %scan3A_68 = arith.constant 1 : i32
      scf.for %scan3A_70 = %scan3A_65 to %scan3A_67 step %scan3A_68  : i32 {
        %mul3A_71 = arith.constant 16 : i32
        %mul3A_72 = arith.muli %scan3A_70, %mul3A_71 : i32
        %get3A = arith.index_cast %mul3A_72 : i32 to index
        %get3A_73 = tpu.vector_load %arg7[%get3A] {strides = array<i32>} : memref<3200xi32, #tpu.memory_space<vmem>>, vector<16xi32>,
        tpu.vector_store_idx %arg8[%get3A_73], %iota3A : memref<10000xi32, #tpu.memory_space<vmem>>[vector<16xi32>], vector<16xi32>,
        %gather3A = tpu.vector_load_idx %arg8[%get3A_73] : memref<10000xi32, #tpu.memory_space<vmem>>[vector<16xi32>], vector<16xi32>,
        %ne3A = arith.cmpi ne, %gather3A, %iota3A : vector<16xi32>
        %reduce_or3A = arith.constant 1.000000e+00 : f32
        %reduce_or3A_74 = arith.constant 0.000000e+00 : f32
        %reduce_or3A_75 = vector.broadcast %reduce_or3A : f32 to vector<16xf32>
        %reduce_or3A_76 = vector.broadcast %reduce_or3A_74 : f32 to vector<16xf32>
        %reduce_or3A_77 = arith.select %ne3A, %reduce_or3A_75, %reduce_or3A_76 : vector<16xi1>, vector<16xf32>
        %reduce_or3A_78 = arith.constant true
        %reduce_or3A_79 = vector.broadcast %reduce_or3A_78 : i1 to vector<16xi1>
        %reduce_or3A_80 = tpu.scan <max>, %reduce_or3A_77 masked %reduce_or3A_79 : vector<16xf32>, vector<16xi1> -> vector<16xf32>
        %reduce_or3A_81 = vector.extract %reduce_or3A_80[15] : f32 from vector<16xf32>
        %reduce_or3A_82 = arith.constant 0.000000e+00 : f32
        %reduce_or3A_83 = arith.cmpf ogt, %reduce_or3A_81, %reduce_or3A_82 : f32
        %convert_element_type3A = arith.extui %reduce_or3A_83 : i1 to i32
        %cond3A = arith.constant 0 : i32
        %cond3A_84 = arith.constant 0 : i32
        %cond3A_85 = arith.cmpi ne, %convert_element_type3A, %cond3A_84 : i32
        %cond3A_86 = scf.if %cond3A_85 -> (i32) {
          %jit3A = arith.constant 0 : i32
          %broadcast_in_dim3A_87 = vector.broadcast %jit3A : i32 to vector<16xi32>
          %select_n3A = arith.select %lt3A_5, %iota3A, %broadcast_in_dim3A_87 : vector<16xi1>, vector<16xi32>
          %scan3A_88 = arith.constant 0 : i32
          %scan3A_89 = arith.constant 0 : i32
          %scan3A_90 = arith.constant 16 : i32
          %scan3A_91 = arith.addi %scan3A_89, %scan3A_90 : i32
          %scan3A_92 = arith.constant 1 : i32
          scf.for %scan3A_95 = %scan3A_89 to %scan3A_91 step %scan3A_92  : i32 {
            %broadcast_in_dim3A_96 = arith.constant 1 : i32
            %broadcast_in_dim3A_97 = vector.broadcast %broadcast_in_dim3A_96 : i32 to vector<16xi32>
            %add3A_98 = arith.addi %mul3A_72, %scan3A_95 : i32
            %mul3A_99 = vector.broadcast %add3A_98 : i32 to vector<16xi32>
            %mul3A_100 = arith.muli %broadcast_in_dim3A_97, %mul3A_99 : vector<16xi32>
            %gather3A_101 = tpu.vector_load_idx %arg7[%mul3A_100] masked %lt3A_5 : memref<3200xi32, #tpu.memory_space<vmem>>[vector<16xi32>], vector<16xi32>, vector<16xi1>
            %jit3A_102 = arith.constant 0 : i32
            %broadcast_in_dim3A_103 = vector.broadcast %jit3A_102 : i32 to vector<16xi32>
            %select_n3A_104 = arith.select %lt3A_5, %gather3A_101, %broadcast_in_dim3A_103 : vector<16xi1>, vector<16xi32>
            %gather3A_105 = tpu.vector_load_idx %arg6[%select_n3A, %mul3A_100] masked %lt3A_5 : memref<8x3200xf32, #tpu.memory_space<vmem>>[vector<16xi32>, vector<16xi32>], vector<16xf32>, vector<16xi1>
            %gather3A_106 = tpu.vector_load_idx %arg5[%select_n3A, %select_n3A_104] masked %lt3A_5 : memref<8x10000xf32, #tpu.memory_space<vmem>>[vector<16xi32>, vector<16xi32>], vector<16xf32>, vector<16xi1>
            %max3A = arith.maximumf %gather3A_106, %gather3A_105 : vector<16xf32>
            tpu.vector_store_idx %arg5[%select_n3A, %select_n3A_104], %max3A masked %lt3A_5 : memref<8x10000xf32, #tpu.memory_space<vmem>>[vector<16xi32>, vector<16xi32>], vector<16xf32>, vector<16xi1>
          }
          %scan3A_93 = arith.constant 16 : i32
          %cond3A_94 = arith.constant 0 : i32
          scf.yield %cond3A_94 : i32
        } else {
          %get3A_87 = arith.constant 0 : i32
          %get3A_88 = arith.index_cast %get3A_87 : i32 to index
          %get3A_89 = arith.index_cast %mul3A_72 : i32 to index
          %get3A_90 = tpu.vector_load %arg6[%get3A_88, %get3A_89] {strides = array<i32>} : memref<8x3200xf32, #tpu.memory_space<vmem>>, vector<16xf32>,
          %broadcast_in_dim3A_91 = arith.constant 0 : i32
          %broadcast_in_dim3A_92 = vector.broadcast %broadcast_in_dim3A_91 : i32 to vector<16xi32>
          %gather3A_93 = tpu.vector_load_idx %arg5[%broadcast_in_dim3A_92, %get3A_73] : memref<8x10000xf32, #tpu.memory_space<vmem>>[vector<16xi32>, vector<16xi32>], vector<16xf32>,
          %max3A = arith.maximumf %gather3A_93, %get3A_90 : vector<16xf32>
          tpu.vector_store_idx %arg5[%broadcast_in_dim3A_92, %get3A_73], %max3A : memref<8x10000xf32, #tpu.memory_space<vmem>>[vector<16xi32>, vector<16xi32>], vector<16xf32>,
          %get3A_94 = arith.constant 1 : i32
          %get3A_95 = arith.index_cast %get3A_94 : i32 to index
          %get3A_96 = arith.index_cast %mul3A_72 : i32 to index
          %get3A_97 = tpu.vector_load %arg6[%get3A_95, %get3A_96] {strides = array<i32>} : memref<8x3200xf32, #tpu.memory_space<vmem>>, vector<16xf32>,
          %broadcast_in_dim3A_98 = arith.constant 1 : i32
          %broadcast_in_dim3A_99 = vector.broadcast %broadcast_in_dim3A_98 : i32 to vector<16xi32>
          %gather3A_100 = tpu.vector_load_idx %arg5[%broadcast_in_dim3A_99, %get3A_73] : memref<8x10000xf32, #tpu.memory_space<vmem>>[vector<16xi32>, vector<16xi32>], vector<16xf32>,
          %max3A_101 = arith.maximumf %gather3A_100, %get3A_97 : vector<16xf32>
          tpu.vector_store_idx %arg5[%broadcast_in_dim3A_99, %get3A_73], %max3A_101 : memref<8x10000xf32, #tpu.memory_space<vmem>>[vector<16xi32>, vector<16xi32>], vector<16xf32>,
          %get3A_102 = arith.constant 2 : i32
          %get3A_103 = arith.index_cast %get3A_102 : i32 to index
          %get3A_104 = arith.index_cast %mul3A_72 : i32 to index
          %get3A_105 = tpu.vector_load %arg6[%get3A_103, %get3A_104] {strides = array<i32>} : memref<8x3200xf32, #tpu.memory_space<vmem>>, vector<16xf32>,
          %broadcast_in_dim3A_106 = arith.constant 2 : i32
          %broadcast_in_dim3A_107 = vector.broadcast %broadcast_in_dim3A_106 : i32 to vector<16xi32>
          %gather3A_108 = tpu.vector_load_idx %arg5[%broadcast_in_dim3A_107, %get3A_73] : memref<8x10000xf32, #tpu.memory_space<vmem>>[vector<16xi32>, vector<16xi32>], vector<16xf32>,
          %max3A_109 = arith.maximumf %gather3A_108, %get3A_105 : vector<16xf32>
          tpu.vector_store_idx %arg5[%broadcast_in_dim3A_107, %get3A_73], %max3A_109 : memref<8x10000xf32, #tpu.memory_space<vmem>>[vector<16xi32>, vector<16xi32>], vector<16xf32>,
          %get3A_110 = arith.constant 3 : i32
          %get3A_111 = arith.index_cast %get3A_110 : i32 to index
          %get3A_112 = arith.index_cast %mul3A_72 : i32 to index
          %get3A_113 = tpu.vector_load %arg6[%get3A_111, %get3A_112] {strides = array<i32>} : memref<8x3200xf32, #tpu.memory_space<vmem>>, vector<16xf32>,
          %broadcast_in_dim3A_114 = arith.constant 3 : i32
          %broadcast_in_dim3A_115 = vector.broadcast %broadcast_in_dim3A_114 : i32 to vector<16xi32>
          %gather3A_116 = tpu.vector_load_idx %arg5[%broadcast_in_dim3A_115, %get3A_73] : memref<8x10000xf32, #tpu.memory_space<vmem>>[vector<16xi32>, vector<16xi32>], vector<16xf32>,
          %max3A_117 = arith.maximumf %gather3A_116, %get3A_113 : vector<16xf32>
          tpu.vector_store_idx %arg5[%broadcast_in_dim3A_115, %get3A_73], %max3A_117 : memref<8x10000xf32, #tpu.memory_space<vmem>>[vector<16xi32>, vector<16xi32>], vector<16xf32>,
          %get3A_118 = arith.constant 4 : i32
          %get3A_119 = arith.index_cast %get3A_118 : i32 to index
          %get3A_120 = arith.index_cast %mul3A_72 : i32 to index
          %get3A_121 = tpu.vector_load %arg6[%get3A_119, %get3A_120] {strides = array<i32>} : memref<8x3200xf32, #tpu.memory_space<vmem>>, vector<16xf32>,
          %broadcast_in_dim3A_122 = arith.constant 4 : i32
          %broadcast_in_dim3A_123 = vector.broadcast %broadcast_in_dim3A_122 : i32 to vector<16xi32>
          %gather3A_124 = tpu.vector_load_idx %arg5[%broadcast_in_dim3A_123, %get3A_73] : memref<8x10000xf32, #tpu.memory_space<vmem>>[vector<16xi32>, vector<16xi32>], vector<16xf32>,
          %max3A_125 = arith.maximumf %gather3A_124, %get3A_121 : vector<16xf32>
          tpu.vector_store_idx %arg5[%broadcast_in_dim3A_123, %get3A_73], %max3A_125 : memref<8x10000xf32, #tpu.memory_space<vmem>>[vector<16xi32>, vector<16xi32>], vector<16xf32>,
          %get3A_126 = arith.constant 5 : i32
          %get3A_127 = arith.index_cast %get3A_126 : i32 to index
          %get3A_128 = arith.index_cast %mul3A_72 : i32 to index
          %get3A_129 = tpu.vector_load %arg6[%get3A_127, %get3A_128] {strides = array<i32>} : memref<8x3200xf32, #tpu.memory_space<vmem>>, vector<16xf32>,
          %broadcast_in_dim3A_130 = arith.constant 5 : i32
          %broadcast_in_dim3A_131 = vector.broadcast %broadcast_in_dim3A_130 : i32 to vector<16xi32>
          %gather3A_132 = tpu.vector_load_idx %arg5[%broadcast_in_dim3A_131, %get3A_73] : memref<8x10000xf32, #tpu.memory_space<vmem>>[vector<16xi32>, vector<16xi32>], vector<16xf32>,
          %max3A_133 = arith.maximumf %gather3A_132, %get3A_129 : vector<16xf32>
          tpu.vector_store_idx %arg5[%broadcast_in_dim3A_131, %get3A_73], %max3A_133 : memref<8x10000xf32, #tpu.memory_space<vmem>>[vector<16xi32>, vector<16xi32>], vector<16xf32>,
          %get3A_134 = arith.constant 6 : i32
          %get3A_135 = arith.index_cast %get3A_134 : i32 to index
          %get3A_136 = arith.index_cast %mul3A_72 : i32 to index
          %get3A_137 = tpu.vector_load %arg6[%get3A_135, %get3A_136] {strides = array<i32>} : memref<8x3200xf32, #tpu.memory_space<vmem>>, vector<16xf32>,
          %broadcast_in_dim3A_138 = arith.constant 6 : i32
          %broadcast_in_dim3A_139 = vector.broadcast %broadcast_in_dim3A_138 : i32 to vector<16xi32>
          %gather3A_140 = tpu.vector_load_idx %arg5[%broadcast_in_dim3A_139, %get3A_73] : memref<8x10000xf32, #tpu.memory_space<vmem>>[vector<16xi32>, vector<16xi32>], vector<16xf32>,
          %max3A_141 = arith.maximumf %gather3A_140, %get3A_137 : vector<16xf32>
          tpu.vector_store_idx %arg5[%broadcast_in_dim3A_139, %get3A_73], %max3A_141 : memref<8x10000xf32, #tpu.memory_space<vmem>>[vector<16xi32>, vector<16xi32>], vector<16xf32>,
          %get3A_142 = arith.constant 7 : i32
          %get3A_143 = arith.index_cast %get3A_142 : i32 to index
          %get3A_144 = arith.index_cast %mul3A_72 : i32 to index
          %get3A_145 = tpu.vector_load %arg6[%get3A_143, %get3A_144] {strides = array<i32>} : memref<8x3200xf32, #tpu.memory_space<vmem>>, vector<16xf32>,
          %broadcast_in_dim3A_146 = arith.constant 7 : i32
          %broadcast_in_dim3A_147 = vector.broadcast %broadcast_in_dim3A_146 : i32 to vector<16xi32>
          %gather3A_148 = tpu.vector_load_idx %arg5[%broadcast_in_dim3A_147, %get3A_73] : memref<8x10000xf32, #tpu.memory_space<vmem>>[vector<16xi32>, vector<16xi32>], vector<16xf32>,
          %max3A_149 = arith.maximumf %gather3A_148, %get3A_145 : vector<16xf32>
          tpu.vector_store_idx %arg5[%broadcast_in_dim3A_147, %get3A_73], %max3A_149 : memref<8x10000xf32, #tpu.memory_space<vmem>>[vector<16xi32>, vector<16xi32>], vector<16xf32>,
          %cond3A_150 = arith.constant 0 : i32
          scf.yield %cond3A_150 : i32
        }
      }
      %scan3A_69 = arith.constant 200 : i32
    }
    %scan3A_58 = arith.constant 25 : i32
    "tpu.region"() ({
      %run_scoped3A = tpu.sem_alloc : memref<!tpu.dma_semaphore, #tpu.memory_space<semaphore_mem>>
      %dma_start3A = arith.constant 0 : i32
      %dma_start3A_59 = tpu.memref_slice %arg4[%arg0, %mul3A_0, %dma_start3A] : memref<2x128x10000xf32, #tpu.memory_space<hbm>> -> memref<1x8x10000xf32, #tpu.memory_space<hbm>>
      %dma_start3A_60 = tpu.memref_squeeze %dma_start3A_59 : memref<1x8x10000xf32, #tpu.memory_space<hbm>> -> memref<8x10000xf32, #tpu.memory_space<hbm>>
      %dma_start3A_61 = arith.constant 0 : i32
      %dma_start3A_62 = tpu.memref_slice %arg4[%arg0, %mul3A_0, %dma_start3A_61] : memref<2x128x10000xf32, #tpu.memory_space<hbm>> -> memref<1x8x10000xf32, #tpu.memory_space<hbm>>
      %dma_start3A_63 = tpu.memref_squeeze %dma_start3A_62 : memref<1x8x10000xf32, #tpu.memory_space<hbm>> -> memref<8x10000xf32, #tpu.memory_space<hbm>>
      tpu.enqueue_dma source(%arg5 : memref<8x10000xf32, #tpu.memory_space<vmem>>) target(%dma_start3A_63 : memref<8x10000xf32, #tpu.memory_space<hbm>>) target_semaphore(%run_scoped3A : memref<!tpu.dma_semaphore, #tpu.memory_space<semaphore_mem>>)
      %dma_wait3A = arith.constant 0 : i32
      %dma_wait3A_64 = tpu.memref_slice %arg4[%arg0, %mul3A_0, %dma_wait3A] : memref<2x128x10000xf32, #tpu.memory_space<hbm>> -> memref<1x8x10000xf32, #tpu.memory_space<hbm>>
      %dma_wait3A_65 = tpu.memref_squeeze %dma_wait3A_64 : memref<1x8x10000xf32, #tpu.memory_space<hbm>> -> memref<8x10000xf32, #tpu.memory_space<hbm>>
      %dma_wait3A_66 = arith.constant 0 : i32
      %dma_wait3A_67 = tpu.memref_slice %arg4[%arg0, %mul3A_0, %dma_wait3A_66] : memref<2x128x10000xf32, #tpu.memory_space<hbm>> -> memref<1x8x10000xf32, #tpu.memory_space<hbm>>
      %dma_wait3A_68 = tpu.memref_squeeze %dma_wait3A_67 : memref<1x8x10000xf32, #tpu.memory_space<hbm>> -> memref<8x10000xf32, #tpu.memory_space<hbm>>
      tpu.wait_dma2 semaphore(%run_scoped3A : memref<!tpu.dma_semaphore, #tpu.memory_space<semaphore_mem>>) src(%arg5 : memref<8x10000xf32, #tpu.memory_space<vmem>>) dst(%dma_wait3A_68 : memref<8x10000xf32, #tpu.memory_space<hbm>>)
      tpu.yield
    }) : () -> ()
    return
  }
}

#map = affine_map<(d0, d1) -> (0, 0)>
#map1 = affine_map<(d0, d1) -> (0)>
module attributes {stable_mosaic.version = 14 : i64} {
  func.func @_sc_gather_body(%arg0: i32, %arg1: i32, %arg2: memref<10000x128xf32, #tpu.memory_space<hbm>>, %arg3: memref<10000x128xf32, #tpu.memory_space<hbm>>, %arg4: memref<160000xi32, #tpu.memory_space<hbm>>, %arg5: memref<160000xi32, #tpu.memory_space<hbm>>, %arg6: memref<160000x128xf32, #tpu.memory_space<hbm>>, %arg7: memref<200xi32, #tpu.memory_space<vmem>>, %arg8: memref<200xi32, #tpu.memory_space<vmem>>, %arg9: memref<200x128xf32, #tpu.memory_space<vmem>>, %arg10: memref<200x128xf32, #tpu.memory_space<vmem>>, %arg11: memref<200xi32, #tpu.memory_space<vmem>>, %arg12: memref<200xi32, #tpu.memory_space<vmem>>, %arg13: memref<200x128xf32, #tpu.memory_space<vmem>>, %arg14: memref<200x128xf32, #tpu.memory_space<vmem>>, %arg15: memref<96x128xf32, #tpu.memory_space<vmem>>, %arg16: memref<104x128xf32, #tpu.memory_space<vmem>>, %arg17: memref<!tpu.dma_semaphore, #tpu.memory_space<semaphore_mem>>, %arg18: memref<!tpu.dma_semaphore, #tpu.memory_space<semaphore_mem>>, %arg19: memref<!tpu.dma_semaphore, #tpu.memory_space<semaphore_mem>>, %arg20: memref<!tpu.dma_semaphore, #tpu.memory_space<semaphore_mem>>) attributes {dimension_semantics = [#tpu.dimension_semantics<core_parallel>, #tpu.dimension_semantics<subcore_parallel>], iteration_bounds = array<i64: 2, 16>, scalar_prefetch = 0 : i64, scratch_operands = 14 : i64, tpu.core_type = #tpu.core_type<sc_vector_subcore>, window_params = [{transform_indices = #map}, {transform_indices = #map}, {transform_indices = #map1}, {transform_indices = #map1}, {transform_indices = #map}]} {
    %mul3A = arith.constant 2 : i32
    %mul3A_0 = arith.muli %arg1, %mul3A : i32
    %add3A = arith.addi %mul3A_0, %arg0 : i32
    %mul3A_1 = arith.constant 5000 : i32
    %mul3A_2 = arith.muli %add3A, %mul3A_1 : i32
    %add3A_3 = arith.constant 0 : i32
    %add3A_4 = arith.addi %mul3A_2, %add3A_3 : i32
    "tpu.region"() ({
      %run_scoped3A = tpu.sem_alloc : memref<!tpu.dma_semaphore, #tpu.memory_space<semaphore_mem>>
      %dma_start3A_22 = tpu.memref_slice %arg4[%add3A_4] : memref<160000xi32, #tpu.memory_space<hbm>> -> memref<200xi32, #tpu.memory_space<hbm>>
      %dma_start3A_23 = tpu.memref_slice %arg4[%add3A_4] : memref<160000xi32, #tpu.memory_space<hbm>> -> memref<200xi32, #tpu.memory_space<hbm>>
      tpu.enqueue_dma source(%dma_start3A_23 : memref<200xi32, #tpu.memory_space<hbm>>) target(%arg7 : memref<200xi32, #tpu.memory_space<vmem>>) target_semaphore(%run_scoped3A : memref<!tpu.dma_semaphore, #tpu.memory_space<semaphore_mem>>)
      %dma_wait3A_24 = tpu.memref_slice %arg4[%add3A_4] : memref<160000xi32, #tpu.memory_space<hbm>> -> memref<200xi32, #tpu.memory_space<hbm>>
      %dma_wait3A_25 = tpu.memref_slice %arg4[%add3A_4] : memref<160000xi32, #tpu.memory_space<hbm>> -> memref<200xi32, #tpu.memory_space<hbm>>
      tpu.wait_dma2 semaphore(%run_scoped3A : memref<!tpu.dma_semaphore, #tpu.memory_space<semaphore_mem>>) src(%dma_wait3A_25 : memref<200xi32, #tpu.memory_space<hbm>>) dst(%arg7 : memref<200xi32, #tpu.memory_space<vmem>>)
      tpu.yield
    }) : () -> ()
    "tpu.region"() ({
      %run_scoped3A = tpu.sem_alloc : memref<!tpu.dma_semaphore, #tpu.memory_space<semaphore_mem>>
      %dma_start3A_22 = tpu.memref_slice %arg5[%add3A_4] : memref<160000xi32, #tpu.memory_space<hbm>> -> memref<200xi32, #tpu.memory_space<hbm>>
      %dma_start3A_23 = tpu.memref_slice %arg5[%add3A_4] : memref<160000xi32, #tpu.memory_space<hbm>> -> memref<200xi32, #tpu.memory_space<hbm>>
      tpu.enqueue_dma source(%dma_start3A_23 : memref<200xi32, #tpu.memory_space<hbm>>) target(%arg8 : memref<200xi32, #tpu.memory_space<vmem>>) target_semaphore(%run_scoped3A : memref<!tpu.dma_semaphore, #tpu.memory_space<semaphore_mem>>)
      %dma_wait3A_24 = tpu.memref_slice %arg5[%add3A_4] : memref<160000xi32, #tpu.memory_space<hbm>> -> memref<200xi32, #tpu.memory_space<hbm>>
      %dma_wait3A_25 = tpu.memref_slice %arg5[%add3A_4] : memref<160000xi32, #tpu.memory_space<hbm>> -> memref<200xi32, #tpu.memory_space<hbm>>
      tpu.wait_dma2 semaphore(%run_scoped3A : memref<!tpu.dma_semaphore, #tpu.memory_space<semaphore_mem>>) src(%dma_wait3A_25 : memref<200xi32, #tpu.memory_space<hbm>>) dst(%arg8 : memref<200xi32, #tpu.memory_space<vmem>>)
      tpu.yield
    }) : () -> ()
    %dma_start3A = arith.constant 0 : i32
    %dma_start3A_5 = arith.constant 0 : i32
    %dma_start3A_6 = tpu.memref_slice %arg2[%dma_start3A, %dma_start3A_5] : memref<10000x128xf32, #tpu.memory_space<hbm>> -> memref<10000x128xf32, #tpu.memory_space<hbm>>
    tpu.enqueue_indirect_dma source(%dma_start3A_6 : memref<10000x128xf32, #tpu.memory_space<hbm>>) target(%arg9 : memref<200x128xf32, #tpu.memory_space<vmem>>) offsets(%arg7 : memref<200xi32, #tpu.memory_space<vmem>>) semaphore(%arg17 : memref<!tpu.dma_semaphore, #tpu.memory_space<semaphore_mem>>)
    %dma_start3A_7 = arith.constant 0 : i32
    %dma_start3A_8 = arith.constant 0 : i32
    %dma_start3A_9 = tpu.memref_slice %arg3[%dma_start3A_7, %dma_start3A_8] : memref<10000x128xf32, #tpu.memory_space<hbm>> -> memref<10000x128xf32, #tpu.memory_space<hbm>>
    tpu.enqueue_indirect_dma source(%dma_start3A_9 : memref<10000x128xf32, #tpu.memory_space<hbm>>) target(%arg10 : memref<200x128xf32, #tpu.memory_space<vmem>>) offsets(%arg8 : memref<200xi32, #tpu.memory_space<vmem>>) semaphore(%arg17 : memref<!tpu.dma_semaphore, #tpu.memory_space<semaphore_mem>>)
    %scan3A = arith.constant 0 : i32
    %scan3A_10 = arith.constant 0 : i32
    %scan3A_11 = arith.constant 25 : i32
    %scan3A_12 = arith.addi %scan3A_10, %scan3A_11 : i32
    %scan3A_13 = arith.constant 1 : i32
    scf.for %scan3A_22 = %scan3A_10 to %scan3A_12 step %scan3A_13  : i32 {
      %rem3A = arith.constant 2 : i32
      %rem3A_23 = arith.remsi %scan3A_22, %rem3A : i32
      %add3A_24 = arith.constant 1 : i32
      %add3A_25 = arith.addi %scan3A_22, %add3A_24 : i32
      %lt3A = arith.constant 25 : i32
      %lt3A_26 = arith.cmpi slt, %add3A_25, %lt3A : i32
      %convert_element_type3A = arith.extui %lt3A_26 : i1 to i32
      %cond3A = arith.constant 0 : i32
      %cond3A_27 = arith.cmpi ne, %convert_element_type3A, %cond3A : i32
      scf.if %cond3A_27 {
        %sub3A = arith.constant 1 : i32
        %sub3A_33 = arith.subi %sub3A, %rem3A_23 : i32
        %clamp3A_34 = arith.constant 0 : i32
        %clamp3A_35 = arith.constant 1 : i32
        %clamp3A_36 = arith.maxsi %sub3A_33, %clamp3A_34 : i32
        %clamp3A_37 = arith.minsi %clamp3A_36, %clamp3A_35 : i32
        %cond3A_38 = arith.constant 0 : i32
        %cond3A_39 = arith.cmpi ne, %clamp3A_37, %cond3A_38 : i32
        scf.if %cond3A_39 {
          %add3A_40 = arith.constant 1 : i32
          %add3A_41 = arith.addi %scan3A_22, %add3A_40 : i32
          %mul3A_42 = arith.constant 200 : i32
          %mul3A_43 = arith.muli %add3A_41, %mul3A_42 : i32
          %add3A_44 = arith.addi %mul3A_2, %mul3A_43 : i32
          "tpu.region"() ({
            %run_scoped3A = tpu.sem_alloc : memref<!tpu.dma_semaphore, #tpu.memory_space<semaphore_mem>>
            %dma_start3A_51 = tpu.memref_slice %arg4[%add3A_44] : memref<160000xi32, #tpu.memory_space<hbm>> -> memref<200xi32, #tpu.memory_space<hbm>>
            %dma_start3A_52 = tpu.memref_slice %arg4[%add3A_44] : memref<160000xi32, #tpu.memory_space<hbm>> -> memref<200xi32, #tpu.memory_space<hbm>>
            tpu.enqueue_dma source(%dma_start3A_52 : memref<200xi32, #tpu.memory_space<hbm>>) target(%arg11 : memref<200xi32, #tpu.memory_space<vmem>>) target_semaphore(%run_scoped3A : memref<!tpu.dma_semaphore, #tpu.memory_space<semaphore_mem>>)
            %dma_wait3A_53 = tpu.memref_slice %arg4[%add3A_44] : memref<160000xi32, #tpu.memory_space<hbm>> -> memref<200xi32, #tpu.memory_space<hbm>>
            %dma_wait3A_54 = tpu.memref_slice %arg4[%add3A_44] : memref<160000xi32, #tpu.memory_space<hbm>> -> memref<200xi32, #tpu.memory_space<hbm>>
            tpu.wait_dma2 semaphore(%run_scoped3A : memref<!tpu.dma_semaphore, #tpu.memory_space<semaphore_mem>>) src(%dma_wait3A_54 : memref<200xi32, #tpu.memory_space<hbm>>) dst(%arg11 : memref<200xi32, #tpu.memory_space<vmem>>)
            tpu.yield
          }) : () -> ()
          "tpu.region"() ({
            %run_scoped3A = tpu.sem_alloc : memref<!tpu.dma_semaphore, #tpu.memory_space<semaphore_mem>>
            %dma_start3A_51 = tpu.memref_slice %arg5[%add3A_44] : memref<160000xi32, #tpu.memory_space<hbm>> -> memref<200xi32, #tpu.memory_space<hbm>>
            %dma_start3A_52 = tpu.memref_slice %arg5[%add3A_44] : memref<160000xi32, #tpu.memory_space<hbm>> -> memref<200xi32, #tpu.memory_space<hbm>>
            tpu.enqueue_dma source(%dma_start3A_52 : memref<200xi32, #tpu.memory_space<hbm>>) target(%arg12 : memref<200xi32, #tpu.memory_space<vmem>>) target_semaphore(%run_scoped3A : memref<!tpu.dma_semaphore, #tpu.memory_space<semaphore_mem>>)
            %dma_wait3A_53 = tpu.memref_slice %arg5[%add3A_44] : memref<160000xi32, #tpu.memory_space<hbm>> -> memref<200xi32, #tpu.memory_space<hbm>>
            %dma_wait3A_54 = tpu.memref_slice %arg5[%add3A_44] : memref<160000xi32, #tpu.memory_space<hbm>> -> memref<200xi32, #tpu.memory_space<hbm>>
            tpu.wait_dma2 semaphore(%run_scoped3A : memref<!tpu.dma_semaphore, #tpu.memory_space<semaphore_mem>>) src(%dma_wait3A_54 : memref<200xi32, #tpu.memory_space<hbm>>) dst(%arg12 : memref<200xi32, #tpu.memory_space<vmem>>)
            tpu.yield
          }) : () -> ()
          %dma_start3A_45 = arith.constant 0 : i32
          %dma_start3A_46 = arith.constant 0 : i32
          %dma_start3A_47 = tpu.memref_slice %arg2[%dma_start3A_45, %dma_start3A_46] : memref<10000x128xf32, #tpu.memory_space<hbm>> -> memref<10000x128xf32, #tpu.memory_space<hbm>>
          tpu.enqueue_indirect_dma source(%dma_start3A_47 : memref<10000x128xf32, #tpu.memory_space<hbm>>) target(%arg13 : memref<200x128xf32, #tpu.memory_space<vmem>>) offsets(%arg11 : memref<200xi32, #tpu.memory_space<vmem>>) semaphore(%arg18 : memref<!tpu.dma_semaphore, #tpu.memory_space<semaphore_mem>>)
          %dma_start3A_48 = arith.constant 0 : i32
          %dma_start3A_49 = arith.constant 0 : i32
          %dma_start3A_50 = tpu.memref_slice %arg3[%dma_start3A_48, %dma_start3A_49] : memref<10000x128xf32, #tpu.memory_space<hbm>> -> memref<10000x128xf32, #tpu.memory_space<hbm>>
          tpu.enqueue_indirect_dma source(%dma_start3A_50 : memref<10000x128xf32, #tpu.memory_space<hbm>>) target(%arg14 : memref<200x128xf32, #tpu.memory_space<vmem>>) offsets(%arg12 : memref<200xi32, #tpu.memory_space<vmem>>) semaphore(%arg18 : memref<!tpu.dma_semaphore, #tpu.memory_space<semaphore_mem>>)
        } else {
          %add3A_40 = arith.constant 1 : i32
          %add3A_41 = arith.addi %scan3A_22, %add3A_40 : i32
          %mul3A_42 = arith.constant 200 : i32
          %mul3A_43 = arith.muli %add3A_41, %mul3A_42 : i32
          %add3A_44 = arith.addi %mul3A_2, %mul3A_43 : i32
          "tpu.region"() ({
            %run_scoped3A = tpu.sem_alloc : memref<!tpu.dma_semaphore, #tpu.memory_space<semaphore_mem>>
            %dma_start3A_51 = tpu.memref_slice %arg4[%add3A_44] : memref<160000xi32, #tpu.memory_space<hbm>> -> memref<200xi32, #tpu.memory_space<hbm>>
            %dma_start3A_52 = tpu.memref_slice %arg4[%add3A_44] : memref<160000xi32, #tpu.memory_space<hbm>> -> memref<200xi32, #tpu.memory_space<hbm>>
            tpu.enqueue_dma source(%dma_start3A_52 : memref<200xi32, #tpu.memory_space<hbm>>) target(%arg7 : memref<200xi32, #tpu.memory_space<vmem>>) target_semaphore(%run_scoped3A : memref<!tpu.dma_semaphore, #tpu.memory_space<semaphore_mem>>)
            %dma_wait3A_53 = tpu.memref_slice %arg4[%add3A_44] : memref<160000xi32, #tpu.memory_space<hbm>> -> memref<200xi32, #tpu.memory_space<hbm>>
            %dma_wait3A_54 = tpu.memref_slice %arg4[%add3A_44] : memref<160000xi32, #tpu.memory_space<hbm>> -> memref<200xi32, #tpu.memory_space<hbm>>
            tpu.wait_dma2 semaphore(%run_scoped3A : memref<!tpu.dma_semaphore, #tpu.memory_space<semaphore_mem>>) src(%dma_wait3A_54 : memref<200xi32, #tpu.memory_space<hbm>>) dst(%arg7 : memref<200xi32, #tpu.memory_space<vmem>>)
            tpu.yield
          }) : () -> ()
          "tpu.region"() ({
            %run_scoped3A = tpu.sem_alloc : memref<!tpu.dma_semaphore, #tpu.memory_space<semaphore_mem>>
            %dma_start3A_51 = tpu.memref_slice %arg5[%add3A_44] : memref<160000xi32, #tpu.memory_space<hbm>> -> memref<200xi32, #tpu.memory_space<hbm>>
            %dma_start3A_52 = tpu.memref_slice %arg5[%add3A_44] : memref<160000xi32, #tpu.memory_space<hbm>> -> memref<200xi32, #tpu.memory_space<hbm>>
            tpu.enqueue_dma source(%dma_start3A_52 : memref<200xi32, #tpu.memory_space<hbm>>) target(%arg8 : memref<200xi32, #tpu.memory_space<vmem>>) target_semaphore(%run_scoped3A : memref<!tpu.dma_semaphore, #tpu.memory_space<semaphore_mem>>)
            %dma_wait3A_53 = tpu.memref_slice %arg5[%add3A_44] : memref<160000xi32, #tpu.memory_space<hbm>> -> memref<200xi32, #tpu.memory_space<hbm>>
            %dma_wait3A_54 = tpu.memref_slice %arg5[%add3A_44] : memref<160000xi32, #tpu.memory_space<hbm>> -> memref<200xi32, #tpu.memory_space<hbm>>
            tpu.wait_dma2 semaphore(%run_scoped3A : memref<!tpu.dma_semaphore, #tpu.memory_space<semaphore_mem>>) src(%dma_wait3A_54 : memref<200xi32, #tpu.memory_space<hbm>>) dst(%arg8 : memref<200xi32, #tpu.memory_space<vmem>>)
            tpu.yield
          }) : () -> ()
          %dma_start3A_45 = arith.constant 0 : i32
          %dma_start3A_46 = arith.constant 0 : i32
          %dma_start3A_47 = tpu.memref_slice %arg2[%dma_start3A_45, %dma_start3A_46] : memref<10000x128xf32, #tpu.memory_space<hbm>> -> memref<10000x128xf32, #tpu.memory_space<hbm>>
          tpu.enqueue_indirect_dma source(%dma_start3A_47 : memref<10000x128xf32, #tpu.memory_space<hbm>>) target(%arg9 : memref<200x128xf32, #tpu.memory_space<vmem>>) offsets(%arg7 : memref<200xi32, #tpu.memory_space<vmem>>) semaphore(%arg17 : memref<!tpu.dma_semaphore, #tpu.memory_space<semaphore_mem>>)
          %dma_start3A_48 = arith.constant 0 : i32
          %dma_start3A_49 = arith.constant 0 : i32
          %dma_start3A_50 = tpu.memref_slice %arg3[%dma_start3A_48, %dma_start3A_49] : memref<10000x128xf32, #tpu.memory_space<hbm>> -> memref<10000x128xf32, #tpu.memory_space<hbm>>
          tpu.enqueue_indirect_dma source(%dma_start3A_50 : memref<10000x128xf32, #tpu.memory_space<hbm>>) target(%arg10 : memref<200x128xf32, #tpu.memory_space<vmem>>) offsets(%arg8 : memref<200xi32, #tpu.memory_space<vmem>>) semaphore(%arg17 : memref<!tpu.dma_semaphore, #tpu.memory_space<semaphore_mem>>)
        }
      } else {
      }
      %clamp3A = arith.constant 0 : i32
      %clamp3A_28 = arith.constant 1 : i32
      %clamp3A_29 = arith.maxsi %rem3A_23, %clamp3A : i32
      %clamp3A_30 = arith.minsi %clamp3A_29, %clamp3A_28 : i32
      %cond3A_31 = arith.constant 0 : i32
      %cond3A_32 = arith.cmpi ne, %clamp3A_30, %cond3A_31 : i32
      scf.if %cond3A_32 {
        %ge3A = arith.constant 1 : i32
        %ge3A_33 = arith.cmpi sge, %scan3A_22, %ge3A : i32
        %mul3A_34 = arith.constant 200 : i32
        %mul3A_35 = arith.muli %scan3A_22, %mul3A_34 : i32
        %add3A_36 = arith.addi %mul3A_2, %mul3A_35 : i32
        %dma_wait3A_37 = arith.constant 0 : i32
        %dma_wait3A_38 = arith.constant 0 : i32
        %dma_wait3A_39 = tpu.memref_slice %arg2[%dma_wait3A_37, %dma_wait3A_38] : memref<10000x128xf32, #tpu.memory_space<hbm>> -> memref<10000x128xf32, #tpu.memory_space<hbm>>
        tpu.wait_indirect_dma semaphore(%arg18 : memref<!tpu.dma_semaphore, #tpu.memory_space<semaphore_mem>>) src(%dma_wait3A_39 : memref<10000x128xf32, #tpu.memory_space<hbm>>) dst(%arg13 : memref<200x128xf32, #tpu.memory_space<vmem>>)
        %dma_wait3A_40 = arith.constant 0 : i32
        %dma_wait3A_41 = arith.constant 0 : i32
        %dma_wait3A_42 = tpu.memref_slice %arg3[%dma_wait3A_40, %dma_wait3A_41] : memref<10000x128xf32, #tpu.memory_space<hbm>> -> memref<10000x128xf32, #tpu.memory_space<hbm>>
        tpu.wait_indirect_dma semaphore(%arg18 : memref<!tpu.dma_semaphore, #tpu.memory_space<semaphore_mem>>) src(%dma_wait3A_42 : memref<10000x128xf32, #tpu.memory_space<hbm>>) dst(%arg14 : memref<200x128xf32, #tpu.memory_space<vmem>>)
        %convert_element_type3A_43 = arith.extui %ge3A_33 : i1 to i32
        %cond3A_44 = arith.constant 0 : i32
        %cond3A_45 = arith.cmpi ne, %convert_element_type3A_43, %cond3A_44 : i32
        scf.if %cond3A_45 {
          %dma_wait3A_73 = arith.constant 0 : i32
          %dma_wait3A_74 = tpu.memref_slice %arg6[%add3A_36, %dma_wait3A_73] : memref<160000x128xf32, #tpu.memory_space<hbm>> -> memref<96x128xf32, #tpu.memory_space<hbm>>
          %dma_wait3A_75 = arith.constant 0 : i32
          %dma_wait3A_76 = tpu.memref_slice %arg6[%add3A_36, %dma_wait3A_75] : memref<160000x128xf32, #tpu.memory_space<hbm>> -> memref<96x128xf32, #tpu.memory_space<hbm>>
          tpu.wait_dma2 semaphore(%arg19 : memref<!tpu.dma_semaphore, #tpu.memory_space<semaphore_mem>>) src(%arg15 : memref<96x128xf32, #tpu.memory_space<vmem>>) dst(%dma_wait3A_76 : memref<96x128xf32, #tpu.memory_space<hbm>>)
        } else {
        }
        %scan3A_46 = arith.constant 0 : i32
        %scan3A_47 = arith.constant 0 : i32
        %scan3A_48 = arith.constant 96 : i32
        %scan3A_49 = arith.addi %scan3A_47, %scan3A_48 : i32
        %scan3A_50 = arith.constant 1 : i32
        scf.for %scan3A_73 = %scan3A_47 to %scan3A_49 step %scan3A_50  : i32 {
          %add3A_74 = arith.constant 0 : i32
          %add3A_75 = arith.addi %add3A_74, %scan3A_73 : i32
          %get3A = arith.index_cast %add3A_75 : i32 to index
          %get3A_76 = arith.constant 0 : index
          %get3A_77 = tpu.vector_load %arg13[%get3A, %get3A_76] {strides = array<i32>} : memref<200x128xf32, #tpu.memory_space<vmem>>, vector<16xf32>,
          %add3A_78 = arith.constant 0 : i32
          %add3A_79 = arith.addi %add3A_78, %scan3A_73 : i32
          %get3A_80 = arith.index_cast %add3A_79 : i32 to index
          %get3A_81 = arith.constant 0 : index
          %get3A_82 = tpu.vector_load %arg14[%get3A_80, %get3A_81] {strides = array<i32>} : memref<200x128xf32, #tpu.memory_space<vmem>>, vector<16xf32>,
          %add3A_83 = arith.addf %get3A_77, %get3A_82 : vector<16xf32>
          %swap3A = arith.index_cast %scan3A_73 : i32 to index
          %swap3A_84 = arith.constant 0 : index
          %swap3A_85 = tpu.vector_load %arg15[%swap3A, %swap3A_84] {strides = array<i32>} : memref<96x128xf32, #tpu.memory_space<vmem>>, vector<16xf32>,
          tpu.vector_store %arg15[%swap3A, %swap3A_84], %add3A_83 {strides = array<i32>} : memref<96x128xf32, #tpu.memory_space<vmem>>, vector<16xf32>,
          %add3A_86 = arith.constant 0 : i32
          %add3A_87 = arith.addi %add3A_86, %scan3A_73 : i32
          %get3A_88 = arith.index_cast %add3A_87 : i32 to index
          %get3A_89 = arith.constant 16 : index
          %get3A_90 = tpu.vector_load %arg13[%get3A_88, %get3A_89] {strides = array<i32>} : memref<200x128xf32, #tpu.memory_space<vmem>>, vector<16xf32>,
          %add3A_91 = arith.constant 0 : i32
          %add3A_92 = arith.addi %add3A_91, %scan3A_73 : i32
          %get3A_93 = arith.index_cast %add3A_92 : i32 to index
          %get3A_94 = arith.constant 16 : index
          %get3A_95 = tpu.vector_load %arg14[%get3A_93, %get3A_94] {strides = array<i32>} : memref<200x128xf32, #tpu.memory_space<vmem>>, vector<16xf32>,
          %add3A_96 = arith.addf %get3A_90, %get3A_95 : vector<16xf32>
          %swap3A_97 = arith.index_cast %scan3A_73 : i32 to index
          %swap3A_98 = arith.constant 16 : index
          %swap3A_99 = tpu.vector_load %arg15[%swap3A_97, %swap3A_98] {strides = array<i32>} : memref<96x128xf32, #tpu.memory_space<vmem>>, vector<16xf32>,
          tpu.vector_store %arg15[%swap3A_97, %swap3A_98], %add3A_96 {strides = array<i32>} : memref<96x128xf32, #tpu.memory_space<vmem>>, vector<16xf32>,
          %add3A_100 = arith.constant 0 : i32
          %add3A_101 = arith.addi %add3A_100, %scan3A_73 : i32
          %get3A_102 = arith.index_cast %add3A_101 : i32 to index
          %get3A_103 = arith.constant 32 : index
          %get3A_104 = tpu.vector_load %arg13[%get3A_102, %get3A_103] {strides = array<i32>} : memref<200x128xf32, #tpu.memory_space<vmem>>, vector<16xf32>,
          %add3A_105 = arith.constant 0 : i32
          %add3A_106 = arith.addi %add3A_105, %scan3A_73 : i32
          %get3A_107 = arith.index_cast %add3A_106 : i32 to index
          %get3A_108 = arith.constant 32 : index
          %get3A_109 = tpu.vector_load %arg14[%get3A_107, %get3A_108] {strides = array<i32>} : memref<200x128xf32, #tpu.memory_space<vmem>>, vector<16xf32>,
          %add3A_110 = arith.addf %get3A_104, %get3A_109 : vector<16xf32>
          %swap3A_111 = arith.index_cast %scan3A_73 : i32 to index
          %swap3A_112 = arith.constant 32 : index
          %swap3A_113 = tpu.vector_load %arg15[%swap3A_111, %swap3A_112] {strides = array<i32>} : memref<96x128xf32, #tpu.memory_space<vmem>>, vector<16xf32>,
          tpu.vector_store %arg15[%swap3A_111, %swap3A_112], %add3A_110 {strides = array<i32>} : memref<96x128xf32, #tpu.memory_space<vmem>>, vector<16xf32>,
          %add3A_114 = arith.constant 0 : i32
          %add3A_115 = arith.addi %add3A_114, %scan3A_73 : i32
          %get3A_116 = arith.index_cast %add3A_115 : i32 to index
          %get3A_117 = arith.constant 48 : index
          %get3A_118 = tpu.vector_load %arg13[%get3A_116, %get3A_117] {strides = array<i32>} : memref<200x128xf32, #tpu.memory_space<vmem>>, vector<16xf32>,
          %add3A_119 = arith.constant 0 : i32
          %add3A_120 = arith.addi %add3A_119, %scan3A_73 : i32
          %get3A_121 = arith.index_cast %add3A_120 : i32 to index
          %get3A_122 = arith.constant 48 : index
          %get3A_123 = tpu.vector_load %arg14[%get3A_121, %get3A_122] {strides = array<i32>} : memref<200x128xf32, #tpu.memory_space<vmem>>, vector<16xf32>,
          %add3A_124 = arith.addf %get3A_118, %get3A_123 : vector<16xf32>
          %swap3A_125 = arith.index_cast %scan3A_73 : i32 to index
          %swap3A_126 = arith.constant 48 : index
          %swap3A_127 = tpu.vector_load %arg15[%swap3A_125, %swap3A_126] {strides = array<i32>} : memref<96x128xf32, #tpu.memory_space<vmem>>, vector<16xf32>,
          tpu.vector_store %arg15[%swap3A_125, %swap3A_126], %add3A_124 {strides = array<i32>} : memref<96x128xf32, #tpu.memory_space<vmem>>, vector<16xf32>,
          %add3A_128 = arith.constant 0 : i32
          %add3A_129 = arith.addi %add3A_128, %scan3A_73 : i32
          %get3A_130 = arith.index_cast %add3A_129 : i32 to index
          %get3A_131 = arith.constant 64 : index
          %get3A_132 = tpu.vector_load %arg13[%get3A_130, %get3A_131] {strides = array<i32>} : memref<200x128xf32, #tpu.memory_space<vmem>>, vector<16xf32>,
          %add3A_133 = arith.constant 0 : i32
          %add3A_134 = arith.addi %add3A_133, %scan3A_73 : i32
          %get3A_135 = arith.index_cast %add3A_134 : i32 to index
          %get3A_136 = arith.constant 64 : index
          %get3A_137 = tpu.vector_load %arg14[%get3A_135, %get3A_136] {strides = array<i32>} : memref<200x128xf32, #tpu.memory_space<vmem>>, vector<16xf32>,
          %add3A_138 = arith.addf %get3A_132, %get3A_137 : vector<16xf32>
          %swap3A_139 = arith.index_cast %scan3A_73 : i32 to index
          %swap3A_140 = arith.constant 64 : index
          %swap3A_141 = tpu.vector_load %arg15[%swap3A_139, %swap3A_140] {strides = array<i32>} : memref<96x128xf32, #tpu.memory_space<vmem>>, vector<16xf32>,
          tpu.vector_store %arg15[%swap3A_139, %swap3A_140], %add3A_138 {strides = array<i32>} : memref<96x128xf32, #tpu.memory_space<vmem>>, vector<16xf32>,
          %add3A_142 = arith.constant 0 : i32
          %add3A_143 = arith.addi %add3A_142, %scan3A_73 : i32
          %get3A_144 = arith.index_cast %add3A_143 : i32 to index
          %get3A_145 = arith.constant 80 : index
          %get3A_146 = tpu.vector_load %arg13[%get3A_144, %get3A_145] {strides = array<i32>} : memref<200x128xf32, #tpu.memory_space<vmem>>, vector<16xf32>,
          %add3A_147 = arith.constant 0 : i32
          %add3A_148 = arith.addi %add3A_147, %scan3A_73 : i32
          %get3A_149 = arith.index_cast %add3A_148 : i32 to index
          %get3A_150 = arith.constant 80 : index
          %get3A_151 = tpu.vector_load %arg14[%get3A_149, %get3A_150] {strides = array<i32>} : memref<200x128xf32, #tpu.memory_space<vmem>>, vector<16xf32>,
          %add3A_152 = arith.addf %get3A_146, %get3A_151 : vector<16xf32>
          %swap3A_153 = arith.index_cast %scan3A_73 : i32 to index
          %swap3A_154 = arith.constant 80 : index
          %swap3A_155 = tpu.vector_load %arg15[%swap3A_153, %swap3A_154] {strides = array<i32>} : memref<96x128xf32, #tpu.memory_space<vmem>>, vector<16xf32>,
          tpu.vector_store %arg15[%swap3A_153, %swap3A_154], %add3A_152 {strides = array<i32>} : memref<96x128xf32, #tpu.memory_space<vmem>>, vector<16xf32>,
          %add3A_156 = arith.constant 0 : i32
          %add3A_157 = arith.addi %add3A_156, %scan3A_73 : i32
          %get3A_158 = arith.index_cast %add3A_157 : i32 to index
          %get3A_159 = arith.constant 96 : index
          %get3A_160 = tpu.vector_load %arg13[%get3A_158, %get3A_159] {strides = array<i32>} : memref<200x128xf32, #tpu.memory_space<vmem>>, vector<16xf32>,
          %add3A_161 = arith.constant 0 : i32
          %add3A_162 = arith.addi %add3A_161, %scan3A_73 : i32
          %get3A_163 = arith.index_cast %add3A_162 : i32 to index
          %get3A_164 = arith.constant 96 : index
          %get3A_165 = tpu.vector_load %arg14[%get3A_163, %get3A_164] {strides = array<i32>} : memref<200x128xf32, #tpu.memory_space<vmem>>, vector<16xf32>,
          %add3A_166 = arith.addf %get3A_160, %get3A_165 : vector<16xf32>
          %swap3A_167 = arith.index_cast %scan3A_73 : i32 to index
          %swap3A_168 = arith.constant 96 : index
          %swap3A_169 = tpu.vector_load %arg15[%swap3A_167, %swap3A_168] {strides = array<i32>} : memref<96x128xf32, #tpu.memory_space<vmem>>, vector<16xf32>,
          tpu.vector_store %arg15[%swap3A_167, %swap3A_168], %add3A_166 {strides = array<i32>} : memref<96x128xf32, #tpu.memory_space<vmem>>, vector<16xf32>,
          %add3A_170 = arith.constant 0 : i32
          %add3A_171 = arith.addi %add3A_170, %scan3A_73 : i32
          %get3A_172 = arith.index_cast %add3A_171 : i32 to index
          %get3A_173 = arith.constant 112 : index
          %get3A_174 = tpu.vector_load %arg13[%get3A_172, %get3A_173] {strides = array<i32>} : memref<200x128xf32, #tpu.memory_space<vmem>>, vector<16xf32>,
          %add3A_175 = arith.constant 0 : i32
          %add3A_176 = arith.addi %add3A_175, %scan3A_73 : i32
          %get3A_177 = arith.index_cast %add3A_176 : i32 to index
          %get3A_178 = arith.constant 112 : index
          %get3A_179 = tpu.vector_load %arg14[%get3A_177, %get3A_178] {strides = array<i32>} : memref<200x128xf32, #tpu.memory_space<vmem>>, vector<16xf32>,
          %add3A_180 = arith.addf %get3A_174, %get3A_179 : vector<16xf32>
          %swap3A_181 = arith.index_cast %scan3A_73 : i32 to index
          %swap3A_182 = arith.constant 112 : index
          %swap3A_183 = tpu.vector_load %arg15[%swap3A_181, %swap3A_182] {strides = array<i32>} : memref<96x128xf32, #tpu.memory_space<vmem>>, vector<16xf32>,
          tpu.vector_store %arg15[%swap3A_181, %swap3A_182], %add3A_180 {strides = array<i32>} : memref<96x128xf32, #tpu.memory_space<vmem>>, vector<16xf32>,
        }
        %scan3A_51 = arith.constant 96 : i32
        %add3A_52 = arith.constant 0 : i32
        %add3A_53 = arith.addi %add3A_36, %add3A_52 : i32
        %dma_start3A_54 = arith.constant 0 : i32
        %dma_start3A_55 = tpu.memref_slice %arg6[%add3A_53, %dma_start3A_54] : memref<160000x128xf32, #tpu.memory_space<hbm>> -> memref<96x128xf32, #tpu.memory_space<hbm>>
        %dma_start3A_56 = arith.constant 0 : i32
        %dma_start3A_57 = tpu.memref_slice %arg6[%add3A_53, %dma_start3A_56] : memref<160000x128xf32, #tpu.memory_space<hbm>> -> memref<96x128xf32, #tpu.memory_space<hbm>>
        tpu.enqueue_dma source(%arg15 : memref<96x128xf32, #tpu.memory_space<vmem>>) target(%dma_start3A_57 : memref<96x128xf32, #tpu.memory_space<hbm>>) target_semaphore(%arg19 : memref<!tpu.dma_semaphore, #tpu.memory_space<semaphore_mem>>)
        %convert_element_type3A_58 = arith.extui %ge3A_33 : i1 to i32
        %cond3A_59 = arith.constant 0 : i32
        %cond3A_60 = arith.cmpi ne, %convert_element_type3A_58, %cond3A_59 : i32
        scf.if %cond3A_60 {
          %dma_wait3A_73 = arith.constant 0 : i32
          %dma_wait3A_74 = tpu.memref_slice %arg6[%add3A_36, %dma_wait3A_73] : memref<160000x128xf32, #tpu.memory_space<hbm>> -> memref<104x128xf32, #tpu.memory_space<hbm>>
          %dma_wait3A_75 = arith.constant 0 : i32
          %dma_wait3A_76 = tpu.memref_slice %arg6[%add3A_36, %dma_wait3A_75] : memref<160000x128xf32, #tpu.memory_space<hbm>> -> memref<104x128xf32, #tpu.memory_space<hbm>>
          tpu.wait_dma2 semaphore(%arg20 : memref<!tpu.dma_semaphore, #tpu.memory_space<semaphore_mem>>) src(%arg16 : memref<104x128xf32, #tpu.memory_space<vmem>>) dst(%dma_wait3A_76 : memref<104x128xf32, #tpu.memory_space<hbm>>)
        } else {
        }
        %scan3A_61 = arith.constant 0 : i32
        %scan3A_62 = arith.constant 0 : i32
        %scan3A_63 = arith.constant 104 : i32
        %scan3A_64 = arith.addi %scan3A_62, %scan3A_63 : i32
        %scan3A_65 = arith.constant 1 : i32
        scf.for %scan3A_73 = %scan3A_62 to %scan3A_64 step %scan3A_65  : i32 {
          %add3A_74 = arith.constant 96 : i32
          %add3A_75 = arith.addi %add3A_74, %scan3A_73 : i32
          %get3A = arith.index_cast %add3A_75 : i32 to index
          %get3A_76 = arith.constant 0 : index
          %get3A_77 = tpu.vector_load %arg13[%get3A, %get3A_76] {strides = array<i32>} : memref<200x128xf32, #tpu.memory_space<vmem>>, vector<16xf32>,
          %add3A_78 = arith.constant 96 : i32
          %add3A_79 = arith.addi %add3A_78, %scan3A_73 : i32
          %get3A_80 = arith.index_cast %add3A_79 : i32 to index
          %get3A_81 = arith.constant 0 : index
          %get3A_82 = tpu.vector_load %arg14[%get3A_80, %get3A_81] {strides = array<i32>} : memref<200x128xf32, #tpu.memory_space<vmem>>, vector<16xf32>,
          %add3A_83 = arith.addf %get3A_77, %get3A_82 : vector<16xf32>
          %swap3A = arith.index_cast %scan3A_73 : i32 to index
          %swap3A_84 = arith.constant 0 : index
          %swap3A_85 = tpu.vector_load %arg16[%swap3A, %swap3A_84] {strides = array<i32>} : memref<104x128xf32, #tpu.memory_space<vmem>>, vector<16xf32>,
          tpu.vector_store %arg16[%swap3A, %swap3A_84], %add3A_83 {strides = array<i32>} : memref<104x128xf32, #tpu.memory_space<vmem>>, vector<16xf32>,
          %add3A_86 = arith.constant 96 : i32
          %add3A_87 = arith.addi %add3A_86, %scan3A_73 : i32
          %get3A_88 = arith.index_cast %add3A_87 : i32 to index
          %get3A_89 = arith.constant 16 : index
          %get3A_90 = tpu.vector_load %arg13[%get3A_88, %get3A_89] {strides = array<i32>} : memref<200x128xf32, #tpu.memory_space<vmem>>, vector<16xf32>,
          %add3A_91 = arith.constant 96 : i32
          %add3A_92 = arith.addi %add3A_91, %scan3A_73 : i32
          %get3A_93 = arith.index_cast %add3A_92 : i32 to index
          %get3A_94 = arith.constant 16 : index
          %get3A_95 = tpu.vector_load %arg14[%get3A_93, %get3A_94] {strides = array<i32>} : memref<200x128xf32, #tpu.memory_space<vmem>>, vector<16xf32>,
          %add3A_96 = arith.addf %get3A_90, %get3A_95 : vector<16xf32>
          %swap3A_97 = arith.index_cast %scan3A_73 : i32 to index
          %swap3A_98 = arith.constant 16 : index
          %swap3A_99 = tpu.vector_load %arg16[%swap3A_97, %swap3A_98] {strides = array<i32>} : memref<104x128xf32, #tpu.memory_space<vmem>>, vector<16xf32>,
          tpu.vector_store %arg16[%swap3A_97, %swap3A_98], %add3A_96 {strides = array<i32>} : memref<104x128xf32, #tpu.memory_space<vmem>>, vector<16xf32>,
          %add3A_100 = arith.constant 96 : i32
          %add3A_101 = arith.addi %add3A_100, %scan3A_73 : i32
          %get3A_102 = arith.index_cast %add3A_101 : i32 to index
          %get3A_103 = arith.constant 32 : index
          %get3A_104 = tpu.vector_load %arg13[%get3A_102, %get3A_103] {strides = array<i32>} : memref<200x128xf32, #tpu.memory_space<vmem>>, vector<16xf32>,
          %add3A_105 = arith.constant 96 : i32
          %add3A_106 = arith.addi %add3A_105, %scan3A_73 : i32
          %get3A_107 = arith.index_cast %add3A_106 : i32 to index
          %get3A_108 = arith.constant 32 : index
          %get3A_109 = tpu.vector_load %arg14[%get3A_107, %get3A_108] {strides = array<i32>} : memref<200x128xf32, #tpu.memory_space<vmem>>, vector<16xf32>,
          %add3A_110 = arith.addf %get3A_104, %get3A_109 : vector<16xf32>
          %swap3A_111 = arith.index_cast %scan3A_73 : i32 to index
          %swap3A_112 = arith.constant 32 : index
          %swap3A_113 = tpu.vector_load %arg16[%swap3A_111, %swap3A_112] {strides = array<i32>} : memref<104x128xf32, #tpu.memory_space<vmem>>, vector<16xf32>,
          tpu.vector_store %arg16[%swap3A_111, %swap3A_112], %add3A_110 {strides = array<i32>} : memref<104x128xf32, #tpu.memory_space<vmem>>, vector<16xf32>,
          %add3A_114 = arith.constant 96 : i32
          %add3A_115 = arith.addi %add3A_114, %scan3A_73 : i32
          %get3A_116 = arith.index_cast %add3A_115 : i32 to index
          %get3A_117 = arith.constant 48 : index
          %get3A_118 = tpu.vector_load %arg13[%get3A_116, %get3A_117] {strides = array<i32>} : memref<200x128xf32, #tpu.memory_space<vmem>>, vector<16xf32>,
          %add3A_119 = arith.constant 96 : i32
          %add3A_120 = arith.addi %add3A_119, %scan3A_73 : i32
          %get3A_121 = arith.index_cast %add3A_120 : i32 to index
          %get3A_122 = arith.constant 48 : index
          %get3A_123 = tpu.vector_load %arg14[%get3A_121, %get3A_122] {strides = array<i32>} : memref<200x128xf32, #tpu.memory_space<vmem>>, vector<16xf32>,
          %add3A_124 = arith.addf %get3A_118, %get3A_123 : vector<16xf32>
          %swap3A_125 = arith.index_cast %scan3A_73 : i32 to index
          %swap3A_126 = arith.constant 48 : index
          %swap3A_127 = tpu.vector_load %arg16[%swap3A_125, %swap3A_126] {strides = array<i32>} : memref<104x128xf32, #tpu.memory_space<vmem>>, vector<16xf32>,
          tpu.vector_store %arg16[%swap3A_125, %swap3A_126], %add3A_124 {strides = array<i32>} : memref<104x128xf32, #tpu.memory_space<vmem>>, vector<16xf32>,
          %add3A_128 = arith.constant 96 : i32
          %add3A_129 = arith.addi %add3A_128, %scan3A_73 : i32
          %get3A_130 = arith.index_cast %add3A_129 : i32 to index
          %get3A_131 = arith.constant 64 : index
          %get3A_132 = tpu.vector_load %arg13[%get3A_130, %get3A_131] {strides = array<i32>} : memref<200x128xf32, #tpu.memory_space<vmem>>, vector<16xf32>,
          %add3A_133 = arith.constant 96 : i32
          %add3A_134 = arith.addi %add3A_133, %scan3A_73 : i32
          %get3A_135 = arith.index_cast %add3A_134 : i32 to index
          %get3A_136 = arith.constant 64 : index
          %get3A_137 = tpu.vector_load %arg14[%get3A_135, %get3A_136] {strides = array<i32>} : memref<200x128xf32, #tpu.memory_space<vmem>>, vector<16xf32>,
          %add3A_138 = arith.addf %get3A_132, %get3A_137 : vector<16xf32>
          %swap3A_139 = arith.index_cast %scan3A_73 : i32 to index
          %swap3A_140 = arith.constant 64 : index
          %swap3A_141 = tpu.vector_load %arg16[%swap3A_139, %swap3A_140] {strides = array<i32>} : memref<104x128xf32, #tpu.memory_space<vmem>>, vector<16xf32>,
          tpu.vector_store %arg16[%swap3A_139, %swap3A_140], %add3A_138 {strides = array<i32>} : memref<104x128xf32, #tpu.memory_space<vmem>>, vector<16xf32>,
          %add3A_142 = arith.constant 96 : i32
          %add3A_143 = arith.addi %add3A_142, %scan3A_73 : i32
          %get3A_144 = arith.index_cast %add3A_143 : i32 to index
          %get3A_145 = arith.constant 80 : index
          %get3A_146 = tpu.vector_load %arg13[%get3A_144, %get3A_145] {strides = array<i32>} : memref<200x128xf32, #tpu.memory_space<vmem>>, vector<16xf32>,
          %add3A_147 = arith.constant 96 : i32
          %add3A_148 = arith.addi %add3A_147, %scan3A_73 : i32
          %get3A_149 = arith.index_cast %add3A_148 : i32 to index
          %get3A_150 = arith.constant 80 : index
          %get3A_151 = tpu.vector_load %arg14[%get3A_149, %get3A_150] {strides = array<i32>} : memref<200x128xf32, #tpu.memory_space<vmem>>, vector<16xf32>,
          %add3A_152 = arith.addf %get3A_146, %get3A_151 : vector<16xf32>
          %swap3A_153 = arith.index_cast %scan3A_73 : i32 to index
          %swap3A_154 = arith.constant 80 : index
          %swap3A_155 = tpu.vector_load %arg16[%swap3A_153, %swap3A_154] {strides = array<i32>} : memref<104x128xf32, #tpu.memory_space<vmem>>, vector<16xf32>,
          tpu.vector_store %arg16[%swap3A_153, %swap3A_154], %add3A_152 {strides = array<i32>} : memref<104x128xf32, #tpu.memory_space<vmem>>, vector<16xf32>,
          %add3A_156 = arith.constant 96 : i32
          %add3A_157 = arith.addi %add3A_156, %scan3A_73 : i32
          %get3A_158 = arith.index_cast %add3A_157 : i32 to index
          %get3A_159 = arith.constant 96 : index
          %get3A_160 = tpu.vector_load %arg13[%get3A_158, %get3A_159] {strides = array<i32>} : memref<200x128xf32, #tpu.memory_space<vmem>>, vector<16xf32>,
          %add3A_161 = arith.constant 96 : i32
          %add3A_162 = arith.addi %add3A_161, %scan3A_73 : i32
          %get3A_163 = arith.index_cast %add3A_162 : i32 to index
          %get3A_164 = arith.constant 96 : index
          %get3A_165 = tpu.vector_load %arg14[%get3A_163, %get3A_164] {strides = array<i32>} : memref<200x128xf32, #tpu.memory_space<vmem>>, vector<16xf32>,
          %add3A_166 = arith.addf %get3A_160, %get3A_165 : vector<16xf32>
          %swap3A_167 = arith.index_cast %scan3A_73 : i32 to index
          %swap3A_168 = arith.constant 96 : index
          %swap3A_169 = tpu.vector_load %arg16[%swap3A_167, %swap3A_168] {strides = array<i32>} : memref<104x128xf32, #tpu.memory_space<vmem>>, vector<16xf32>,
          tpu.vector_store %arg16[%swap3A_167, %swap3A_168], %add3A_166 {strides = array<i32>} : memref<104x128xf32, #tpu.memory_space<vmem>>, vector<16xf32>,
          %add3A_170 = arith.constant 96 : i32
          %add3A_171 = arith.addi %add3A_170, %scan3A_73 : i32
          %get3A_172 = arith.index_cast %add3A_171 : i32 to index
          %get3A_173 = arith.constant 112 : index
          %get3A_174 = tpu.vector_load %arg13[%get3A_172, %get3A_173] {strides = array<i32>} : memref<200x128xf32, #tpu.memory_space<vmem>>, vector<16xf32>,
          %add3A_175 = arith.constant 96 : i32
          %add3A_176 = arith.addi %add3A_175, %scan3A_73 : i32
          %get3A_177 = arith.index_cast %add3A_176 : i32 to index
          %get3A_178 = arith.constant 112 : index
          %get3A_179 = tpu.vector_load %arg14[%get3A_177, %get3A_178] {strides = array<i32>} : memref<200x128xf32, #tpu.memory_space<vmem>>, vector<16xf32>,
          %add3A_180 = arith.addf %get3A_174, %get3A_179 : vector<16xf32>
          %swap3A_181 = arith.index_cast %scan3A_73 : i32 to index
          %swap3A_182 = arith.constant 112 : index
          %swap3A_183 = tpu.vector_load %arg16[%swap3A_181, %swap3A_182] {strides = array<i32>} : memref<104x128xf32, #tpu.memory_space<vmem>>, vector<16xf32>,
          tpu.vector_store %arg16[%swap3A_181, %swap3A_182], %add3A_180 {strides = array<i32>} : memref<104x128xf32, #tpu.memory_space<vmem>>, vector<16xf32>,
        }
        %scan3A_66 = arith.constant 104 : i32
        %add3A_67 = arith.constant 96 : i32
        %add3A_68 = arith.addi %add3A_36, %add3A_67 : i32
        %dma_start3A_69 = arith.constant 0 : i32
        %dma_start3A_70 = tpu.memref_slice %arg6[%add3A_68, %dma_start3A_69] : memref<160000x128xf32, #tpu.memory_space<hbm>> -> memref<104x128xf32, #tpu.memory_space<hbm>>
        %dma_start3A_71 = arith.constant 0 : i32
        %dma_start3A_72 = tpu.memref_slice %arg6[%add3A_68, %dma_start3A_71] : memref<160000x128xf32, #tpu.memory_space<hbm>> -> memref<104x128xf32, #tpu.memory_space<hbm>>
        tpu.enqueue_dma source(%arg16 : memref<104x128xf32, #tpu.memory_space<vmem>>) target(%dma_start3A_72 : memref<104x128xf32, #tpu.memory_space<hbm>>) target_semaphore(%arg20 : memref<!tpu.dma_semaphore, #tpu.memory_space<semaphore_mem>>)
      } else {
        %ge3A = arith.constant 1 : i32
        %ge3A_33 = arith.cmpi sge, %scan3A_22, %ge3A : i32
        %mul3A_34 = arith.constant 200 : i32
        %mul3A_35 = arith.muli %scan3A_22, %mul3A_34 : i32
        %add3A_36 = arith.addi %mul3A_2, %mul3A_35 : i32
        %dma_wait3A_37 = arith.constant 0 : i32
        %dma_wait3A_38 = arith.constant 0 : i32
        %dma_wait3A_39 = tpu.memref_slice %arg2[%dma_wait3A_37, %dma_wait3A_38] : memref<10000x128xf32, #tpu.memory_space<hbm>> -> memref<10000x128xf32, #tpu.memory_space<hbm>>
        tpu.wait_indirect_dma semaphore(%arg17 : memref<!tpu.dma_semaphore, #tpu.memory_space<semaphore_mem>>) src(%dma_wait3A_39 : memref<10000x128xf32, #tpu.memory_space<hbm>>) dst(%arg9 : memref<200x128xf32, #tpu.memory_space<vmem>>)
        %dma_wait3A_40 = arith.constant 0 : i32
        %dma_wait3A_41 = arith.constant 0 : i32
        %dma_wait3A_42 = tpu.memref_slice %arg3[%dma_wait3A_40, %dma_wait3A_41] : memref<10000x128xf32, #tpu.memory_space<hbm>> -> memref<10000x128xf32, #tpu.memory_space<hbm>>
        tpu.wait_indirect_dma semaphore(%arg17 : memref<!tpu.dma_semaphore, #tpu.memory_space<semaphore_mem>>) src(%dma_wait3A_42 : memref<10000x128xf32, #tpu.memory_space<hbm>>) dst(%arg10 : memref<200x128xf32, #tpu.memory_space<vmem>>)
        %convert_element_type3A_43 = arith.extui %ge3A_33 : i1 to i32
        %cond3A_44 = arith.constant 0 : i32
        %cond3A_45 = arith.cmpi ne, %convert_element_type3A_43, %cond3A_44 : i32
        scf.if %cond3A_45 {
          %dma_wait3A_73 = arith.constant 0 : i32
          %dma_wait3A_74 = tpu.memref_slice %arg6[%add3A_36, %dma_wait3A_73] : memref<160000x128xf32, #tpu.memory_space<hbm>> -> memref<96x128xf32, #tpu.memory_space<hbm>>
          %dma_wait3A_75 = arith.constant 0 : i32
          %dma_wait3A_76 = tpu.memref_slice %arg6[%add3A_36, %dma_wait3A_75] : memref<160000x128xf32, #tpu.memory_space<hbm>> -> memref<96x128xf32, #tpu.memory_space<hbm>>
          tpu.wait_dma2 semaphore(%arg19 : memref<!tpu.dma_semaphore, #tpu.memory_space<semaphore_mem>>) src(%arg15 : memref<96x128xf32, #tpu.memory_space<vmem>>) dst(%dma_wait3A_76 : memref<96x128xf32, #tpu.memory_space<hbm>>)
        } else {
        }
        %scan3A_46 = arith.constant 0 : i32
        %scan3A_47 = arith.constant 0 : i32
        %scan3A_48 = arith.constant 96 : i32
        %scan3A_49 = arith.addi %scan3A_47, %scan3A_48 : i32
        %scan3A_50 = arith.constant 1 : i32
        scf.for %scan3A_73 = %scan3A_47 to %scan3A_49 step %scan3A_50  : i32 {
          %add3A_74 = arith.constant 0 : i32
          %add3A_75 = arith.addi %add3A_74, %scan3A_73 : i32
          %get3A = arith.index_cast %add3A_75 : i32 to index
          %get3A_76 = arith.constant 0 : index
          %get3A_77 = tpu.vector_load %arg9[%get3A, %get3A_76] {strides = array<i32>} : memref<200x128xf32, #tpu.memory_space<vmem>>, vector<16xf32>,
          %add3A_78 = arith.constant 0 : i32
          %add3A_79 = arith.addi %add3A_78, %scan3A_73 : i32
          %get3A_80 = arith.index_cast %add3A_79 : i32 to index
          %get3A_81 = arith.constant 0 : index
          %get3A_82 = tpu.vector_load %arg10[%get3A_80, %get3A_81] {strides = array<i32>} : memref<200x128xf32, #tpu.memory_space<vmem>>, vector<16xf32>,
          %add3A_83 = arith.addf %get3A_77, %get3A_82 : vector<16xf32>
          %swap3A = arith.index_cast %scan3A_73 : i32 to index
          %swap3A_84 = arith.constant 0 : index
          %swap3A_85 = tpu.vector_load %arg15[%swap3A, %swap3A_84] {strides = array<i32>} : memref<96x128xf32, #tpu.memory_space<vmem>>, vector<16xf32>,
          tpu.vector_store %arg15[%swap3A, %swap3A_84], %add3A_83 {strides = array<i32>} : memref<96x128xf32, #tpu.memory_space<vmem>>, vector<16xf32>,
          %add3A_86 = arith.constant 0 : i32
          %add3A_87 = arith.addi %add3A_86, %scan3A_73 : i32
          %get3A_88 = arith.index_cast %add3A_87 : i32 to index
          %get3A_89 = arith.constant 16 : index
          %get3A_90 = tpu.vector_load %arg9[%get3A_88, %get3A_89] {strides = array<i32>} : memref<200x128xf32, #tpu.memory_space<vmem>>, vector<16xf32>,
          %add3A_91 = arith.constant 0 : i32
          %add3A_92 = arith.addi %add3A_91, %scan3A_73 : i32
          %get3A_93 = arith.index_cast %add3A_92 : i32 to index
          %get3A_94 = arith.constant 16 : index
          %get3A_95 = tpu.vector_load %arg10[%get3A_93, %get3A_94] {strides = array<i32>} : memref<200x128xf32, #tpu.memory_space<vmem>>, vector<16xf32>,
          %add3A_96 = arith.addf %get3A_90, %get3A_95 : vector<16xf32>
          %swap3A_97 = arith.index_cast %scan3A_73 : i32 to index
          %swap3A_98 = arith.constant 16 : index
          %swap3A_99 = tpu.vector_load %arg15[%swap3A_97, %swap3A_98] {strides = array<i32>} : memref<96x128xf32, #tpu.memory_space<vmem>>, vector<16xf32>,
          tpu.vector_store %arg15[%swap3A_97, %swap3A_98], %add3A_96 {strides = array<i32>} : memref<96x128xf32, #tpu.memory_space<vmem>>, vector<16xf32>,
          %add3A_100 = arith.constant 0 : i32
          %add3A_101 = arith.addi %add3A_100, %scan3A_73 : i32
          %get3A_102 = arith.index_cast %add3A_101 : i32 to index
          %get3A_103 = arith.constant 32 : index
          %get3A_104 = tpu.vector_load %arg9[%get3A_102, %get3A_103] {strides = array<i32>} : memref<200x128xf32, #tpu.memory_space<vmem>>, vector<16xf32>,
          %add3A_105 = arith.constant 0 : i32
          %add3A_106 = arith.addi %add3A_105, %scan3A_73 : i32
          %get3A_107 = arith.index_cast %add3A_106 : i32 to index
          %get3A_108 = arith.constant 32 : index
          %get3A_109 = tpu.vector_load %arg10[%get3A_107, %get3A_108] {strides = array<i32>} : memref<200x128xf32, #tpu.memory_space<vmem>>, vector<16xf32>,
          %add3A_110 = arith.addf %get3A_104, %get3A_109 : vector<16xf32>
          %swap3A_111 = arith.index_cast %scan3A_73 : i32 to index
          %swap3A_112 = arith.constant 32 : index
          %swap3A_113 = tpu.vector_load %arg15[%swap3A_111, %swap3A_112] {strides = array<i32>} : memref<96x128xf32, #tpu.memory_space<vmem>>, vector<16xf32>,
          tpu.vector_store %arg15[%swap3A_111, %swap3A_112], %add3A_110 {strides = array<i32>} : memref<96x128xf32, #tpu.memory_space<vmem>>, vector<16xf32>,
          %add3A_114 = arith.constant 0 : i32
          %add3A_115 = arith.addi %add3A_114, %scan3A_73 : i32
          %get3A_116 = arith.index_cast %add3A_115 : i32 to index
          %get3A_117 = arith.constant 48 : index
          %get3A_118 = tpu.vector_load %arg9[%get3A_116, %get3A_117] {strides = array<i32>} : memref<200x128xf32, #tpu.memory_space<vmem>>, vector<16xf32>,
          %add3A_119 = arith.constant 0 : i32
          %add3A_120 = arith.addi %add3A_119, %scan3A_73 : i32
          %get3A_121 = arith.index_cast %add3A_120 : i32 to index
          %get3A_122 = arith.constant 48 : index
          %get3A_123 = tpu.vector_load %arg10[%get3A_121, %get3A_122] {strides = array<i32>} : memref<200x128xf32, #tpu.memory_space<vmem>>, vector<16xf32>,
          %add3A_124 = arith.addf %get3A_118, %get3A_123 : vector<16xf32>
          %swap3A_125 = arith.index_cast %scan3A_73 : i32 to index
          %swap3A_126 = arith.constant 48 : index
          %swap3A_127 = tpu.vector_load %arg15[%swap3A_125, %swap3A_126] {strides = array<i32>} : memref<96x128xf32, #tpu.memory_space<vmem>>, vector<16xf32>,
          tpu.vector_store %arg15[%swap3A_125, %swap3A_126], %add3A_124 {strides = array<i32>} : memref<96x128xf32, #tpu.memory_space<vmem>>, vector<16xf32>,
          %add3A_128 = arith.constant 0 : i32
          %add3A_129 = arith.addi %add3A_128, %scan3A_73 : i32
          %get3A_130 = arith.index_cast %add3A_129 : i32 to index
          %get3A_131 = arith.constant 64 : index
          %get3A_132 = tpu.vector_load %arg9[%get3A_130, %get3A_131] {strides = array<i32>} : memref<200x128xf32, #tpu.memory_space<vmem>>, vector<16xf32>,
          %add3A_133 = arith.constant 0 : i32
          %add3A_134 = arith.addi %add3A_133, %scan3A_73 : i32
          %get3A_135 = arith.index_cast %add3A_134 : i32 to index
          %get3A_136 = arith.constant 64 : index
          %get3A_137 = tpu.vector_load %arg10[%get3A_135, %get3A_136] {strides = array<i32>} : memref<200x128xf32, #tpu.memory_space<vmem>>, vector<16xf32>,
          %add3A_138 = arith.addf %get3A_132, %get3A_137 : vector<16xf32>
          %swap3A_139 = arith.index_cast %scan3A_73 : i32 to index
          %swap3A_140 = arith.constant 64 : index
          %swap3A_141 = tpu.vector_load %arg15[%swap3A_139, %swap3A_140] {strides = array<i32>} : memref<96x128xf32, #tpu.memory_space<vmem>>, vector<16xf32>,
          tpu.vector_store %arg15[%swap3A_139, %swap3A_140], %add3A_138 {strides = array<i32>} : memref<96x128xf32, #tpu.memory_space<vmem>>, vector<16xf32>,
          %add3A_142 = arith.constant 0 : i32
          %add3A_143 = arith.addi %add3A_142, %scan3A_73 : i32
          %get3A_144 = arith.index_cast %add3A_143 : i32 to index
          %get3A_145 = arith.constant 80 : index
          %get3A_146 = tpu.vector_load %arg9[%get3A_144, %get3A_145] {strides = array<i32>} : memref<200x128xf32, #tpu.memory_space<vmem>>, vector<16xf32>,
          %add3A_147 = arith.constant 0 : i32
          %add3A_148 = arith.addi %add3A_147, %scan3A_73 : i32
          %get3A_149 = arith.index_cast %add3A_148 : i32 to index
          %get3A_150 = arith.constant 80 : index
          %get3A_151 = tpu.vector_load %arg10[%get3A_149, %get3A_150] {strides = array<i32>} : memref<200x128xf32, #tpu.memory_space<vmem>>, vector<16xf32>,
          %add3A_152 = arith.addf %get3A_146, %get3A_151 : vector<16xf32>
          %swap3A_153 = arith.index_cast %scan3A_73 : i32 to index
          %swap3A_154 = arith.constant 80 : index
          %swap3A_155 = tpu.vector_load %arg15[%swap3A_153, %swap3A_154] {strides = array<i32>} : memref<96x128xf32, #tpu.memory_space<vmem>>, vector<16xf32>,
          tpu.vector_store %arg15[%swap3A_153, %swap3A_154], %add3A_152 {strides = array<i32>} : memref<96x128xf32, #tpu.memory_space<vmem>>, vector<16xf32>,
          %add3A_156 = arith.constant 0 : i32
          %add3A_157 = arith.addi %add3A_156, %scan3A_73 : i32
          %get3A_158 = arith.index_cast %add3A_157 : i32 to index
          %get3A_159 = arith.constant 96 : index
          %get3A_160 = tpu.vector_load %arg9[%get3A_158, %get3A_159] {strides = array<i32>} : memref<200x128xf32, #tpu.memory_space<vmem>>, vector<16xf32>,
          %add3A_161 = arith.constant 0 : i32
          %add3A_162 = arith.addi %add3A_161, %scan3A_73 : i32
          %get3A_163 = arith.index_cast %add3A_162 : i32 to index
          %get3A_164 = arith.constant 96 : index
          %get3A_165 = tpu.vector_load %arg10[%get3A_163, %get3A_164] {strides = array<i32>} : memref<200x128xf32, #tpu.memory_space<vmem>>, vector<16xf32>,
          %add3A_166 = arith.addf %get3A_160, %get3A_165 : vector<16xf32>
          %swap3A_167 = arith.index_cast %scan3A_73 : i32 to index
          %swap3A_168 = arith.constant 96 : index
          %swap3A_169 = tpu.vector_load %arg15[%swap3A_167, %swap3A_168] {strides = array<i32>} : memref<96x128xf32, #tpu.memory_space<vmem>>, vector<16xf32>,
          tpu.vector_store %arg15[%swap3A_167, %swap3A_168], %add3A_166 {strides = array<i32>} : memref<96x128xf32, #tpu.memory_space<vmem>>, vector<16xf32>,
          %add3A_170 = arith.constant 0 : i32
          %add3A_171 = arith.addi %add3A_170, %scan3A_73 : i32
          %get3A_172 = arith.index_cast %add3A_171 : i32 to index
          %get3A_173 = arith.constant 112 : index
          %get3A_174 = tpu.vector_load %arg9[%get3A_172, %get3A_173] {strides = array<i32>} : memref<200x128xf32, #tpu.memory_space<vmem>>, vector<16xf32>,
          %add3A_175 = arith.constant 0 : i32
          %add3A_176 = arith.addi %add3A_175, %scan3A_73 : i32
          %get3A_177 = arith.index_cast %add3A_176 : i32 to index
          %get3A_178 = arith.constant 112 : index
          %get3A_179 = tpu.vector_load %arg10[%get3A_177, %get3A_178] {strides = array<i32>} : memref<200x128xf32, #tpu.memory_space<vmem>>, vector<16xf32>,
          %add3A_180 = arith.addf %get3A_174, %get3A_179 : vector<16xf32>
          %swap3A_181 = arith.index_cast %scan3A_73 : i32 to index
          %swap3A_182 = arith.constant 112 : index
          %swap3A_183 = tpu.vector_load %arg15[%swap3A_181, %swap3A_182] {strides = array<i32>} : memref<96x128xf32, #tpu.memory_space<vmem>>, vector<16xf32>,
          tpu.vector_store %arg15[%swap3A_181, %swap3A_182], %add3A_180 {strides = array<i32>} : memref<96x128xf32, #tpu.memory_space<vmem>>, vector<16xf32>,
        }
        %scan3A_51 = arith.constant 96 : i32
        %add3A_52 = arith.constant 0 : i32
        %add3A_53 = arith.addi %add3A_36, %add3A_52 : i32
        %dma_start3A_54 = arith.constant 0 : i32
        %dma_start3A_55 = tpu.memref_slice %arg6[%add3A_53, %dma_start3A_54] : memref<160000x128xf32, #tpu.memory_space<hbm>> -> memref<96x128xf32, #tpu.memory_space<hbm>>
        %dma_start3A_56 = arith.constant 0 : i32
        %dma_start3A_57 = tpu.memref_slice %arg6[%add3A_53, %dma_start3A_56] : memref<160000x128xf32, #tpu.memory_space<hbm>> -> memref<96x128xf32, #tpu.memory_space<hbm>>
        tpu.enqueue_dma source(%arg15 : memref<96x128xf32, #tpu.memory_space<vmem>>) target(%dma_start3A_57 : memref<96x128xf32, #tpu.memory_space<hbm>>) target_semaphore(%arg19 : memref<!tpu.dma_semaphore, #tpu.memory_space<semaphore_mem>>)
        %convert_element_type3A_58 = arith.extui %ge3A_33 : i1 to i32
        %cond3A_59 = arith.constant 0 : i32
        %cond3A_60 = arith.cmpi ne, %convert_element_type3A_58, %cond3A_59 : i32
        scf.if %cond3A_60 {
          %dma_wait3A_73 = arith.constant 0 : i32
          %dma_wait3A_74 = tpu.memref_slice %arg6[%add3A_36, %dma_wait3A_73] : memref<160000x128xf32, #tpu.memory_space<hbm>> -> memref<104x128xf32, #tpu.memory_space<hbm>>
          %dma_wait3A_75 = arith.constant 0 : i32
          %dma_wait3A_76 = tpu.memref_slice %arg6[%add3A_36, %dma_wait3A_75] : memref<160000x128xf32, #tpu.memory_space<hbm>> -> memref<104x128xf32, #tpu.memory_space<hbm>>
          tpu.wait_dma2 semaphore(%arg20 : memref<!tpu.dma_semaphore, #tpu.memory_space<semaphore_mem>>) src(%arg16 : memref<104x128xf32, #tpu.memory_space<vmem>>) dst(%dma_wait3A_76 : memref<104x128xf32, #tpu.memory_space<hbm>>)
        } else {
        }
        %scan3A_61 = arith.constant 0 : i32
        %scan3A_62 = arith.constant 0 : i32
        %scan3A_63 = arith.constant 104 : i32
        %scan3A_64 = arith.addi %scan3A_62, %scan3A_63 : i32
        %scan3A_65 = arith.constant 1 : i32
        scf.for %scan3A_73 = %scan3A_62 to %scan3A_64 step %scan3A_65  : i32 {
          %add3A_74 = arith.constant 96 : i32
          %add3A_75 = arith.addi %add3A_74, %scan3A_73 : i32
          %get3A = arith.index_cast %add3A_75 : i32 to index
          %get3A_76 = arith.constant 0 : index
          %get3A_77 = tpu.vector_load %arg9[%get3A, %get3A_76] {strides = array<i32>} : memref<200x128xf32, #tpu.memory_space<vmem>>, vector<16xf32>,
          %add3A_78 = arith.constant 96 : i32
          %add3A_79 = arith.addi %add3A_78, %scan3A_73 : i32
          %get3A_80 = arith.index_cast %add3A_79 : i32 to index
          %get3A_81 = arith.constant 0 : index
          %get3A_82 = tpu.vector_load %arg10[%get3A_80, %get3A_81] {strides = array<i32>} : memref<200x128xf32, #tpu.memory_space<vmem>>, vector<16xf32>,
          %add3A_83 = arith.addf %get3A_77, %get3A_82 : vector<16xf32>
          %swap3A = arith.index_cast %scan3A_73 : i32 to index
          %swap3A_84 = arith.constant 0 : index
          %swap3A_85 = tpu.vector_load %arg16[%swap3A, %swap3A_84] {strides = array<i32>} : memref<104x128xf32, #tpu.memory_space<vmem>>, vector<16xf32>,
          tpu.vector_store %arg16[%swap3A, %swap3A_84], %add3A_83 {strides = array<i32>} : memref<104x128xf32, #tpu.memory_space<vmem>>, vector<16xf32>,
          %add3A_86 = arith.constant 96 : i32
          %add3A_87 = arith.addi %add3A_86, %scan3A_73 : i32
          %get3A_88 = arith.index_cast %add3A_87 : i32 to index
          %get3A_89 = arith.constant 16 : index
          %get3A_90 = tpu.vector_load %arg9[%get3A_88, %get3A_89] {strides = array<i32>} : memref<200x128xf32, #tpu.memory_space<vmem>>, vector<16xf32>,
          %add3A_91 = arith.constant 96 : i32
          %add3A_92 = arith.addi %add3A_91, %scan3A_73 : i32
          %get3A_93 = arith.index_cast %add3A_92 : i32 to index
          %get3A_94 = arith.constant 16 : index
          %get3A_95 = tpu.vector_load %arg10[%get3A_93, %get3A_94] {strides = array<i32>} : memref<200x128xf32, #tpu.memory_space<vmem>>, vector<16xf32>,
          %add3A_96 = arith.addf %get3A_90, %get3A_95 : vector<16xf32>
          %swap3A_97 = arith.index_cast %scan3A_73 : i32 to index
          %swap3A_98 = arith.constant 16 : index
          %swap3A_99 = tpu.vector_load %arg16[%swap3A_97, %swap3A_98] {strides = array<i32>} : memref<104x128xf32, #tpu.memory_space<vmem>>, vector<16xf32>,
          tpu.vector_store %arg16[%swap3A_97, %swap3A_98], %add3A_96 {strides = array<i32>} : memref<104x128xf32, #tpu.memory_space<vmem>>, vector<16xf32>,
          %add3A_100 = arith.constant 96 : i32
          %add3A_101 = arith.addi %add3A_100, %scan3A_73 : i32
          %get3A_102 = arith.index_cast %add3A_101 : i32 to index
          %get3A_103 = arith.constant 32 : index
          %get3A_104 = tpu.vector_load %arg9[%get3A_102, %get3A_103] {strides = array<i32>} : memref<200x128xf32, #tpu.memory_space<vmem>>, vector<16xf32>,
          %add3A_105 = arith.constant 96 : i32
          %add3A_106 = arith.addi %add3A_105, %scan3A_73 : i32
          %get3A_107 = arith.index_cast %add3A_106 : i32 to index
          %get3A_108 = arith.constant 32 : index
          %get3A_109 = tpu.vector_load %arg10[%get3A_107, %get3A_108] {strides = array<i32>} : memref<200x128xf32, #tpu.memory_space<vmem>>, vector<16xf32>,
          %add3A_110 = arith.addf %get3A_104, %get3A_109 : vector<16xf32>
          %swap3A_111 = arith.index_cast %scan3A_73 : i32 to index
          %swap3A_112 = arith.constant 32 : index
          %swap3A_113 = tpu.vector_load %arg16[%swap3A_111, %swap3A_112] {strides = array<i32>} : memref<104x128xf32, #tpu.memory_space<vmem>>, vector<16xf32>,
          tpu.vector_store %arg16[%swap3A_111, %swap3A_112], %add3A_110 {strides = array<i32>} : memref<104x128xf32, #tpu.memory_space<vmem>>, vector<16xf32>,
          %add3A_114 = arith.constant 96 : i32
          %add3A_115 = arith.addi %add3A_114, %scan3A_73 : i32
          %get3A_116 = arith.index_cast %add3A_115 : i32 to index
          %get3A_117 = arith.constant 48 : index
          %get3A_118 = tpu.vector_load %arg9[%get3A_116, %get3A_117] {strides = array<i32>} : memref<200x128xf32, #tpu.memory_space<vmem>>, vector<16xf32>,
          %add3A_119 = arith.constant 96 : i32
          %add3A_120 = arith.addi %add3A_119, %scan3A_73 : i32
          %get3A_121 = arith.index_cast %add3A_120 : i32 to index
          %get3A_122 = arith.constant 48 : index
          %get3A_123 = tpu.vector_load %arg10[%get3A_121, %get3A_122] {strides = array<i32>} : memref<200x128xf32, #tpu.memory_space<vmem>>, vector<16xf32>,
          %add3A_124 = arith.addf %get3A_118, %get3A_123 : vector<16xf32>
          %swap3A_125 = arith.index_cast %scan3A_73 : i32 to index
          %swap3A_126 = arith.constant 48 : index
          %swap3A_127 = tpu.vector_load %arg16[%swap3A_125, %swap3A_126] {strides = array<i32>} : memref<104x128xf32, #tpu.memory_space<vmem>>, vector<16xf32>,
          tpu.vector_store %arg16[%swap3A_125, %swap3A_126], %add3A_124 {strides = array<i32>} : memref<104x128xf32, #tpu.memory_space<vmem>>, vector<16xf32>,
          %add3A_128 = arith.constant 96 : i32
          %add3A_129 = arith.addi %add3A_128, %scan3A_73 : i32
          %get3A_130 = arith.index_cast %add3A_129 : i32 to index
          %get3A_131 = arith.constant 64 : index
          %get3A_132 = tpu.vector_load %arg9[%get3A_130, %get3A_131] {strides = array<i32>} : memref<200x128xf32, #tpu.memory_space<vmem>>, vector<16xf32>,
          %add3A_133 = arith.constant 96 : i32
          %add3A_134 = arith.addi %add3A_133, %scan3A_73 : i32
          %get3A_135 = arith.index_cast %add3A_134 : i32 to index
          %get3A_136 = arith.constant 64 : index
          %get3A_137 = tpu.vector_load %arg10[%get3A_135, %get3A_136] {strides = array<i32>} : memref<200x128xf32, #tpu.memory_space<vmem>>, vector<16xf32>,
          %add3A_138 = arith.addf %get3A_132, %get3A_137 : vector<16xf32>
          %swap3A_139 = arith.index_cast %scan3A_73 : i32 to index
          %swap3A_140 = arith.constant 64 : index
          %swap3A_141 = tpu.vector_load %arg16[%swap3A_139, %swap3A_140] {strides = array<i32>} : memref<104x128xf32, #tpu.memory_space<vmem>>, vector<16xf32>,
          tpu.vector_store %arg16[%swap3A_139, %swap3A_140], %add3A_138 {strides = array<i32>} : memref<104x128xf32, #tpu.memory_space<vmem>>, vector<16xf32>,
          %add3A_142 = arith.constant 96 : i32
          %add3A_143 = arith.addi %add3A_142, %scan3A_73 : i32
          %get3A_144 = arith.index_cast %add3A_143 : i32 to index
          %get3A_145 = arith.constant 80 : index
          %get3A_146 = tpu.vector_load %arg9[%get3A_144, %get3A_145] {strides = array<i32>} : memref<200x128xf32, #tpu.memory_space<vmem>>, vector<16xf32>,
          %add3A_147 = arith.constant 96 : i32
          %add3A_148 = arith.addi %add3A_147, %scan3A_73 : i32
          %get3A_149 = arith.index_cast %add3A_148 : i32 to index
          %get3A_150 = arith.constant 80 : index
          %get3A_151 = tpu.vector_load %arg10[%get3A_149, %get3A_150] {strides = array<i32>} : memref<200x128xf32, #tpu.memory_space<vmem>>, vector<16xf32>,
          %add3A_152 = arith.addf %get3A_146, %get3A_151 : vector<16xf32>
          %swap3A_153 = arith.index_cast %scan3A_73 : i32 to index
          %swap3A_154 = arith.constant 80 : index
          %swap3A_155 = tpu.vector_load %arg16[%swap3A_153, %swap3A_154] {strides = array<i32>} : memref<104x128xf32, #tpu.memory_space<vmem>>, vector<16xf32>,
          tpu.vector_store %arg16[%swap3A_153, %swap3A_154], %add3A_152 {strides = array<i32>} : memref<104x128xf32, #tpu.memory_space<vmem>>, vector<16xf32>,
          %add3A_156 = arith.constant 96 : i32
          %add3A_157 = arith.addi %add3A_156, %scan3A_73 : i32
          %get3A_158 = arith.index_cast %add3A_157 : i32 to index
          %get3A_159 = arith.constant 96 : index
          %get3A_160 = tpu.vector_load %arg9[%get3A_158, %get3A_159] {strides = array<i32>} : memref<200x128xf32, #tpu.memory_space<vmem>>, vector<16xf32>,
          %add3A_161 = arith.constant 96 : i32
          %add3A_162 = arith.addi %add3A_161, %scan3A_73 : i32
          %get3A_163 = arith.index_cast %add3A_162 : i32 to index
          %get3A_164 = arith.constant 96 : index
          %get3A_165 = tpu.vector_load %arg10[%get3A_163, %get3A_164] {strides = array<i32>} : memref<200x128xf32, #tpu.memory_space<vmem>>, vector<16xf32>,
          %add3A_166 = arith.addf %get3A_160, %get3A_165 : vector<16xf32>
          %swap3A_167 = arith.index_cast %scan3A_73 : i32 to index
          %swap3A_168 = arith.constant 96 : index
          %swap3A_169 = tpu.vector_load %arg16[%swap3A_167, %swap3A_168] {strides = array<i32>} : memref<104x128xf32, #tpu.memory_space<vmem>>, vector<16xf32>,
          tpu.vector_store %arg16[%swap3A_167, %swap3A_168], %add3A_166 {strides = array<i32>} : memref<104x128xf32, #tpu.memory_space<vmem>>, vector<16xf32>,
          %add3A_170 = arith.constant 96 : i32
          %add3A_171 = arith.addi %add3A_170, %scan3A_73 : i32
          %get3A_172 = arith.index_cast %add3A_171 : i32 to index
          %get3A_173 = arith.constant 112 : index
          %get3A_174 = tpu.vector_load %arg9[%get3A_172, %get3A_173] {strides = array<i32>} : memref<200x128xf32, #tpu.memory_space<vmem>>, vector<16xf32>,
          %add3A_175 = arith.constant 96 : i32
          %add3A_176 = arith.addi %add3A_175, %scan3A_73 : i32
          %get3A_177 = arith.index_cast %add3A_176 : i32 to index
          %get3A_178 = arith.constant 112 : index
          %get3A_179 = tpu.vector_load %arg10[%get3A_177, %get3A_178] {strides = array<i32>} : memref<200x128xf32, #tpu.memory_space<vmem>>, vector<16xf32>,
          %add3A_180 = arith.addf %get3A_174, %get3A_179 : vector<16xf32>
          %swap3A_181 = arith.index_cast %scan3A_73 : i32 to index
          %swap3A_182 = arith.constant 112 : index
          %swap3A_183 = tpu.vector_load %arg16[%swap3A_181, %swap3A_182] {strides = array<i32>} : memref<104x128xf32, #tpu.memory_space<vmem>>, vector<16xf32>,
          tpu.vector_store %arg16[%swap3A_181, %swap3A_182], %add3A_180 {strides = array<i32>} : memref<104x128xf32, #tpu.memory_space<vmem>>, vector<16xf32>,
        }
        %scan3A_66 = arith.constant 104 : i32
        %add3A_67 = arith.constant 96 : i32
        %add3A_68 = arith.addi %add3A_36, %add3A_67 : i32
        %dma_start3A_69 = arith.constant 0 : i32
        %dma_start3A_70 = tpu.memref_slice %arg6[%add3A_68, %dma_start3A_69] : memref<160000x128xf32, #tpu.memory_space<hbm>> -> memref<104x128xf32, #tpu.memory_space<hbm>>
        %dma_start3A_71 = arith.constant 0 : i32
        %dma_start3A_72 = tpu.memref_slice %arg6[%add3A_68, %dma_start3A_71] : memref<160000x128xf32, #tpu.memory_space<hbm>> -> memref<104x128xf32, #tpu.memory_space<hbm>>
        tpu.enqueue_dma source(%arg16 : memref<104x128xf32, #tpu.memory_space<vmem>>) target(%dma_start3A_72 : memref<104x128xf32, #tpu.memory_space<hbm>>) target_semaphore(%arg20 : memref<!tpu.dma_semaphore, #tpu.memory_space<semaphore_mem>>)
      }
    }
    %scan3A_14 = arith.constant 25 : i32
    %dma_wait3A = arith.constant 0 : i32
    %dma_wait3A_15 = tpu.memref_slice %arg6[%mul3A_2, %dma_wait3A] : memref<160000x128xf32, #tpu.memory_space<hbm>> -> memref<96x128xf32, #tpu.memory_space<hbm>>
    %dma_wait3A_16 = arith.constant 0 : i32
    %dma_wait3A_17 = tpu.memref_slice %arg6[%mul3A_2, %dma_wait3A_16] : memref<160000x128xf32, #tpu.memory_space<hbm>> -> memref<96x128xf32, #tpu.memory_space<hbm>>
    tpu.wait_dma2 semaphore(%arg19 : memref<!tpu.dma_semaphore, #tpu.memory_space<semaphore_mem>>) src(%arg15 : memref<96x128xf32, #tpu.memory_space<vmem>>) dst(%dma_wait3A_17 : memref<96x128xf32, #tpu.memory_space<hbm>>)
    %dma_wait3A_18 = arith.constant 0 : i32
    %dma_wait3A_19 = tpu.memref_slice %arg6[%mul3A_2, %dma_wait3A_18] : memref<160000x128xf32, #tpu.memory_space<hbm>> -> memref<104x128xf32, #tpu.memory_space<hbm>>
    %dma_wait3A_20 = arith.constant 0 : i32
    %dma_wait3A_21 = tpu.memref_slice %arg6[%mul3A_2, %dma_wait3A_20] : memref<160000x128xf32, #tpu.memory_space<hbm>> -> memref<104x128xf32, #tpu.memory_space<hbm>>
    tpu.wait_dma2 semaphore(%arg20 : memref<!tpu.dma_semaphore, #tpu.memory_space<semaphore_mem>>) src(%arg16 : memref<104x128xf32, #tpu.memory_space<vmem>>) dst(%dma_wait3A_21 : memref<104x128xf32, #tpu.memory_space<hbm>>)
    return
  }
}

module attributes {stable_mosaic.version = 14 : i64} {
  func.func @_prelude_body(%arg0: i32, %arg1: memref<2000x8xf32, #tpu.memory_space<vmem>>, %arg2: memref<32x8xf32, #tpu.memory_space<vmem>>, %arg3: memref<64x8xf32, #tpu.memory_space<vmem>>, %arg4: memref<1x64xf32, #tpu.memory_space<vmem>>, %arg5: memref<64x8xf32, #tpu.memory_space<vmem>>, %arg6: memref<1x64xf32, #tpu.memory_space<vmem>>, %arg7: memref<64x64xf32, #tpu.memory_space<vmem>>, %arg8: memref<1x64xf32, #tpu.memory_space<vmem>>, %arg9: memref<64x8xf32, #tpu.memory_space<vmem>>, %arg10: memref<1x64xf32, #tpu.memory_space<vmem>>, %arg11: memref<64x64xf32, #tpu.memory_space<vmem>>, %arg12: memref<1x64xf32, #tpu.memory_space<vmem>>, %arg13: memref<3x3x64x64xf32, #tpu.memory_space<vmem>>, %arg14: memref<3x2x64xf32, #tpu.memory_space<vmem>>, %arg15: memref<3x2x64x64xf32, #tpu.memory_space<vmem>>, %arg16: memref<3x2x64xf32, #tpu.memory_space<vmem>>, %arg17: memref<3x2x64xf32, #tpu.memory_space<vmem>>, %arg18: memref<3x2x64x64xf32, #tpu.memory_space<vmem>>, %arg19: memref<3x2x64xf32, #tpu.memory_space<vmem>>, %arg20: memref<3x2x64xf32, #tpu.memory_space<vmem>>, %arg21: memref<128x64xf32, #tpu.memory_space<vmem>>, %arg22: memref<128x64xf32, #tpu.memory_space<vmem>>, %arg23: memref<1x128xf32, #tpu.memory_space<vmem>>, %arg24: memref<2000x64xf32, #tpu.memory_space<vmem>>, %arg25: memref<2000x64xf32, #tpu.memory_space<vmem>>, %arg26: memref<2000x128xf32, #tpu.memory_space<vmem>>) attributes {dimension_semantics = [#tpu.dimension_semantics<arbitrary>], iteration_bounds = array<i64: 5>, scalar_prefetch = 0 : i64, scratch_operands = 0 : i64, tpu.core_type = #tpu.core_type<tc>, window_params = [{transform_indices = @transform_0, window_bounds = array<i64: 2000, 8>}, {pipeline_mode = #tpu.pipeline_mode<synchronous>, transform_indices = @transform_1, window_bounds = array<i64: 32, 8>}, {pipeline_mode = #tpu.pipeline_mode<synchronous>, transform_indices = @transform_2, window_bounds = array<i64: 64, 8>}, {pipeline_mode = #tpu.pipeline_mode<synchronous>, transform_indices = @transform_3, window_bounds = array<i64: 1, 64>}, {pipeline_mode = #tpu.pipeline_mode<synchronous>, transform_indices = @transform_4, window_bounds = array<i64: 64, 8>}, {pipeline_mode = #tpu.pipeline_mode<synchronous>, transform_indices = @transform_5, window_bounds = array<i64: 1, 64>}, {pipeline_mode = #tpu.pipeline_mode<synchronous>, transform_indices = @transform_6, window_bounds = array<i64: 64, 64>}, {pipeline_mode = #tpu.pipeline_mode<synchronous>, transform_indices = @transform_7, window_bounds = array<i64: 1, 64>}, {pipeline_mode = #tpu.pipeline_mode<synchronous>, transform_indices = @transform_8, window_bounds = array<i64: 64, 8>}, {pipeline_mode = #tpu.pipeline_mode<synchronous>, transform_indices = @transform_9, window_bounds = array<i64: 1, 64>}, {pipeline_mode = #tpu.pipeline_mode<synchronous>, transform_indices = @transform_10, window_bounds = array<i64: 64, 64>}, {pipeline_mode = #tpu.pipeline_mode<synchronous>, transform_indices = @transform_11, window_bounds = array<i64: 1, 64>}, {pipeline_mode = #tpu.pipeline_mode<synchronous>, transform_indices = @transform_12, window_bounds = array<i64: 3, 3, 64, 64>}, {pipeline_mode = #tpu.pipeline_mode<synchronous>, transform_indices = @transform_13, window_bounds = array<i64: 3, 2, 64>}, {pipeline_mode = #tpu.pipeline_mode<synchronous>, transform_indices = @transform_14, window_bounds = array<i64: 3, 2, 64, 64>}, {pipeline_mode = #tpu.pipeline_mode<synchronous>, transform_indices = @transform_15, window_bounds = array<i64: 3, 2, 64>}, {pipeline_mode = #tpu.pipeline_mode<synchronous>, transform_indices = @transform_16, window_bounds = array<i64: 3, 2, 64>}, {pipeline_mode = #tpu.pipeline_mode<synchronous>, transform_indices = @transform_17, window_bounds = array<i64: 3, 2, 64, 64>}, {pipeline_mode = #tpu.pipeline_mode<synchronous>, transform_indices = @transform_18, window_bounds = array<i64: 3, 2, 64>}, {pipeline_mode = #tpu.pipeline_mode<synchronous>, transform_indices = @transform_19, window_bounds = array<i64: 3, 2, 64>}, {pipeline_mode = #tpu.pipeline_mode<synchronous>, transform_indices = @transform_20, window_bounds = array<i64: 128, 64>}, {pipeline_mode = #tpu.pipeline_mode<synchronous>, transform_indices = @transform_21, window_bounds = array<i64: 128, 64>}, {pipeline_mode = #tpu.pipeline_mode<synchronous>, transform_indices = @transform_22, window_bounds = array<i64: 1, 128>}, {transform_indices = @transform_23, window_bounds = array<i64: 2000, 64>}, {transform_indices = @transform_24, window_bounds = array<i64: 2000, 64>}, {transform_indices = @transform_25, window_bounds = array<i64: 2000, 128>}]} {
    %get3A = arith.constant 0 : index
    %get3A_0 = arith.constant 0 : index
    %get3A_1 = vector.load %arg1[%get3A, %get3A_0] : memref<2000x8xf32, #tpu.memory_space<vmem>>, vector<2000x8xf32>
    %get3A_2 = arith.constant 0 : index
    %get3A_3 = arith.constant 0 : index
    %get3A_4 = vector.load %arg2[%get3A_2, %get3A_3] : memref<32x8xf32, #tpu.memory_space<vmem>>, vector<32x8xf32>
    %get3A_5 = arith.constant 0 : index
    %get3A_6 = arith.constant 0 : index
    %get3A_7 = vector.load %arg3[%get3A_5, %get3A_6] : memref<64x8xf32, #tpu.memory_space<vmem>>, vector<64x8xf32>
    %dot_general3A = arith.constant dense<0.000000e+00> : vector<2000x64xf32>
    %dot_general3A_8 = tpu.matmul %get3A_1, %get3A_7, %dot_general3A {dimension_numbers = #tpu.dot_dimension_numbers<[1], [1], [0], [0], [0, 0, 1, 0], [], []>, transpose_lhs_hint = false} : vector<2000x8xf32>, vector<64x8xf32>, vector<2000x64xf32> -> vector<2000x64xf32>
    %get3A_9 = arith.constant 0 : index
    %get3A_10 = arith.constant 0 : index
    %get3A_11 = vector.load %arg4[%get3A_9, %get3A_10] : memref<1x64xf32, #tpu.memory_space<vmem>>, vector<1x64xf32>
    %add3A = vector.broadcast %get3A_11 : vector<1x64xf32> to vector<2000x64xf32>
    %add3A_12 = arith.addf %dot_general3A_8, %add3A : vector<2000x64xf32>
    %get3A_13 = arith.constant 0 : index
    %get3A_14 = arith.constant 0 : index
    %get3A_15 = vector.load %arg5[%get3A_13, %get3A_14] : memref<64x8xf32, #tpu.memory_space<vmem>>, vector<64x8xf32>
    %dot_general3A_16 = arith.constant dense<0.000000e+00> : vector<2000x64xf32>
    %dot_general3A_17 = tpu.matmul %get3A_1, %get3A_15, %dot_general3A_16 {dimension_numbers = #tpu.dot_dimension_numbers<[1], [1], [0], [0], [0, 0, 1, 0], [], []>, transpose_lhs_hint = false} : vector<2000x8xf32>, vector<64x8xf32>, vector<2000x64xf32> -> vector<2000x64xf32>
    %get3A_18 = arith.constant 0 : index
    %get3A_19 = arith.constant 0 : index
    %get3A_20 = vector.load %arg6[%get3A_18, %get3A_19] : memref<1x64xf32, #tpu.memory_space<vmem>>, vector<1x64xf32>
    %add3A_21 = vector.broadcast %get3A_20 : vector<1x64xf32> to vector<2000x64xf32>
    %add3A_22 = arith.addf %dot_general3A_17, %add3A_21 : vector<2000x64xf32>
    %max3A = arith.constant 0.000000e+00 : f32
    %max3A_23 = vector.broadcast %max3A : f32 to vector<2000x64xf32>
    %max3A_24 = arith.maximumf %add3A_22, %max3A_23 : vector<2000x64xf32>
    %get3A_25 = arith.constant 0 : index
    %get3A_26 = arith.constant 0 : index
    %get3A_27 = vector.load %arg7[%get3A_25, %get3A_26] : memref<64x64xf32, #tpu.memory_space<vmem>>, vector<64x64xf32>
    %dot_general3A_28 = arith.constant dense<0.000000e+00> : vector<2000x64xf32>
    %dot_general3A_29 = tpu.matmul %max3A_24, %get3A_27, %dot_general3A_28 {dimension_numbers = #tpu.dot_dimension_numbers<[1], [1], [0], [0], [0, 0, 1, 0], [], []>, transpose_lhs_hint = false} : vector<2000x64xf32>, vector<64x64xf32>, vector<2000x64xf32> -> vector<2000x64xf32>
    %get3A_30 = arith.constant 0 : index
    %get3A_31 = arith.constant 0 : index
    %get3A_32 = vector.load %arg8[%get3A_30, %get3A_31] : memref<1x64xf32, #tpu.memory_space<vmem>>, vector<1x64xf32>
    %add3A_33 = vector.broadcast %get3A_32 : vector<1x64xf32> to vector<2000x64xf32>
    %add3A_34 = arith.addf %dot_general3A_29, %add3A_33 : vector<2000x64xf32>
    %get3A_35 = arith.constant 0 : index
    %get3A_36 = arith.constant 0 : index
    %get3A_37 = vector.load %arg9[%get3A_35, %get3A_36] : memref<64x8xf32, #tpu.memory_space<vmem>>, vector<64x8xf32>
    %dot_general3A_38 = arith.constant dense<0.000000e+00> : vector<32x64xf32>
    %dot_general3A_39 = tpu.matmul %get3A_4, %get3A_37, %dot_general3A_38 {dimension_numbers = #tpu.dot_dimension_numbers<[1], [1], [0], [0], [0, 0, 1, 0], [], []>, transpose_lhs_hint = false} : vector<32x8xf32>, vector<64x8xf32>, vector<32x64xf32> -> vector<32x64xf32>
    %get3A_40 = arith.constant 0 : index
    %get3A_41 = arith.constant 0 : index
    %get3A_42 = vector.load %arg10[%get3A_40, %get3A_41] : memref<1x64xf32, #tpu.memory_space<vmem>>, vector<1x64xf32>
    %add3A_43 = vector.broadcast %get3A_42 : vector<1x64xf32> to vector<32x64xf32>
    %add3A_44 = arith.addf %dot_general3A_39, %add3A_43 : vector<32x64xf32>
    %max3A_45 = arith.constant 0.000000e+00 : f32
    %max3A_46 = vector.broadcast %max3A_45 : f32 to vector<32x64xf32>
    %max3A_47 = arith.maximumf %add3A_44, %max3A_46 : vector<32x64xf32>
    %get3A_48 = arith.constant 0 : index
    %get3A_49 = arith.constant 0 : index
    %get3A_50 = vector.load %arg11[%get3A_48, %get3A_49] : memref<64x64xf32, #tpu.memory_space<vmem>>, vector<64x64xf32>
    %dot_general3A_51 = arith.constant dense<0.000000e+00> : vector<32x64xf32>
    %dot_general3A_52 = tpu.matmul %max3A_47, %get3A_50, %dot_general3A_51 {dimension_numbers = #tpu.dot_dimension_numbers<[1], [1], [0], [0], [0, 0, 1, 0], [], []>, transpose_lhs_hint = false} : vector<32x64xf32>, vector<64x64xf32>, vector<32x64xf32> -> vector<32x64xf32>
    %get3A_53 = arith.constant 0 : index
    %get3A_54 = arith.constant 0 : index
    %get3A_55 = vector.load %arg12[%get3A_53, %get3A_54] : memref<1x64xf32, #tpu.memory_space<vmem>>, vector<1x64xf32>
    %add3A_56 = vector.broadcast %get3A_55 : vector<1x64xf32> to vector<32x64xf32>
    %add3A_57 = arith.addf %dot_general3A_52, %add3A_56 : vector<32x64xf32>
    %get3A_58 = arith.constant 0 : index
    %get3A_59 = arith.constant 0 : index
    %get3A_60 = arith.constant 0 : index
    %get3A_61 = arith.constant 0 : index
    %get3A_62 = vector.load %arg13[%get3A_58, %get3A_59, %get3A_60, %get3A_61] : memref<3x3x64x64xf32, #tpu.memory_space<vmem>>, vector<1x3x64x64xf32>
    %get3A_63 = vector.shape_cast %get3A_62 : vector<1x3x64x64xf32> to vector<3x64x64xf32>
    %get3A_64 = arith.constant 0 : index
    %get3A_65 = arith.constant 0 : index
    %get3A_66 = arith.constant 0 : index
    %get3A_67 = vector.load %arg14[%get3A_64, %get3A_65, %get3A_66] : memref<3x2x64xf32, #tpu.memory_space<vmem>>, vector<1x2x64xf32>
    %get3A_68 = vector.shape_cast %get3A_67 : vector<1x2x64xf32> to vector<2x64xf32>
    %slice3A = vector.extract_strided_slice %get3A_63 {offsets = [0, 0, 0], sizes = [1, 64, 64], strides = [1, 1, 1]} : vector<3x64x64xf32> to vector<1x64x64xf32>
    %squeeze3A = vector.shape_cast %slice3A : vector<1x64x64xf32> to vector<64x64xf32>
    %dot_general3A_69 = arith.constant dense<0.000000e+00> : vector<2000x64xf32>
    %dot_general3A_70 = tpu.matmul %add3A_34, %squeeze3A, %dot_general3A_69 {dimension_numbers = #tpu.dot_dimension_numbers<[1], [1], [0], [0], [0, 0, 1, 0], [], []>, transpose_lhs_hint = false} : vector<2000x64xf32>, vector<64x64xf32>, vector<2000x64xf32> -> vector<2000x64xf32>
    %slice3A_71 = vector.extract_strided_slice %get3A_63 {offsets = [1, 0, 0], sizes = [1, 64, 64], strides = [1, 1, 1]} : vector<3x64x64xf32> to vector<1x64x64xf32>
    %squeeze3A_72 = vector.shape_cast %slice3A_71 : vector<1x64x64xf32> to vector<64x64xf32>
    %dot_general3A_73 = arith.constant dense<0.000000e+00> : vector<2000x64xf32>
    %dot_general3A_74 = tpu.matmul %add3A_34, %squeeze3A_72, %dot_general3A_73 {dimension_numbers = #tpu.dot_dimension_numbers<[1], [1], [0], [0], [0, 0, 1, 0], [], []>, transpose_lhs_hint = false} : vector<2000x64xf32>, vector<64x64xf32>, vector<2000x64xf32> -> vector<2000x64xf32>
    %slice3A_75 = vector.extract_strided_slice %get3A_63 {offsets = [2, 0, 0], sizes = [1, 64, 64], strides = [1, 1, 1]} : vector<3x64x64xf32> to vector<1x64x64xf32>
    %squeeze3A_76 = vector.shape_cast %slice3A_75 : vector<1x64x64xf32> to vector<64x64xf32>
    %dot_general3A_77 = arith.constant dense<0.000000e+00> : vector<2000x64xf32>
    %dot_general3A_78 = tpu.matmul %add3A_34, %squeeze3A_76, %dot_general3A_77 {dimension_numbers = #tpu.dot_dimension_numbers<[1], [1], [0], [0], [0, 0, 1, 0], [], []>, transpose_lhs_hint = false} : vector<2000x64xf32>, vector<64x64xf32>, vector<2000x64xf32> -> vector<2000x64xf32>
    %slice3A_79 = vector.extract_strided_slice %get3A_63 {offsets = [1, 0, 0], sizes = [1, 64, 64], strides = [1, 1, 1]} : vector<3x64x64xf32> to vector<1x64x64xf32>
    %squeeze3A_80 = vector.shape_cast %slice3A_79 : vector<1x64x64xf32> to vector<64x64xf32>
    %dot_general3A_81 = arith.constant dense<0.000000e+00> : vector<32x64xf32>
    %dot_general3A_82 = tpu.matmul %add3A_57, %squeeze3A_80, %dot_general3A_81 {dimension_numbers = #tpu.dot_dimension_numbers<[1], [1], [0], [0], [0, 0, 1, 0], [], []>, transpose_lhs_hint = false} : vector<32x64xf32>, vector<64x64xf32>, vector<32x64xf32> -> vector<32x64xf32>
    %slice3A_83 = vector.extract_strided_slice %get3A_63 {offsets = [2, 0, 0], sizes = [1, 64, 64], strides = [1, 1, 1]} : vector<3x64x64xf32> to vector<1x64x64xf32>
    %squeeze3A_84 = vector.shape_cast %slice3A_83 : vector<1x64x64xf32> to vector<64x64xf32>
    %dot_general3A_85 = arith.constant dense<0.000000e+00> : vector<32x64xf32>
    %dot_general3A_86 = tpu.matmul %add3A_57, %squeeze3A_84, %dot_general3A_85 {dimension_numbers = #tpu.dot_dimension_numbers<[1], [1], [0], [0], [0, 0, 1, 0], [], []>, transpose_lhs_hint = false} : vector<32x64xf32>, vector<64x64xf32>, vector<32x64xf32> -> vector<32x64xf32>
    %mul3A = arith.mulf %dot_general3A_70, %dot_general3A_74 : vector<2000x64xf32>
    %reduce_sum3A = arith.constant dense<0.000000e+00> : vector<2000xf32>
    %reduce_sum3A_87 = vector.multi_reduction <add>, %mul3A, %reduce_sum3A [1] : vector<2000x64xf32> to vector<2000xf32>
    %broadcast_in_dim3A = vector.shape_cast %reduce_sum3A_87 : vector<2000xf32> to vector<2000x1xf32>
    %div3A = arith.constant 8.000000e+00 : f32
    %div3A_88 = vector.broadcast %div3A : f32 to vector<2000x1xf32>
    %div3A_89 = arith.divf %broadcast_in_dim3A, %div3A_88 : vector<2000x1xf32>
    %dot_general3A_90 = arith.constant dense<0.000000e+00> : vector<2000x32xf32>
    %dot_general3A_91 = tpu.matmul %dot_general3A_70, %dot_general3A_82, %dot_general3A_90 {dimension_numbers = #tpu.dot_dimension_numbers<[1], [1], [0], [0], [0, 0, 1, 0], [], []>, transpose_lhs_hint = false} : vector<2000x64xf32>, vector<32x64xf32>, vector<2000x32xf32> -> vector<2000x32xf32>
    %div3A_92 = arith.constant 8.000000e+00 : f32
    %div3A_93 = vector.broadcast %div3A_92 : f32 to vector<2000x32xf32>
    %div3A_94 = arith.divf %dot_general3A_91, %div3A_93 : vector<2000x32xf32>
    %reduce_max3A = arith.constant dense<0xFF800000> : vector<2000xf32>
    %reduce_max3A_95 = vector.multi_reduction <maximumf>, %div3A_94, %reduce_max3A [1] : vector<2000x32xf32> to vector<2000xf32>
    %broadcast_in_dim3A_96 = vector.shape_cast %reduce_max3A_95 : vector<2000xf32> to vector<2000x1xf32>
    %max3A_97 = arith.maximumf %div3A_89, %broadcast_in_dim3A_96 : vector<2000x1xf32>
    %sub3A = arith.subf %div3A_89, %max3A_97 : vector<2000x1xf32>
    %exp3A = math.exp %sub3A : vector<2000x1xf32>
    %sub3A_98 = vector.broadcast %max3A_97 : vector<2000x1xf32> to vector<2000x32xf32>
    %sub3A_99 = arith.subf %div3A_94, %sub3A_98 : vector<2000x32xf32>
    %exp3A_100 = math.exp %sub3A_99 : vector<2000x32xf32>
    %reduce_sum3A_101 = arith.constant dense<0.000000e+00> : vector<2000xf32>
    %reduce_sum3A_102 = vector.multi_reduction <add>, %exp3A_100, %reduce_sum3A_101 [1] : vector<2000x32xf32> to vector<2000xf32>
    %broadcast_in_dim3A_103 = vector.shape_cast %reduce_sum3A_102 : vector<2000xf32> to vector<2000x1xf32>
    %add3A_104 = arith.addf %exp3A, %broadcast_in_dim3A_103 : vector<2000x1xf32>
    %div3A_105 = arith.divf %exp3A, %add3A_104 : vector<2000x1xf32>
    %mul3A_106 = vector.broadcast %div3A_105 : vector<2000x1xf32> to vector<2000x64xf32>
    %mul3A_107 = arith.mulf %mul3A_106, %dot_general3A_78 : vector<2000x64xf32>
    %div3A_108 = vector.broadcast %add3A_104 : vector<2000x1xf32> to vector<2000x32xf32>
    %div3A_109 = arith.divf %exp3A_100, %div3A_108 : vector<2000x32xf32>
    %dot_general3A_110 = arith.constant dense<0.000000e+00> : vector<2000x64xf32>
    %dot_general3A_111 = tpu.matmul %div3A_109, %dot_general3A_86, %dot_general3A_110 {dimension_numbers = #tpu.dot_dimension_numbers<[1], [0], [0], [1], [0, 0, 1, 1], [], []>, transpose_lhs_hint = false} : vector<2000x32xf32>, vector<32x64xf32>, vector<2000x64xf32> -> vector<2000x64xf32>
    %add3A_112 = arith.addf %mul3A_107, %dot_general3A_111 : vector<2000x64xf32>
    %add3A_113 = arith.addf %add3A_112, %add3A_34 : vector<2000x64xf32>
    %slice3A_114 = vector.extract_strided_slice %get3A_68 {offsets = [0, 0], sizes = [1, 64], strides = [1, 1]} : vector<2x64xf32> to vector<1x64xf32>
    %squeeze3A_115 = vector.shape_cast %slice3A_114 : vector<1x64xf32> to vector<64xf32>
    %slice3A_116 = vector.extract_strided_slice %get3A_68 {offsets = [1, 0], sizes = [1, 64], strides = [1, 1]} : vector<2x64xf32> to vector<1x64xf32>
    %squeeze3A_117 = vector.shape_cast %slice3A_116 : vector<1x64xf32> to vector<64xf32>
    %reduce_sum3A_118 = arith.constant dense<0.000000e+00> : vector<2000xf32>
    %reduce_sum3A_119 = vector.multi_reduction <add>, %add3A_113, %reduce_sum3A_118 [1] : vector<2000x64xf32> to vector<2000xf32>
    %broadcast_in_dim3A_120 = vector.shape_cast %reduce_sum3A_119 : vector<2000xf32> to vector<2000x1xf32>
    %div3A_121 = arith.constant 6.400000e+01 : f32
    %div3A_122 = vector.broadcast %div3A_121 : f32 to vector<2000x1xf32>
    %div3A_123 = arith.divf %broadcast_in_dim3A_120, %div3A_122 : vector<2000x1xf32>
    %sub3A_124 = vector.broadcast %div3A_123 : vector<2000x1xf32> to vector<2000x64xf32>
    %sub3A_125 = arith.subf %add3A_113, %sub3A_124 : vector<2000x64xf32>
    %integer_pow3A = arith.mulf %sub3A_125, %sub3A_125 : vector<2000x64xf32>
    %reduce_sum3A_126 = arith.constant dense<0.000000e+00> : vector<2000xf32>
    %reduce_sum3A_127 = vector.multi_reduction <add>, %integer_pow3A, %reduce_sum3A_126 [1] : vector<2000x64xf32> to vector<2000xf32>
    %broadcast_in_dim3A_128 = vector.shape_cast %reduce_sum3A_127 : vector<2000xf32> to vector<2000x1xf32>
    %div3A_129 = arith.constant 6.400000e+01 : f32
    %div3A_130 = vector.broadcast %div3A_129 : f32 to vector<2000x1xf32>
    %div3A_131 = arith.divf %broadcast_in_dim3A_128, %div3A_130 : vector<2000x1xf32>
    %sub3A_132 = vector.broadcast %div3A_123 : vector<2000x1xf32> to vector<2000x64xf32>
    %sub3A_133 = arith.subf %add3A_113, %sub3A_132 : vector<2000x64xf32>
    %add3A_134 = arith.constant 9.99999997E-7 : f32
    %add3A_135 = vector.broadcast %add3A_134 : f32 to vector<2000x1xf32>
    %add3A_136 = arith.addf %div3A_131, %add3A_135 : vector<2000x1xf32>
    %sqrt3A = math.sqrt %add3A_136 : vector<2000x1xf32>
    %div3A_137 = vector.broadcast %sqrt3A : vector<2000x1xf32> to vector<2000x64xf32>
    %div3A_138 = arith.divf %sub3A_133, %div3A_137 : vector<2000x64xf32>
    %broadcast_in_dim3A_139 = vector.shape_cast %squeeze3A_115 : vector<64xf32> to vector<1x64xf32>
    %mul3A_140 = vector.broadcast %broadcast_in_dim3A_139 : vector<1x64xf32> to vector<2000x64xf32>
    %mul3A_141 = arith.mulf %div3A_138, %mul3A_140 : vector<2000x64xf32>
    %broadcast_in_dim3A_142 = vector.shape_cast %squeeze3A_117 : vector<64xf32> to vector<1x64xf32>
    %add3A_143 = vector.broadcast %broadcast_in_dim3A_142 : vector<1x64xf32> to vector<2000x64xf32>
    %add3A_144 = arith.addf %mul3A_141, %add3A_143 : vector<2000x64xf32>
    %get3A_145 = arith.constant 0 : index
    %get3A_146 = arith.constant 0 : index
    %get3A_147 = arith.constant 0 : index
    %get3A_148 = arith.constant 0 : index
    %get3A_149 = vector.load %arg15[%get3A_145, %get3A_146, %get3A_147, %get3A_148] : memref<3x2x64x64xf32, #tpu.memory_space<vmem>>, vector<1x2x64x64xf32>
    %get3A_150 = vector.shape_cast %get3A_149 : vector<1x2x64x64xf32> to vector<2x64x64xf32>
    %get3A_151 = arith.constant 0 : index
    %get3A_152 = arith.constant 0 : index
    %get3A_153 = arith.constant 0 : index
    %get3A_154 = vector.load %arg16[%get3A_151, %get3A_152, %get3A_153] : memref<3x2x64xf32, #tpu.memory_space<vmem>>, vector<1x2x64xf32>
    %get3A_155 = vector.shape_cast %get3A_154 : vector<1x2x64xf32> to vector<2x64xf32>
    %get3A_156 = arith.constant 0 : index
    %get3A_157 = arith.constant 0 : index
    %get3A_158 = arith.constant 0 : index
    %get3A_159 = vector.load %arg17[%get3A_156, %get3A_157, %get3A_158] : memref<3x2x64xf32, #tpu.memory_space<vmem>>, vector<1x2x64xf32>
    %get3A_160 = vector.shape_cast %get3A_159 : vector<1x2x64xf32> to vector<2x64xf32>
    %slice3A_161 = vector.extract_strided_slice %get3A_150 {offsets = [0, 0, 0], sizes = [1, 64, 64], strides = [1, 1, 1]} : vector<2x64x64xf32> to vector<1x64x64xf32>
    %squeeze3A_162 = vector.shape_cast %slice3A_161 : vector<1x64x64xf32> to vector<64x64xf32>
    %dot_general3A_163 = arith.constant dense<0.000000e+00> : vector<2000x64xf32>
    %dot_general3A_164 = tpu.matmul %add3A_144, %squeeze3A_162, %dot_general3A_163 {dimension_numbers = #tpu.dot_dimension_numbers<[1], [1], [0], [0], [0, 0, 1, 0], [], []>, transpose_lhs_hint = false} : vector<2000x64xf32>, vector<64x64xf32>, vector<2000x64xf32> -> vector<2000x64xf32>
    %slice3A_165 = vector.extract_strided_slice %get3A_155 {offsets = [0, 0], sizes = [1, 64], strides = [1, 1]} : vector<2x64xf32> to vector<1x64xf32>
    %squeeze3A_166 = vector.shape_cast %slice3A_165 : vector<1x64xf32> to vector<64xf32>
    %broadcast_in_dim3A_167 = vector.shape_cast %squeeze3A_166 : vector<64xf32> to vector<1x64xf32>
    %add3A_168 = vector.broadcast %broadcast_in_dim3A_167 : vector<1x64xf32> to vector<2000x64xf32>
    %add3A_169 = arith.addf %dot_general3A_164, %add3A_168 : vector<2000x64xf32>
    %max3A_170 = arith.constant 0.000000e+00 : f32
    %max3A_171 = vector.broadcast %max3A_170 : f32 to vector<2000x64xf32>
    %max3A_172 = arith.maximumf %add3A_169, %max3A_171 : vector<2000x64xf32>
    %slice3A_173 = vector.extract_strided_slice %get3A_150 {offsets = [1, 0, 0], sizes = [1, 64, 64], strides = [1, 1, 1]} : vector<2x64x64xf32> to vector<1x64x64xf32>
    %squeeze3A_174 = vector.shape_cast %slice3A_173 : vector<1x64x64xf32> to vector<64x64xf32>
    %dot_general3A_175 = arith.constant dense<0.000000e+00> : vector<2000x64xf32>
    %dot_general3A_176 = tpu.matmul %max3A_172, %squeeze3A_174, %dot_general3A_175 {dimension_numbers = #tpu.dot_dimension_numbers<[1], [1], [0], [0], [0, 0, 1, 0], [], []>, transpose_lhs_hint = false} : vector<2000x64xf32>, vector<64x64xf32>, vector<2000x64xf32> -> vector<2000x64xf32>
    %slice3A_177 = vector.extract_strided_slice %get3A_155 {offsets = [1, 0], sizes = [1, 64], strides = [1, 1]} : vector<2x64xf32> to vector<1x64xf32>
    %squeeze3A_178 = vector.shape_cast %slice3A_177 : vector<1x64xf32> to vector<64xf32>
    %broadcast_in_dim3A_179 = vector.shape_cast %squeeze3A_178 : vector<64xf32> to vector<1x64xf32>
    %add3A_180 = vector.broadcast %broadcast_in_dim3A_179 : vector<1x64xf32> to vector<2000x64xf32>
    %add3A_181 = arith.addf %dot_general3A_176, %add3A_180 : vector<2000x64xf32>
    %add3A_182 = arith.addf %add3A_144, %add3A_181 : vector<2000x64xf32>
    %slice3A_183 = vector.extract_strided_slice %get3A_160 {offsets = [0, 0], sizes = [1, 64], strides = [1, 1]} : vector<2x64xf32> to vector<1x64xf32>
    %squeeze3A_184 = vector.shape_cast %slice3A_183 : vector<1x64xf32> to vector<64xf32>
    %slice3A_185 = vector.extract_strided_slice %get3A_160 {offsets = [1, 0], sizes = [1, 64], strides = [1, 1]} : vector<2x64xf32> to vector<1x64xf32>
    %squeeze3A_186 = vector.shape_cast %slice3A_185 : vector<1x64xf32> to vector<64xf32>
    %reduce_sum3A_187 = arith.constant dense<0.000000e+00> : vector<2000xf32>
    %reduce_sum3A_188 = vector.multi_reduction <add>, %add3A_182, %reduce_sum3A_187 [1] : vector<2000x64xf32> to vector<2000xf32>
    %broadcast_in_dim3A_189 = vector.shape_cast %reduce_sum3A_188 : vector<2000xf32> to vector<2000x1xf32>
    %div3A_190 = arith.constant 6.400000e+01 : f32
    %div3A_191 = vector.broadcast %div3A_190 : f32 to vector<2000x1xf32>
    %div3A_192 = arith.divf %broadcast_in_dim3A_189, %div3A_191 : vector<2000x1xf32>
    %sub3A_193 = vector.broadcast %div3A_192 : vector<2000x1xf32> to vector<2000x64xf32>
    %sub3A_194 = arith.subf %add3A_182, %sub3A_193 : vector<2000x64xf32>
    %integer_pow3A_195 = arith.mulf %sub3A_194, %sub3A_194 : vector<2000x64xf32>
    %reduce_sum3A_196 = arith.constant dense<0.000000e+00> : vector<2000xf32>
    %reduce_sum3A_197 = vector.multi_reduction <add>, %integer_pow3A_195, %reduce_sum3A_196 [1] : vector<2000x64xf32> to vector<2000xf32>
    %broadcast_in_dim3A_198 = vector.shape_cast %reduce_sum3A_197 : vector<2000xf32> to vector<2000x1xf32>
    %div3A_199 = arith.constant 6.400000e+01 : f32
    %div3A_200 = vector.broadcast %div3A_199 : f32 to vector<2000x1xf32>
    %div3A_201 = arith.divf %broadcast_in_dim3A_198, %div3A_200 : vector<2000x1xf32>
    %sub3A_202 = vector.broadcast %div3A_192 : vector<2000x1xf32> to vector<2000x64xf32>
    %sub3A_203 = arith.subf %add3A_182, %sub3A_202 : vector<2000x64xf32>
    %add3A_204 = arith.constant 9.99999997E-7 : f32
    %add3A_205 = vector.broadcast %add3A_204 : f32 to vector<2000x1xf32>
    %add3A_206 = arith.addf %div3A_201, %add3A_205 : vector<2000x1xf32>
    %sqrt3A_207 = math.sqrt %add3A_206 : vector<2000x1xf32>
    %div3A_208 = vector.broadcast %sqrt3A_207 : vector<2000x1xf32> to vector<2000x64xf32>
    %div3A_209 = arith.divf %sub3A_203, %div3A_208 : vector<2000x64xf32>
    %broadcast_in_dim3A_210 = vector.shape_cast %squeeze3A_184 : vector<64xf32> to vector<1x64xf32>
    %mul3A_211 = vector.broadcast %broadcast_in_dim3A_210 : vector<1x64xf32> to vector<2000x64xf32>
    %mul3A_212 = arith.mulf %div3A_209, %mul3A_211 : vector<2000x64xf32>
    %broadcast_in_dim3A_213 = vector.shape_cast %squeeze3A_186 : vector<64xf32> to vector<1x64xf32>
    %add3A_214 = vector.broadcast %broadcast_in_dim3A_213 : vector<1x64xf32> to vector<2000x64xf32>
    %add3A_215 = arith.addf %mul3A_212, %add3A_214 : vector<2000x64xf32>
    %get3A_216 = arith.constant 0 : index
    %get3A_217 = arith.constant 0 : index
    %get3A_218 = arith.constant 0 : index
    %get3A_219 = arith.constant 0 : index
    %get3A_220 = vector.load %arg18[%get3A_216, %get3A_217, %get3A_218, %get3A_219] : memref<3x2x64x64xf32, #tpu.memory_space<vmem>>, vector<1x2x64x64xf32>
    %get3A_221 = vector.shape_cast %get3A_220 : vector<1x2x64x64xf32> to vector<2x64x64xf32>
    %get3A_222 = arith.constant 0 : index
    %get3A_223 = arith.constant 0 : index
    %get3A_224 = arith.constant 0 : index
    %get3A_225 = vector.load %arg19[%get3A_222, %get3A_223, %get3A_224] : memref<3x2x64xf32, #tpu.memory_space<vmem>>, vector<1x2x64xf32>
    %get3A_226 = vector.shape_cast %get3A_225 : vector<1x2x64xf32> to vector<2x64xf32>
    %get3A_227 = arith.constant 0 : index
    %get3A_228 = arith.constant 0 : index
    %get3A_229 = arith.constant 0 : index
    %get3A_230 = vector.load %arg20[%get3A_227, %get3A_228, %get3A_229] : memref<3x2x64xf32, #tpu.memory_space<vmem>>, vector<1x2x64xf32>
    %get3A_231 = vector.shape_cast %get3A_230 : vector<1x2x64xf32> to vector<2x64xf32>
    %slice3A_232 = vector.extract_strided_slice %get3A_221 {offsets = [0, 0, 0], sizes = [1, 64, 64], strides = [1, 1, 1]} : vector<2x64x64xf32> to vector<1x64x64xf32>
    %squeeze3A_233 = vector.shape_cast %slice3A_232 : vector<1x64x64xf32> to vector<64x64xf32>
    %dot_general3A_234 = arith.constant dense<0.000000e+00> : vector<32x64xf32>
    %dot_general3A_235 = tpu.matmul %add3A_57, %squeeze3A_233, %dot_general3A_234 {dimension_numbers = #tpu.dot_dimension_numbers<[1], [1], [0], [0], [0, 0, 1, 0], [], []>, transpose_lhs_hint = false} : vector<32x64xf32>, vector<64x64xf32>, vector<32x64xf32> -> vector<32x64xf32>
    %slice3A_236 = vector.extract_strided_slice %get3A_226 {offsets = [0, 0], sizes = [1, 64], strides = [1, 1]} : vector<2x64xf32> to vector<1x64xf32>
    %squeeze3A_237 = vector.shape_cast %slice3A_236 : vector<1x64xf32> to vector<64xf32>
    %broadcast_in_dim3A_238 = vector.shape_cast %squeeze3A_237 : vector<64xf32> to vector<1x64xf32>
    %add3A_239 = vector.broadcast %broadcast_in_dim3A_238 : vector<1x64xf32> to vector<32x64xf32>
    %add3A_240 = arith.addf %dot_general3A_235, %add3A_239 : vector<32x64xf32>
    %max3A_241 = arith.constant 0.000000e+00 : f32
    %max3A_242 = vector.broadcast %max3A_241 : f32 to vector<32x64xf32>
    %max3A_243 = arith.maximumf %add3A_240, %max3A_242 : vector<32x64xf32>
    %slice3A_244 = vector.extract_strided_slice %get3A_221 {offsets = [1, 0, 0], sizes = [1, 64, 64], strides = [1, 1, 1]} : vector<2x64x64xf32> to vector<1x64x64xf32>
    %squeeze3A_245 = vector.shape_cast %slice3A_244 : vector<1x64x64xf32> to vector<64x64xf32>
    %dot_general3A_246 = arith.constant dense<0.000000e+00> : vector<32x64xf32>
    %dot_general3A_247 = tpu.matmul %max3A_243, %squeeze3A_245, %dot_general3A_246 {dimension_numbers = #tpu.dot_dimension_numbers<[1], [1], [0], [0], [0, 0, 1, 0], [], []>, transpose_lhs_hint = false} : vector<32x64xf32>, vector<64x64xf32>, vector<32x64xf32> -> vector<32x64xf32>
    %slice3A_248 = vector.extract_strided_slice %get3A_226 {offsets = [1, 0], sizes = [1, 64], strides = [1, 1]} : vector<2x64xf32> to vector<1x64xf32>
    %squeeze3A_249 = vector.shape_cast %slice3A_248 : vector<1x64xf32> to vector<64xf32>
    %broadcast_in_dim3A_250 = vector.shape_cast %squeeze3A_249 : vector<64xf32> to vector<1x64xf32>
    %add3A_251 = vector.broadcast %broadcast_in_dim3A_250 : vector<1x64xf32> to vector<32x64xf32>
    %add3A_252 = arith.addf %dot_general3A_247, %add3A_251 : vector<32x64xf32>
    %add3A_253 = arith.addf %add3A_57, %add3A_252 : vector<32x64xf32>
    %slice3A_254 = vector.extract_strided_slice %get3A_231 {offsets = [0, 0], sizes = [1, 64], strides = [1, 1]} : vector<2x64xf32> to vector<1x64xf32>
    %squeeze3A_255 = vector.shape_cast %slice3A_254 : vector<1x64xf32> to vector<64xf32>
    %slice3A_256 = vector.extract_strided_slice %get3A_231 {offsets = [1, 0], sizes = [1, 64], strides = [1, 1]} : vector<2x64xf32> to vector<1x64xf32>
    %squeeze3A_257 = vector.shape_cast %slice3A_256 : vector<1x64xf32> to vector<64xf32>
    %reduce_sum3A_258 = arith.constant dense<0.000000e+00> : vector<32xf32>
    %reduce_sum3A_259 = vector.multi_reduction <add>, %add3A_253, %reduce_sum3A_258 [1] : vector<32x64xf32> to vector<32xf32>
    %broadcast_in_dim3A_260 = vector.shape_cast %reduce_sum3A_259 : vector<32xf32> to vector<32x1xf32>
    %div3A_261 = arith.constant 6.400000e+01 : f32
    %div3A_262 = vector.broadcast %div3A_261 : f32 to vector<32x1xf32>
    %div3A_263 = arith.divf %broadcast_in_dim3A_260, %div3A_262 : vector<32x1xf32>
    %sub3A_264 = vector.broadcast %div3A_263 : vector<32x1xf32> to vector<32x64xf32>
    %sub3A_265 = arith.subf %add3A_253, %sub3A_264 : vector<32x64xf32>
    %integer_pow3A_266 = arith.mulf %sub3A_265, %sub3A_265 : vector<32x64xf32>
    %reduce_sum3A_267 = arith.constant dense<0.000000e+00> : vector<32xf32>
    %reduce_sum3A_268 = vector.multi_reduction <add>, %integer_pow3A_266, %reduce_sum3A_267 [1] : vector<32x64xf32> to vector<32xf32>
    %broadcast_in_dim3A_269 = vector.shape_cast %reduce_sum3A_268 : vector<32xf32> to vector<32x1xf32>
    %div3A_270 = arith.constant 6.400000e+01 : f32
    %div3A_271 = vector.broadcast %div3A_270 : f32 to vector<32x1xf32>
    %div3A_272 = arith.divf %broadcast_in_dim3A_269, %div3A_271 : vector<32x1xf32>
    %sub3A_273 = vector.broadcast %div3A_263 : vector<32x1xf32> to vector<32x64xf32>
    %sub3A_274 = arith.subf %add3A_253, %sub3A_273 : vector<32x64xf32>
    %add3A_275 = arith.constant 9.99999997E-7 : f32
    %add3A_276 = vector.broadcast %add3A_275 : f32 to vector<32x1xf32>
    %add3A_277 = arith.addf %div3A_272, %add3A_276 : vector<32x1xf32>
    %sqrt3A_278 = math.sqrt %add3A_277 : vector<32x1xf32>
    %div3A_279 = vector.broadcast %sqrt3A_278 : vector<32x1xf32> to vector<32x64xf32>
    %div3A_280 = arith.divf %sub3A_274, %div3A_279 : vector<32x64xf32>
    %broadcast_in_dim3A_281 = vector.shape_cast %squeeze3A_255 : vector<64xf32> to vector<1x64xf32>
    %mul3A_282 = vector.broadcast %broadcast_in_dim3A_281 : vector<1x64xf32> to vector<32x64xf32>
    %mul3A_283 = arith.mulf %div3A_280, %mul3A_282 : vector<32x64xf32>
    %broadcast_in_dim3A_284 = vector.shape_cast %squeeze3A_257 : vector<64xf32> to vector<1x64xf32>
    %add3A_285 = vector.broadcast %broadcast_in_dim3A_284 : vector<1x64xf32> to vector<32x64xf32>
    %add3A_286 = arith.addf %mul3A_283, %add3A_285 : vector<32x64xf32>
    %get3A_287 = arith.constant 1 : index
    %get3A_288 = arith.constant 0 : index
    %get3A_289 = arith.constant 0 : index
    %get3A_290 = arith.constant 0 : index
    %get3A_291 = vector.load %arg13[%get3A_287, %get3A_288, %get3A_289, %get3A_290] : memref<3x3x64x64xf32, #tpu.memory_space<vmem>>, vector<1x3x64x64xf32>
    %get3A_292 = vector.shape_cast %get3A_291 : vector<1x3x64x64xf32> to vector<3x64x64xf32>
    %get3A_293 = arith.constant 1 : index
    %get3A_294 = arith.constant 0 : index
    %get3A_295 = arith.constant 0 : index
    %get3A_296 = vector.load %arg14[%get3A_293, %get3A_294, %get3A_295] : memref<3x2x64xf32, #tpu.memory_space<vmem>>, vector<1x2x64xf32>
    %get3A_297 = vector.shape_cast %get3A_296 : vector<1x2x64xf32> to vector<2x64xf32>
    %slice3A_298 = vector.extract_strided_slice %get3A_292 {offsets = [0, 0, 0], sizes = [1, 64, 64], strides = [1, 1, 1]} : vector<3x64x64xf32> to vector<1x64x64xf32>
    %squeeze3A_299 = vector.shape_cast %slice3A_298 : vector<1x64x64xf32> to vector<64x64xf32>
    %dot_general3A_300 = arith.constant dense<0.000000e+00> : vector<2000x64xf32>
    %dot_general3A_301 = tpu.matmul %add3A_215, %squeeze3A_299, %dot_general3A_300 {dimension_numbers = #tpu.dot_dimension_numbers<[1], [1], [0], [0], [0, 0, 1, 0], [], []>, transpose_lhs_hint = false} : vector<2000x64xf32>, vector<64x64xf32>, vector<2000x64xf32> -> vector<2000x64xf32>
    %slice3A_302 = vector.extract_strided_slice %get3A_292 {offsets = [1, 0, 0], sizes = [1, 64, 64], strides = [1, 1, 1]} : vector<3x64x64xf32> to vector<1x64x64xf32>
    %squeeze3A_303 = vector.shape_cast %slice3A_302 : vector<1x64x64xf32> to vector<64x64xf32>
    %dot_general3A_304 = arith.constant dense<0.000000e+00> : vector<2000x64xf32>
    %dot_general3A_305 = tpu.matmul %add3A_215, %squeeze3A_303, %dot_general3A_304 {dimension_numbers = #tpu.dot_dimension_numbers<[1], [1], [0], [0], [0, 0, 1, 0], [], []>, transpose_lhs_hint = false} : vector<2000x64xf32>, vector<64x64xf32>, vector<2000x64xf32> -> vector<2000x64xf32>
    %slice3A_306 = vector.extract_strided_slice %get3A_292 {offsets = [2, 0, 0], sizes = [1, 64, 64], strides = [1, 1, 1]} : vector<3x64x64xf32> to vector<1x64x64xf32>
    %squeeze3A_307 = vector.shape_cast %slice3A_306 : vector<1x64x64xf32> to vector<64x64xf32>
    %dot_general3A_308 = arith.constant dense<0.000000e+00> : vector<2000x64xf32>
    %dot_general3A_309 = tpu.matmul %add3A_215, %squeeze3A_307, %dot_general3A_308 {dimension_numbers = #tpu.dot_dimension_numbers<[1], [1], [0], [0], [0, 0, 1, 0], [], []>, transpose_lhs_hint = false} : vector<2000x64xf32>, vector<64x64xf32>, vector<2000x64xf32> -> vector<2000x64xf32>
    %slice3A_310 = vector.extract_strided_slice %get3A_292 {offsets = [1, 0, 0], sizes = [1, 64, 64], strides = [1, 1, 1]} : vector<3x64x64xf32> to vector<1x64x64xf32>
    %squeeze3A_311 = vector.shape_cast %slice3A_310 : vector<1x64x64xf32> to vector<64x64xf32>
    %dot_general3A_312 = arith.constant dense<0.000000e+00> : vector<32x64xf32>
    %dot_general3A_313 = tpu.matmul %add3A_286, %squeeze3A_311, %dot_general3A_312 {dimension_numbers = #tpu.dot_dimension_numbers<[1], [1], [0], [0], [0, 0, 1, 0], [], []>, transpose_lhs_hint = false} : vector<32x64xf32>, vector<64x64xf32>, vector<32x64xf32> -> vector<32x64xf32>
    %slice3A_314 = vector.extract_strided_slice %get3A_292 {offsets = [2, 0, 0], sizes = [1, 64, 64], strides = [1, 1, 1]} : vector<3x64x64xf32> to vector<1x64x64xf32>
    %squeeze3A_315 = vector.shape_cast %slice3A_314 : vector<1x64x64xf32> to vector<64x64xf32>
    %dot_general3A_316 = arith.constant dense<0.000000e+00> : vector<32x64xf32>
    %dot_general3A_317 = tpu.matmul %add3A_286, %squeeze3A_315, %dot_general3A_316 {dimension_numbers = #tpu.dot_dimension_numbers<[1], [1], [0], [0], [0, 0, 1, 0], [], []>, transpose_lhs_hint = false} : vector<32x64xf32>, vector<64x64xf32>, vector<32x64xf32> -> vector<32x64xf32>
    %mul3A_318 = arith.mulf %dot_general3A_301, %dot_general3A_305 : vector<2000x64xf32>
    %reduce_sum3A_319 = arith.constant dense<0.000000e+00> : vector<2000xf32>
    %reduce_sum3A_320 = vector.multi_reduction <add>, %mul3A_318, %reduce_sum3A_319 [1] : vector<2000x64xf32> to vector<2000xf32>
    %broadcast_in_dim3A_321 = vector.shape_cast %reduce_sum3A_320 : vector<2000xf32> to vector<2000x1xf32>
    %div3A_322 = arith.constant 8.000000e+00 : f32
    %div3A_323 = vector.broadcast %div3A_322 : f32 to vector<2000x1xf32>
    %div3A_324 = arith.divf %broadcast_in_dim3A_321, %div3A_323 : vector<2000x1xf32>
    %dot_general3A_325 = arith.constant dense<0.000000e+00> : vector<2000x32xf32>
    %dot_general3A_326 = tpu.matmul %dot_general3A_301, %dot_general3A_313, %dot_general3A_325 {dimension_numbers = #tpu.dot_dimension_numbers<[1], [1], [0], [0], [0, 0, 1, 0], [], []>, transpose_lhs_hint = false} : vector<2000x64xf32>, vector<32x64xf32>, vector<2000x32xf32> -> vector<2000x32xf32>
    %div3A_327 = arith.constant 8.000000e+00 : f32
    %div3A_328 = vector.broadcast %div3A_327 : f32 to vector<2000x32xf32>
    %div3A_329 = arith.divf %dot_general3A_326, %div3A_328 : vector<2000x32xf32>
    %reduce_max3A_330 = arith.constant dense<0xFF800000> : vector<2000xf32>
    %reduce_max3A_331 = vector.multi_reduction <maximumf>, %div3A_329, %reduce_max3A_330 [1] : vector<2000x32xf32> to vector<2000xf32>
    %broadcast_in_dim3A_332 = vector.shape_cast %reduce_max3A_331 : vector<2000xf32> to vector<2000x1xf32>
    %max3A_333 = arith.maximumf %div3A_324, %broadcast_in_dim3A_332 : vector<2000x1xf32>
    %sub3A_334 = arith.subf %div3A_324, %max3A_333 : vector<2000x1xf32>
    %exp3A_335 = math.exp %sub3A_334 : vector<2000x1xf32>
    %sub3A_336 = vector.broadcast %max3A_333 : vector<2000x1xf32> to vector<2000x32xf32>
    %sub3A_337 = arith.subf %div3A_329, %sub3A_336 : vector<2000x32xf32>
    %exp3A_338 = math.exp %sub3A_337 : vector<2000x32xf32>
    %reduce_sum3A_339 = arith.constant dense<0.000000e+00> : vector<2000xf32>
    %reduce_sum3A_340 = vector.multi_reduction <add>, %exp3A_338, %reduce_sum3A_339 [1] : vector<2000x32xf32> to vector<2000xf32>
    %broadcast_in_dim3A_341 = vector.shape_cast %reduce_sum3A_340 : vector<2000xf32> to vector<2000x1xf32>
    %add3A_342 = arith.addf %exp3A_335, %broadcast_in_dim3A_341 : vector<2000x1xf32>
    %div3A_343 = arith.divf %exp3A_335, %add3A_342 : vector<2000x1xf32>
    %mul3A_344 = vector.broadcast %div3A_343 : vector<2000x1xf32> to vector<2000x64xf32>
    %mul3A_345 = arith.mulf %mul3A_344, %dot_general3A_309 : vector<2000x64xf32>
    %div3A_346 = vector.broadcast %add3A_342 : vector<2000x1xf32> to vector<2000x32xf32>
    %div3A_347 = arith.divf %exp3A_338, %div3A_346 : vector<2000x32xf32>
    %dot_general3A_348 = arith.constant dense<0.000000e+00> : vector<2000x64xf32>
    %dot_general3A_349 = tpu.matmul %div3A_347, %dot_general3A_317, %dot_general3A_348 {dimension_numbers = #tpu.dot_dimension_numbers<[1], [0], [0], [1], [0, 0, 1, 1], [], []>, transpose_lhs_hint = false} : vector<2000x32xf32>, vector<32x64xf32>, vector<2000x64xf32> -> vector<2000x64xf32>
    %add3A_350 = arith.addf %mul3A_345, %dot_general3A_349 : vector<2000x64xf32>
    %add3A_351 = arith.addf %add3A_350, %add3A_215 : vector<2000x64xf32>
    %slice3A_352 = vector.extract_strided_slice %get3A_297 {offsets = [0, 0], sizes = [1, 64], strides = [1, 1]} : vector<2x64xf32> to vector<1x64xf32>
    %squeeze3A_353 = vector.shape_cast %slice3A_352 : vector<1x64xf32> to vector<64xf32>
    %slice3A_354 = vector.extract_strided_slice %get3A_297 {offsets = [1, 0], sizes = [1, 64], strides = [1, 1]} : vector<2x64xf32> to vector<1x64xf32>
    %squeeze3A_355 = vector.shape_cast %slice3A_354 : vector<1x64xf32> to vector<64xf32>
    %reduce_sum3A_356 = arith.constant dense<0.000000e+00> : vector<2000xf32>
    %reduce_sum3A_357 = vector.multi_reduction <add>, %add3A_351, %reduce_sum3A_356 [1] : vector<2000x64xf32> to vector<2000xf32>
    %broadcast_in_dim3A_358 = vector.shape_cast %reduce_sum3A_357 : vector<2000xf32> to vector<2000x1xf32>
    %div3A_359 = arith.constant 6.400000e+01 : f32
    %div3A_360 = vector.broadcast %div3A_359 : f32 to vector<2000x1xf32>
    %div3A_361 = arith.divf %broadcast_in_dim3A_358, %div3A_360 : vector<2000x1xf32>
    %sub3A_362 = vector.broadcast %div3A_361 : vector<2000x1xf32> to vector<2000x64xf32>
    %sub3A_363 = arith.subf %add3A_351, %sub3A_362 : vector<2000x64xf32>
    %integer_pow3A_364 = arith.mulf %sub3A_363, %sub3A_363 : vector<2000x64xf32>
    %reduce_sum3A_365 = arith.constant dense<0.000000e+00> : vector<2000xf32>
    %reduce_sum3A_366 = vector.multi_reduction <add>, %integer_pow3A_364, %reduce_sum3A_365 [1] : vector<2000x64xf32> to vector<2000xf32>
    %broadcast_in_dim3A_367 = vector.shape_cast %reduce_sum3A_366 : vector<2000xf32> to vector<2000x1xf32>
    %div3A_368 = arith.constant 6.400000e+01 : f32
    %div3A_369 = vector.broadcast %div3A_368 : f32 to vector<2000x1xf32>
    %div3A_370 = arith.divf %broadcast_in_dim3A_367, %div3A_369 : vector<2000x1xf32>
    %sub3A_371 = vector.broadcast %div3A_361 : vector<2000x1xf32> to vector<2000x64xf32>
    %sub3A_372 = arith.subf %add3A_351, %sub3A_371 : vector<2000x64xf32>
    %add3A_373 = arith.constant 9.99999997E-7 : f32
    %add3A_374 = vector.broadcast %add3A_373 : f32 to vector<2000x1xf32>
    %add3A_375 = arith.addf %div3A_370, %add3A_374 : vector<2000x1xf32>
    %sqrt3A_376 = math.sqrt %add3A_375 : vector<2000x1xf32>
    %div3A_377 = vector.broadcast %sqrt3A_376 : vector<2000x1xf32> to vector<2000x64xf32>
    %div3A_378 = arith.divf %sub3A_372, %div3A_377 : vector<2000x64xf32>
    %broadcast_in_dim3A_379 = vector.shape_cast %squeeze3A_353 : vector<64xf32> to vector<1x64xf32>
    %mul3A_380 = vector.broadcast %broadcast_in_dim3A_379 : vector<1x64xf32> to vector<2000x64xf32>
    %mul3A_381 = arith.mulf %div3A_378, %mul3A_380 : vector<2000x64xf32>
    %broadcast_in_dim3A_382 = vector.shape_cast %squeeze3A_355 : vector<64xf32> to vector<1x64xf32>
    %add3A_383 = vector.broadcast %broadcast_in_dim3A_382 : vector<1x64xf32> to vector<2000x64xf32>
    %add3A_384 = arith.addf %mul3A_381, %add3A_383 : vector<2000x64xf32>
    %get3A_385 = arith.constant 1 : index
    %get3A_386 = arith.constant 0 : index
    %get3A_387 = arith.constant 0 : index
    %get3A_388 = arith.constant 0 : index
    %get3A_389 = vector.load %arg15[%get3A_385, %get3A_386, %get3A_387, %get3A_388] : memref<3x2x64x64xf32, #tpu.memory_space<vmem>>, vector<1x2x64x64xf32>
    %get3A_390 = vector.shape_cast %get3A_389 : vector<1x2x64x64xf32> to vector<2x64x64xf32>
    %get3A_391 = arith.constant 1 : index
    %get3A_392 = arith.constant 0 : index
    %get3A_393 = arith.constant 0 : index
    %get3A_394 = vector.load %arg16[%get3A_391, %get3A_392, %get3A_393] : memref<3x2x64xf32, #tpu.memory_space<vmem>>, vector<1x2x64xf32>
    %get3A_395 = vector.shape_cast %get3A_394 : vector<1x2x64xf32> to vector<2x64xf32>
    %get3A_396 = arith.constant 1 : index
    %get3A_397 = arith.constant 0 : index
    %get3A_398 = arith.constant 0 : index
    %get3A_399 = vector.load %arg17[%get3A_396, %get3A_397, %get3A_398] : memref<3x2x64xf32, #tpu.memory_space<vmem>>, vector<1x2x64xf32>
    %get3A_400 = vector.shape_cast %get3A_399 : vector<1x2x64xf32> to vector<2x64xf32>
    %slice3A_401 = vector.extract_strided_slice %get3A_390 {offsets = [0, 0, 0], sizes = [1, 64, 64], strides = [1, 1, 1]} : vector<2x64x64xf32> to vector<1x64x64xf32>
    %squeeze3A_402 = vector.shape_cast %slice3A_401 : vector<1x64x64xf32> to vector<64x64xf32>
    %dot_general3A_403 = arith.constant dense<0.000000e+00> : vector<2000x64xf32>
    %dot_general3A_404 = tpu.matmul %add3A_384, %squeeze3A_402, %dot_general3A_403 {dimension_numbers = #tpu.dot_dimension_numbers<[1], [1], [0], [0], [0, 0, 1, 0], [], []>, transpose_lhs_hint = false} : vector<2000x64xf32>, vector<64x64xf32>, vector<2000x64xf32> -> vector<2000x64xf32>
    %slice3A_405 = vector.extract_strided_slice %get3A_395 {offsets = [0, 0], sizes = [1, 64], strides = [1, 1]} : vector<2x64xf32> to vector<1x64xf32>
    %squeeze3A_406 = vector.shape_cast %slice3A_405 : vector<1x64xf32> to vector<64xf32>
    %broadcast_in_dim3A_407 = vector.shape_cast %squeeze3A_406 : vector<64xf32> to vector<1x64xf32>
    %add3A_408 = vector.broadcast %broadcast_in_dim3A_407 : vector<1x64xf32> to vector<2000x64xf32>
    %add3A_409 = arith.addf %dot_general3A_404, %add3A_408 : vector<2000x64xf32>
    %max3A_410 = arith.constant 0.000000e+00 : f32
    %max3A_411 = vector.broadcast %max3A_410 : f32 to vector<2000x64xf32>
    %max3A_412 = arith.maximumf %add3A_409, %max3A_411 : vector<2000x64xf32>
    %slice3A_413 = vector.extract_strided_slice %get3A_390 {offsets = [1, 0, 0], sizes = [1, 64, 64], strides = [1, 1, 1]} : vector<2x64x64xf32> to vector<1x64x64xf32>
    %squeeze3A_414 = vector.shape_cast %slice3A_413 : vector<1x64x64xf32> to vector<64x64xf32>
    %dot_general3A_415 = arith.constant dense<0.000000e+00> : vector<2000x64xf32>
    %dot_general3A_416 = tpu.matmul %max3A_412, %squeeze3A_414, %dot_general3A_415 {dimension_numbers = #tpu.dot_dimension_numbers<[1], [1], [0], [0], [0, 0, 1, 0], [], []>, transpose_lhs_hint = false} : vector<2000x64xf32>, vector<64x64xf32>, vector<2000x64xf32> -> vector<2000x64xf32>
    %slice3A_417 = vector.extract_strided_slice %get3A_395 {offsets = [1, 0], sizes = [1, 64], strides = [1, 1]} : vector<2x64xf32> to vector<1x64xf32>
    %squeeze3A_418 = vector.shape_cast %slice3A_417 : vector<1x64xf32> to vector<64xf32>
    %broadcast_in_dim3A_419 = vector.shape_cast %squeeze3A_418 : vector<64xf32> to vector<1x64xf32>
    %add3A_420 = vector.broadcast %broadcast_in_dim3A_419 : vector<1x64xf32> to vector<2000x64xf32>
    %add3A_421 = arith.addf %dot_general3A_416, %add3A_420 : vector<2000x64xf32>
    %add3A_422 = arith.addf %add3A_384, %add3A_421 : vector<2000x64xf32>
    %slice3A_423 = vector.extract_strided_slice %get3A_400 {offsets = [0, 0], sizes = [1, 64], strides = [1, 1]} : vector<2x64xf32> to vector<1x64xf32>
    %squeeze3A_424 = vector.shape_cast %slice3A_423 : vector<1x64xf32> to vector<64xf32>
    %slice3A_425 = vector.extract_strided_slice %get3A_400 {offsets = [1, 0], sizes = [1, 64], strides = [1, 1]} : vector<2x64xf32> to vector<1x64xf32>
    %squeeze3A_426 = vector.shape_cast %slice3A_425 : vector<1x64xf32> to vector<64xf32>
    %reduce_sum3A_427 = arith.constant dense<0.000000e+00> : vector<2000xf32>
    %reduce_sum3A_428 = vector.multi_reduction <add>, %add3A_422, %reduce_sum3A_427 [1] : vector<2000x64xf32> to vector<2000xf32>
    %broadcast_in_dim3A_429 = vector.shape_cast %reduce_sum3A_428 : vector<2000xf32> to vector<2000x1xf32>
    %div3A_430 = arith.constant 6.400000e+01 : f32
    %div3A_431 = vector.broadcast %div3A_430 : f32 to vector<2000x1xf32>
    %div3A_432 = arith.divf %broadcast_in_dim3A_429, %div3A_431 : vector<2000x1xf32>
    %sub3A_433 = vector.broadcast %div3A_432 : vector<2000x1xf32> to vector<2000x64xf32>
    %sub3A_434 = arith.subf %add3A_422, %sub3A_433 : vector<2000x64xf32>
    %integer_pow3A_435 = arith.mulf %sub3A_434, %sub3A_434 : vector<2000x64xf32>
    %reduce_sum3A_436 = arith.constant dense<0.000000e+00> : vector<2000xf32>
    %reduce_sum3A_437 = vector.multi_reduction <add>, %integer_pow3A_435, %reduce_sum3A_436 [1] : vector<2000x64xf32> to vector<2000xf32>
    %broadcast_in_dim3A_438 = vector.shape_cast %reduce_sum3A_437 : vector<2000xf32> to vector<2000x1xf32>
    %div3A_439 = arith.constant 6.400000e+01 : f32
    %div3A_440 = vector.broadcast %div3A_439 : f32 to vector<2000x1xf32>
    %div3A_441 = arith.divf %broadcast_in_dim3A_438, %div3A_440 : vector<2000x1xf32>
    %sub3A_442 = vector.broadcast %div3A_432 : vector<2000x1xf32> to vector<2000x64xf32>
    %sub3A_443 = arith.subf %add3A_422, %sub3A_442 : vector<2000x64xf32>
    %add3A_444 = arith.constant 9.99999997E-7 : f32
    %add3A_445 = vector.broadcast %add3A_444 : f32 to vector<2000x1xf32>
    %add3A_446 = arith.addf %div3A_441, %add3A_445 : vector<2000x1xf32>
    %sqrt3A_447 = math.sqrt %add3A_446 : vector<2000x1xf32>
    %div3A_448 = vector.broadcast %sqrt3A_447 : vector<2000x1xf32> to vector<2000x64xf32>
    %div3A_449 = arith.divf %sub3A_443, %div3A_448 : vector<2000x64xf32>
    %broadcast_in_dim3A_450 = vector.shape_cast %squeeze3A_424 : vector<64xf32> to vector<1x64xf32>
    %mul3A_451 = vector.broadcast %broadcast_in_dim3A_450 : vector<1x64xf32> to vector<2000x64xf32>
    %mul3A_452 = arith.mulf %div3A_449, %mul3A_451 : vector<2000x64xf32>
    %broadcast_in_dim3A_453 = vector.shape_cast %squeeze3A_426 : vector<64xf32> to vector<1x64xf32>
    %add3A_454 = vector.broadcast %broadcast_in_dim3A_453 : vector<1x64xf32> to vector<2000x64xf32>
    %add3A_455 = arith.addf %mul3A_452, %add3A_454 : vector<2000x64xf32>
    %get3A_456 = arith.constant 1 : index
    %get3A_457 = arith.constant 0 : index
    %get3A_458 = arith.constant 0 : index
    %get3A_459 = arith.constant 0 : index
    %get3A_460 = vector.load %arg18[%get3A_456, %get3A_457, %get3A_458, %get3A_459] : memref<3x2x64x64xf32, #tpu.memory_space<vmem>>, vector<1x2x64x64xf32>
    %get3A_461 = vector.shape_cast %get3A_460 : vector<1x2x64x64xf32> to vector<2x64x64xf32>
    %get3A_462 = arith.constant 1 : index
    %get3A_463 = arith.constant 0 : index
    %get3A_464 = arith.constant 0 : index
    %get3A_465 = vector.load %arg19[%get3A_462, %get3A_463, %get3A_464] : memref<3x2x64xf32, #tpu.memory_space<vmem>>, vector<1x2x64xf32>
    %get3A_466 = vector.shape_cast %get3A_465 : vector<1x2x64xf32> to vector<2x64xf32>
    %get3A_467 = arith.constant 1 : index
    %get3A_468 = arith.constant 0 : index
    %get3A_469 = arith.constant 0 : index
    %get3A_470 = vector.load %arg20[%get3A_467, %get3A_468, %get3A_469] : memref<3x2x64xf32, #tpu.memory_space<vmem>>, vector<1x2x64xf32>
    %get3A_471 = vector.shape_cast %get3A_470 : vector<1x2x64xf32> to vector<2x64xf32>
    %slice3A_472 = vector.extract_strided_slice %get3A_461 {offsets = [0, 0, 0], sizes = [1, 64, 64], strides = [1, 1, 1]} : vector<2x64x64xf32> to vector<1x64x64xf32>
    %squeeze3A_473 = vector.shape_cast %slice3A_472 : vector<1x64x64xf32> to vector<64x64xf32>
    %dot_general3A_474 = arith.constant dense<0.000000e+00> : vector<32x64xf32>
    %dot_general3A_475 = tpu.matmul %add3A_286, %squeeze3A_473, %dot_general3A_474 {dimension_numbers = #tpu.dot_dimension_numbers<[1], [1], [0], [0], [0, 0, 1, 0], [], []>, transpose_lhs_hint = false} : vector<32x64xf32>, vector<64x64xf32>, vector<32x64xf32> -> vector<32x64xf32>
    %slice3A_476 = vector.extract_strided_slice %get3A_466 {offsets = [0, 0], sizes = [1, 64], strides = [1, 1]} : vector<2x64xf32> to vector<1x64xf32>
    %squeeze3A_477 = vector.shape_cast %slice3A_476 : vector<1x64xf32> to vector<64xf32>
    %broadcast_in_dim3A_478 = vector.shape_cast %squeeze3A_477 : vector<64xf32> to vector<1x64xf32>
    %add3A_479 = vector.broadcast %broadcast_in_dim3A_478 : vector<1x64xf32> to vector<32x64xf32>
    %add3A_480 = arith.addf %dot_general3A_475, %add3A_479 : vector<32x64xf32>
    %max3A_481 = arith.constant 0.000000e+00 : f32
    %max3A_482 = vector.broadcast %max3A_481 : f32 to vector<32x64xf32>
    %max3A_483 = arith.maximumf %add3A_480, %max3A_482 : vector<32x64xf32>
    %slice3A_484 = vector.extract_strided_slice %get3A_461 {offsets = [1, 0, 0], sizes = [1, 64, 64], strides = [1, 1, 1]} : vector<2x64x64xf32> to vector<1x64x64xf32>
    %squeeze3A_485 = vector.shape_cast %slice3A_484 : vector<1x64x64xf32> to vector<64x64xf32>
    %dot_general3A_486 = arith.constant dense<0.000000e+00> : vector<32x64xf32>
    %dot_general3A_487 = tpu.matmul %max3A_483, %squeeze3A_485, %dot_general3A_486 {dimension_numbers = #tpu.dot_dimension_numbers<[1], [1], [0], [0], [0, 0, 1, 0], [], []>, transpose_lhs_hint = false} : vector<32x64xf32>, vector<64x64xf32>, vector<32x64xf32> -> vector<32x64xf32>
    %slice3A_488 = vector.extract_strided_slice %get3A_466 {offsets = [1, 0], sizes = [1, 64], strides = [1, 1]} : vector<2x64xf32> to vector<1x64xf32>
    %squeeze3A_489 = vector.shape_cast %slice3A_488 : vector<1x64xf32> to vector<64xf32>
    %broadcast_in_dim3A_490 = vector.shape_cast %squeeze3A_489 : vector<64xf32> to vector<1x64xf32>
    %add3A_491 = vector.broadcast %broadcast_in_dim3A_490 : vector<1x64xf32> to vector<32x64xf32>
    %add3A_492 = arith.addf %dot_general3A_487, %add3A_491 : vector<32x64xf32>
    %add3A_493 = arith.addf %add3A_286, %add3A_492 : vector<32x64xf32>
    %slice3A_494 = vector.extract_strided_slice %get3A_471 {offsets = [0, 0], sizes = [1, 64], strides = [1, 1]} : vector<2x64xf32> to vector<1x64xf32>
    %squeeze3A_495 = vector.shape_cast %slice3A_494 : vector<1x64xf32> to vector<64xf32>
    %slice3A_496 = vector.extract_strided_slice %get3A_471 {offsets = [1, 0], sizes = [1, 64], strides = [1, 1]} : vector<2x64xf32> to vector<1x64xf32>
    %squeeze3A_497 = vector.shape_cast %slice3A_496 : vector<1x64xf32> to vector<64xf32>
    %reduce_sum3A_498 = arith.constant dense<0.000000e+00> : vector<32xf32>
    %reduce_sum3A_499 = vector.multi_reduction <add>, %add3A_493, %reduce_sum3A_498 [1] : vector<32x64xf32> to vector<32xf32>
    %broadcast_in_dim3A_500 = vector.shape_cast %reduce_sum3A_499 : vector<32xf32> to vector<32x1xf32>
    %div3A_501 = arith.constant 6.400000e+01 : f32
    %div3A_502 = vector.broadcast %div3A_501 : f32 to vector<32x1xf32>
    %div3A_503 = arith.divf %broadcast_in_dim3A_500, %div3A_502 : vector<32x1xf32>
    %sub3A_504 = vector.broadcast %div3A_503 : vector<32x1xf32> to vector<32x64xf32>
    %sub3A_505 = arith.subf %add3A_493, %sub3A_504 : vector<32x64xf32>
    %integer_pow3A_506 = arith.mulf %sub3A_505, %sub3A_505 : vector<32x64xf32>
    %reduce_sum3A_507 = arith.constant dense<0.000000e+00> : vector<32xf32>
    %reduce_sum3A_508 = vector.multi_reduction <add>, %integer_pow3A_506, %reduce_sum3A_507 [1] : vector<32x64xf32> to vector<32xf32>
    %broadcast_in_dim3A_509 = vector.shape_cast %reduce_sum3A_508 : vector<32xf32> to vector<32x1xf32>
    %div3A_510 = arith.constant 6.400000e+01 : f32
    %div3A_511 = vector.broadcast %div3A_510 : f32 to vector<32x1xf32>
    %div3A_512 = arith.divf %broadcast_in_dim3A_509, %div3A_511 : vector<32x1xf32>
    %sub3A_513 = vector.broadcast %div3A_503 : vector<32x1xf32> to vector<32x64xf32>
    %sub3A_514 = arith.subf %add3A_493, %sub3A_513 : vector<32x64xf32>
    %add3A_515 = arith.constant 9.99999997E-7 : f32
    %add3A_516 = vector.broadcast %add3A_515 : f32 to vector<32x1xf32>
    %add3A_517 = arith.addf %div3A_512, %add3A_516 : vector<32x1xf32>
    %sqrt3A_518 = math.sqrt %add3A_517 : vector<32x1xf32>
    %div3A_519 = vector.broadcast %sqrt3A_518 : vector<32x1xf32> to vector<32x64xf32>
    %div3A_520 = arith.divf %sub3A_514, %div3A_519 : vector<32x64xf32>
    %broadcast_in_dim3A_521 = vector.shape_cast %squeeze3A_495 : vector<64xf32> to vector<1x64xf32>
    %mul3A_522 = vector.broadcast %broadcast_in_dim3A_521 : vector<1x64xf32> to vector<32x64xf32>
    %mul3A_523 = arith.mulf %div3A_520, %mul3A_522 : vector<32x64xf32>
    %broadcast_in_dim3A_524 = vector.shape_cast %squeeze3A_497 : vector<64xf32> to vector<1x64xf32>
    %add3A_525 = vector.broadcast %broadcast_in_dim3A_524 : vector<1x64xf32> to vector<32x64xf32>
    %add3A_526 = arith.addf %mul3A_523, %add3A_525 : vector<32x64xf32>
    %get3A_527 = arith.constant 2 : index
    %get3A_528 = arith.constant 0 : index
    %get3A_529 = arith.constant 0 : index
    %get3A_530 = arith.constant 0 : index
    %get3A_531 = vector.load %arg13[%get3A_527, %get3A_528, %get3A_529, %get3A_530] : memref<3x3x64x64xf32, #tpu.memory_space<vmem>>, vector<1x3x64x64xf32>
    %get3A_532 = vector.shape_cast %get3A_531 : vector<1x3x64x64xf32> to vector<3x64x64xf32>
    %get3A_533 = arith.constant 2 : index
    %get3A_534 = arith.constant 0 : index
    %get3A_535 = arith.constant 0 : index
    %get3A_536 = vector.load %arg14[%get3A_533, %get3A_534, %get3A_535] : memref<3x2x64xf32, #tpu.memory_space<vmem>>, vector<1x2x64xf32>
    %get3A_537 = vector.shape_cast %get3A_536 : vector<1x2x64xf32> to vector<2x64xf32>
    %slice3A_538 = vector.extract_strided_slice %get3A_532 {offsets = [0, 0, 0], sizes = [1, 64, 64], strides = [1, 1, 1]} : vector<3x64x64xf32> to vector<1x64x64xf32>
    %squeeze3A_539 = vector.shape_cast %slice3A_538 : vector<1x64x64xf32> to vector<64x64xf32>
    %dot_general3A_540 = arith.constant dense<0.000000e+00> : vector<2000x64xf32>
    %dot_general3A_541 = tpu.matmul %add3A_455, %squeeze3A_539, %dot_general3A_540 {dimension_numbers = #tpu.dot_dimension_numbers<[1], [1], [0], [0], [0, 0, 1, 0], [], []>, transpose_lhs_hint = false} : vector<2000x64xf32>, vector<64x64xf32>, vector<2000x64xf32> -> vector<2000x64xf32>
    %slice3A_542 = vector.extract_strided_slice %get3A_532 {offsets = [1, 0, 0], sizes = [1, 64, 64], strides = [1, 1, 1]} : vector<3x64x64xf32> to vector<1x64x64xf32>
    %squeeze3A_543 = vector.shape_cast %slice3A_542 : vector<1x64x64xf32> to vector<64x64xf32>
    %dot_general3A_544 = arith.constant dense<0.000000e+00> : vector<2000x64xf32>
    %dot_general3A_545 = tpu.matmul %add3A_455, %squeeze3A_543, %dot_general3A_544 {dimension_numbers = #tpu.dot_dimension_numbers<[1], [1], [0], [0], [0, 0, 1, 0], [], []>, transpose_lhs_hint = false} : vector<2000x64xf32>, vector<64x64xf32>, vector<2000x64xf32> -> vector<2000x64xf32>
    %slice3A_546 = vector.extract_strided_slice %get3A_532 {offsets = [2, 0, 0], sizes = [1, 64, 64], strides = [1, 1, 1]} : vector<3x64x64xf32> to vector<1x64x64xf32>
    %squeeze3A_547 = vector.shape_cast %slice3A_546 : vector<1x64x64xf32> to vector<64x64xf32>
    %dot_general3A_548 = arith.constant dense<0.000000e+00> : vector<2000x64xf32>
    %dot_general3A_549 = tpu.matmul %add3A_455, %squeeze3A_547, %dot_general3A_548 {dimension_numbers = #tpu.dot_dimension_numbers<[1], [1], [0], [0], [0, 0, 1, 0], [], []>, transpose_lhs_hint = false} : vector<2000x64xf32>, vector<64x64xf32>, vector<2000x64xf32> -> vector<2000x64xf32>
    %slice3A_550 = vector.extract_strided_slice %get3A_532 {offsets = [1, 0, 0], sizes = [1, 64, 64], strides = [1, 1, 1]} : vector<3x64x64xf32> to vector<1x64x64xf32>
    %squeeze3A_551 = vector.shape_cast %slice3A_550 : vector<1x64x64xf32> to vector<64x64xf32>
    %dot_general3A_552 = arith.constant dense<0.000000e+00> : vector<32x64xf32>
    %dot_general3A_553 = tpu.matmul %add3A_526, %squeeze3A_551, %dot_general3A_552 {dimension_numbers = #tpu.dot_dimension_numbers<[1], [1], [0], [0], [0, 0, 1, 0], [], []>, transpose_lhs_hint = false} : vector<32x64xf32>, vector<64x64xf32>, vector<32x64xf32> -> vector<32x64xf32>
    %slice3A_554 = vector.extract_strided_slice %get3A_532 {offsets = [2, 0, 0], sizes = [1, 64, 64], strides = [1, 1, 1]} : vector<3x64x64xf32> to vector<1x64x64xf32>
    %squeeze3A_555 = vector.shape_cast %slice3A_554 : vector<1x64x64xf32> to vector<64x64xf32>
    %dot_general3A_556 = arith.constant dense<0.000000e+00> : vector<32x64xf32>
    %dot_general3A_557 = tpu.matmul %add3A_526, %squeeze3A_555, %dot_general3A_556 {dimension_numbers = #tpu.dot_dimension_numbers<[1], [1], [0], [0], [0, 0, 1, 0], [], []>, transpose_lhs_hint = false} : vector<32x64xf32>, vector<64x64xf32>, vector<32x64xf32> -> vector<32x64xf32>
    %mul3A_558 = arith.mulf %dot_general3A_541, %dot_general3A_545 : vector<2000x64xf32>
    %reduce_sum3A_559 = arith.constant dense<0.000000e+00> : vector<2000xf32>
    %reduce_sum3A_560 = vector.multi_reduction <add>, %mul3A_558, %reduce_sum3A_559 [1] : vector<2000x64xf32> to vector<2000xf32>
    %broadcast_in_dim3A_561 = vector.shape_cast %reduce_sum3A_560 : vector<2000xf32> to vector<2000x1xf32>
    %div3A_562 = arith.constant 8.000000e+00 : f32
    %div3A_563 = vector.broadcast %div3A_562 : f32 to vector<2000x1xf32>
    %div3A_564 = arith.divf %broadcast_in_dim3A_561, %div3A_563 : vector<2000x1xf32>
    %dot_general3A_565 = arith.constant dense<0.000000e+00> : vector<2000x32xf32>
    %dot_general3A_566 = tpu.matmul %dot_general3A_541, %dot_general3A_553, %dot_general3A_565 {dimension_numbers = #tpu.dot_dimension_numbers<[1], [1], [0], [0], [0, 0, 1, 0], [], []>, transpose_lhs_hint = false} : vector<2000x64xf32>, vector<32x64xf32>, vector<2000x32xf32> -> vector<2000x32xf32>
    %div3A_567 = arith.constant 8.000000e+00 : f32
    %div3A_568 = vector.broadcast %div3A_567 : f32 to vector<2000x32xf32>
    %div3A_569 = arith.divf %dot_general3A_566, %div3A_568 : vector<2000x32xf32>
    %reduce_max3A_570 = arith.constant dense<0xFF800000> : vector<2000xf32>
    %reduce_max3A_571 = vector.multi_reduction <maximumf>, %div3A_569, %reduce_max3A_570 [1] : vector<2000x32xf32> to vector<2000xf32>
    %broadcast_in_dim3A_572 = vector.shape_cast %reduce_max3A_571 : vector<2000xf32> to vector<2000x1xf32>
    %max3A_573 = arith.maximumf %div3A_564, %broadcast_in_dim3A_572 : vector<2000x1xf32>
    %sub3A_574 = arith.subf %div3A_564, %max3A_573 : vector<2000x1xf32>
    %exp3A_575 = math.exp %sub3A_574 : vector<2000x1xf32>
    %sub3A_576 = vector.broadcast %max3A_573 : vector<2000x1xf32> to vector<2000x32xf32>
    %sub3A_577 = arith.subf %div3A_569, %sub3A_576 : vector<2000x32xf32>
    %exp3A_578 = math.exp %sub3A_577 : vector<2000x32xf32>
    %reduce_sum3A_579 = arith.constant dense<0.000000e+00> : vector<2000xf32>
    %reduce_sum3A_580 = vector.multi_reduction <add>, %exp3A_578, %reduce_sum3A_579 [1] : vector<2000x32xf32> to vector<2000xf32>
    %broadcast_in_dim3A_581 = vector.shape_cast %reduce_sum3A_580 : vector<2000xf32> to vector<2000x1xf32>
    %add3A_582 = arith.addf %exp3A_575, %broadcast_in_dim3A_581 : vector<2000x1xf32>
    %div3A_583 = arith.divf %exp3A_575, %add3A_582 : vector<2000x1xf32>
    %mul3A_584 = vector.broadcast %div3A_583 : vector<2000x1xf32> to vector<2000x64xf32>
    %mul3A_585 = arith.mulf %mul3A_584, %dot_general3A_549 : vector<2000x64xf32>
    %div3A_586 = vector.broadcast %add3A_582 : vector<2000x1xf32> to vector<2000x32xf32>
    %div3A_587 = arith.divf %exp3A_578, %div3A_586 : vector<2000x32xf32>
    %dot_general3A_588 = arith.constant dense<0.000000e+00> : vector<2000x64xf32>
    %dot_general3A_589 = tpu.matmul %div3A_587, %dot_general3A_557, %dot_general3A_588 {dimension_numbers = #tpu.dot_dimension_numbers<[1], [0], [0], [1], [0, 0, 1, 1], [], []>, transpose_lhs_hint = false} : vector<2000x32xf32>, vector<32x64xf32>, vector<2000x64xf32> -> vector<2000x64xf32>
    %add3A_590 = arith.addf %mul3A_585, %dot_general3A_589 : vector<2000x64xf32>
    %add3A_591 = arith.addf %add3A_590, %add3A_455 : vector<2000x64xf32>
    %slice3A_592 = vector.extract_strided_slice %get3A_537 {offsets = [0, 0], sizes = [1, 64], strides = [1, 1]} : vector<2x64xf32> to vector<1x64xf32>
    %squeeze3A_593 = vector.shape_cast %slice3A_592 : vector<1x64xf32> to vector<64xf32>
    %slice3A_594 = vector.extract_strided_slice %get3A_537 {offsets = [1, 0], sizes = [1, 64], strides = [1, 1]} : vector<2x64xf32> to vector<1x64xf32>
    %squeeze3A_595 = vector.shape_cast %slice3A_594 : vector<1x64xf32> to vector<64xf32>
    %reduce_sum3A_596 = arith.constant dense<0.000000e+00> : vector<2000xf32>
    %reduce_sum3A_597 = vector.multi_reduction <add>, %add3A_591, %reduce_sum3A_596 [1] : vector<2000x64xf32> to vector<2000xf32>
    %broadcast_in_dim3A_598 = vector.shape_cast %reduce_sum3A_597 : vector<2000xf32> to vector<2000x1xf32>
    %div3A_599 = arith.constant 6.400000e+01 : f32
    %div3A_600 = vector.broadcast %div3A_599 : f32 to vector<2000x1xf32>
    %div3A_601 = arith.divf %broadcast_in_dim3A_598, %div3A_600 : vector<2000x1xf32>
    %sub3A_602 = vector.broadcast %div3A_601 : vector<2000x1xf32> to vector<2000x64xf32>
    %sub3A_603 = arith.subf %add3A_591, %sub3A_602 : vector<2000x64xf32>
    %integer_pow3A_604 = arith.mulf %sub3A_603, %sub3A_603 : vector<2000x64xf32>
    %reduce_sum3A_605 = arith.constant dense<0.000000e+00> : vector<2000xf32>
    %reduce_sum3A_606 = vector.multi_reduction <add>, %integer_pow3A_604, %reduce_sum3A_605 [1] : vector<2000x64xf32> to vector<2000xf32>
    %broadcast_in_dim3A_607 = vector.shape_cast %reduce_sum3A_606 : vector<2000xf32> to vector<2000x1xf32>
    %div3A_608 = arith.constant 6.400000e+01 : f32
    %div3A_609 = vector.broadcast %div3A_608 : f32 to vector<2000x1xf32>
    %div3A_610 = arith.divf %broadcast_in_dim3A_607, %div3A_609 : vector<2000x1xf32>
    %sub3A_611 = vector.broadcast %div3A_601 : vector<2000x1xf32> to vector<2000x64xf32>
    %sub3A_612 = arith.subf %add3A_591, %sub3A_611 : vector<2000x64xf32>
    %add3A_613 = arith.constant 9.99999997E-7 : f32
    %add3A_614 = vector.broadcast %add3A_613 : f32 to vector<2000x1xf32>
    %add3A_615 = arith.addf %div3A_610, %add3A_614 : vector<2000x1xf32>
    %sqrt3A_616 = math.sqrt %add3A_615 : vector<2000x1xf32>
    %div3A_617 = vector.broadcast %sqrt3A_616 : vector<2000x1xf32> to vector<2000x64xf32>
    %div3A_618 = arith.divf %sub3A_612, %div3A_617 : vector<2000x64xf32>
    %broadcast_in_dim3A_619 = vector.shape_cast %squeeze3A_593 : vector<64xf32> to vector<1x64xf32>
    %mul3A_620 = vector.broadcast %broadcast_in_dim3A_619 : vector<1x64xf32> to vector<2000x64xf32>
    %mul3A_621 = arith.mulf %div3A_618, %mul3A_620 : vector<2000x64xf32>
    %broadcast_in_dim3A_622 = vector.shape_cast %squeeze3A_595 : vector<64xf32> to vector<1x64xf32>
    %add3A_623 = vector.broadcast %broadcast_in_dim3A_622 : vector<1x64xf32> to vector<2000x64xf32>
    %add3A_624 = arith.addf %mul3A_621, %add3A_623 : vector<2000x64xf32>
    %get3A_625 = arith.constant 2 : index
    %get3A_626 = arith.constant 0 : index
    %get3A_627 = arith.constant 0 : index
    %get3A_628 = arith.constant 0 : index
    %get3A_629 = vector.load %arg15[%get3A_625, %get3A_626, %get3A_627, %get3A_628] : memref<3x2x64x64xf32, #tpu.memory_space<vmem>>, vector<1x2x64x64xf32>
    %get3A_630 = vector.shape_cast %get3A_629 : vector<1x2x64x64xf32> to vector<2x64x64xf32>
    %get3A_631 = arith.constant 2 : index
    %get3A_632 = arith.constant 0 : index
    %get3A_633 = arith.constant 0 : index
    %get3A_634 = vector.load %arg16[%get3A_631, %get3A_632, %get3A_633] : memref<3x2x64xf32, #tpu.memory_space<vmem>>, vector<1x2x64xf32>
    %get3A_635 = vector.shape_cast %get3A_634 : vector<1x2x64xf32> to vector<2x64xf32>
    %get3A_636 = arith.constant 2 : index
    %get3A_637 = arith.constant 0 : index
    %get3A_638 = arith.constant 0 : index
    %get3A_639 = vector.load %arg17[%get3A_636, %get3A_637, %get3A_638] : memref<3x2x64xf32, #tpu.memory_space<vmem>>, vector<1x2x64xf32>
    %get3A_640 = vector.shape_cast %get3A_639 : vector<1x2x64xf32> to vector<2x64xf32>
    %slice3A_641 = vector.extract_strided_slice %get3A_630 {offsets = [0, 0, 0], sizes = [1, 64, 64], strides = [1, 1, 1]} : vector<2x64x64xf32> to vector<1x64x64xf32>
    %squeeze3A_642 = vector.shape_cast %slice3A_641 : vector<1x64x64xf32> to vector<64x64xf32>
    %dot_general3A_643 = arith.constant dense<0.000000e+00> : vector<2000x64xf32>
    %dot_general3A_644 = tpu.matmul %add3A_624, %squeeze3A_642, %dot_general3A_643 {dimension_numbers = #tpu.dot_dimension_numbers<[1], [1], [0], [0], [0, 0, 1, 0], [], []>, transpose_lhs_hint = false} : vector<2000x64xf32>, vector<64x64xf32>, vector<2000x64xf32> -> vector<2000x64xf32>
    %slice3A_645 = vector.extract_strided_slice %get3A_635 {offsets = [0, 0], sizes = [1, 64], strides = [1, 1]} : vector<2x64xf32> to vector<1x64xf32>
    %squeeze3A_646 = vector.shape_cast %slice3A_645 : vector<1x64xf32> to vector<64xf32>
    %broadcast_in_dim3A_647 = vector.shape_cast %squeeze3A_646 : vector<64xf32> to vector<1x64xf32>
    %add3A_648 = vector.broadcast %broadcast_in_dim3A_647 : vector<1x64xf32> to vector<2000x64xf32>
    %add3A_649 = arith.addf %dot_general3A_644, %add3A_648 : vector<2000x64xf32>
    %max3A_650 = arith.constant 0.000000e+00 : f32
    %max3A_651 = vector.broadcast %max3A_650 : f32 to vector<2000x64xf32>
    %max3A_652 = arith.maximumf %add3A_649, %max3A_651 : vector<2000x64xf32>
    %slice3A_653 = vector.extract_strided_slice %get3A_630 {offsets = [1, 0, 0], sizes = [1, 64, 64], strides = [1, 1, 1]} : vector<2x64x64xf32> to vector<1x64x64xf32>
    %squeeze3A_654 = vector.shape_cast %slice3A_653 : vector<1x64x64xf32> to vector<64x64xf32>
    %dot_general3A_655 = arith.constant dense<0.000000e+00> : vector<2000x64xf32>
    %dot_general3A_656 = tpu.matmul %max3A_652, %squeeze3A_654, %dot_general3A_655 {dimension_numbers = #tpu.dot_dimension_numbers<[1], [1], [0], [0], [0, 0, 1, 0], [], []>, transpose_lhs_hint = false} : vector<2000x64xf32>, vector<64x64xf32>, vector<2000x64xf32> -> vector<2000x64xf32>
    %slice3A_657 = vector.extract_strided_slice %get3A_635 {offsets = [1, 0], sizes = [1, 64], strides = [1, 1]} : vector<2x64xf32> to vector<1x64xf32>
    %squeeze3A_658 = vector.shape_cast %slice3A_657 : vector<1x64xf32> to vector<64xf32>
    %broadcast_in_dim3A_659 = vector.shape_cast %squeeze3A_658 : vector<64xf32> to vector<1x64xf32>
    %add3A_660 = vector.broadcast %broadcast_in_dim3A_659 : vector<1x64xf32> to vector<2000x64xf32>
    %add3A_661 = arith.addf %dot_general3A_656, %add3A_660 : vector<2000x64xf32>
    %add3A_662 = arith.addf %add3A_624, %add3A_661 : vector<2000x64xf32>
    %slice3A_663 = vector.extract_strided_slice %get3A_640 {offsets = [0, 0], sizes = [1, 64], strides = [1, 1]} : vector<2x64xf32> to vector<1x64xf32>
    %squeeze3A_664 = vector.shape_cast %slice3A_663 : vector<1x64xf32> to vector<64xf32>
    %slice3A_665 = vector.extract_strided_slice %get3A_640 {offsets = [1, 0], sizes = [1, 64], strides = [1, 1]} : vector<2x64xf32> to vector<1x64xf32>
    %squeeze3A_666 = vector.shape_cast %slice3A_665 : vector<1x64xf32> to vector<64xf32>
    %reduce_sum3A_667 = arith.constant dense<0.000000e+00> : vector<2000xf32>
    %reduce_sum3A_668 = vector.multi_reduction <add>, %add3A_662, %reduce_sum3A_667 [1] : vector<2000x64xf32> to vector<2000xf32>
    %broadcast_in_dim3A_669 = vector.shape_cast %reduce_sum3A_668 : vector<2000xf32> to vector<2000x1xf32>
    %div3A_670 = arith.constant 6.400000e+01 : f32
    %div3A_671 = vector.broadcast %div3A_670 : f32 to vector<2000x1xf32>
    %div3A_672 = arith.divf %broadcast_in_dim3A_669, %div3A_671 : vector<2000x1xf32>
    %sub3A_673 = vector.broadcast %div3A_672 : vector<2000x1xf32> to vector<2000x64xf32>
    %sub3A_674 = arith.subf %add3A_662, %sub3A_673 : vector<2000x64xf32>
    %integer_pow3A_675 = arith.mulf %sub3A_674, %sub3A_674 : vector<2000x64xf32>
    %reduce_sum3A_676 = arith.constant dense<0.000000e+00> : vector<2000xf32>
    %reduce_sum3A_677 = vector.multi_reduction <add>, %integer_pow3A_675, %reduce_sum3A_676 [1] : vector<2000x64xf32> to vector<2000xf32>
    %broadcast_in_dim3A_678 = vector.shape_cast %reduce_sum3A_677 : vector<2000xf32> to vector<2000x1xf32>
    %div3A_679 = arith.constant 6.400000e+01 : f32
    %div3A_680 = vector.broadcast %div3A_679 : f32 to vector<2000x1xf32>
    %div3A_681 = arith.divf %broadcast_in_dim3A_678, %div3A_680 : vector<2000x1xf32>
    %sub3A_682 = vector.broadcast %div3A_672 : vector<2000x1xf32> to vector<2000x64xf32>
    %sub3A_683 = arith.subf %add3A_662, %sub3A_682 : vector<2000x64xf32>
    %add3A_684 = arith.constant 9.99999997E-7 : f32
    %add3A_685 = vector.broadcast %add3A_684 : f32 to vector<2000x1xf32>
    %add3A_686 = arith.addf %div3A_681, %add3A_685 : vector<2000x1xf32>
    %sqrt3A_687 = math.sqrt %add3A_686 : vector<2000x1xf32>
    %div3A_688 = vector.broadcast %sqrt3A_687 : vector<2000x1xf32> to vector<2000x64xf32>
    %div3A_689 = arith.divf %sub3A_683, %div3A_688 : vector<2000x64xf32>
    %broadcast_in_dim3A_690 = vector.shape_cast %squeeze3A_664 : vector<64xf32> to vector<1x64xf32>
    %mul3A_691 = vector.broadcast %broadcast_in_dim3A_690 : vector<1x64xf32> to vector<2000x64xf32>
    %mul3A_692 = arith.mulf %div3A_689, %mul3A_691 : vector<2000x64xf32>
    %broadcast_in_dim3A_693 = vector.shape_cast %squeeze3A_666 : vector<64xf32> to vector<1x64xf32>
    %add3A_694 = vector.broadcast %broadcast_in_dim3A_693 : vector<1x64xf32> to vector<2000x64xf32>
    %add3A_695 = arith.addf %mul3A_692, %add3A_694 : vector<2000x64xf32>
    %get3A_696 = arith.constant 0 : index
    %get3A_697 = arith.constant 0 : index
    %get3A_698 = vector.load %arg21[%get3A_696, %get3A_697] : memref<128x64xf32, #tpu.memory_space<vmem>>, vector<128x64xf32>
    %dot_general3A_699 = arith.constant dense<0.000000e+00> : vector<2000x128xf32>
    %dot_general3A_700 = tpu.matmul %add3A_12, %get3A_698, %dot_general3A_699 {dimension_numbers = #tpu.dot_dimension_numbers<[1], [1], [0], [0], [0, 0, 1, 0], [], []>, transpose_lhs_hint = false} : vector<2000x64xf32>, vector<128x64xf32>, vector<2000x128xf32> -> vector<2000x128xf32>
    %get3A_701 = arith.constant 0 : index
    %get3A_702 = arith.constant 0 : index
    %get3A_703 = vector.load %arg22[%get3A_701, %get3A_702] : memref<128x64xf32, #tpu.memory_space<vmem>>, vector<128x64xf32>
    %dot_general3A_704 = arith.constant dense<0.000000e+00> : vector<2000x128xf32>
    %dot_general3A_705 = tpu.matmul %add3A_695, %get3A_703, %dot_general3A_704 {dimension_numbers = #tpu.dot_dimension_numbers<[1], [1], [0], [0], [0, 0, 1, 0], [], []>, transpose_lhs_hint = false} : vector<2000x64xf32>, vector<128x64xf32>, vector<2000x128xf32> -> vector<2000x128xf32>
    %add3A_706 = arith.addf %dot_general3A_700, %dot_general3A_705 : vector<2000x128xf32>
    %get3A_707 = arith.constant 0 : index
    %get3A_708 = arith.constant 0 : index
    %get3A_709 = vector.load %arg23[%get3A_707, %get3A_708] : memref<1x128xf32, #tpu.memory_space<vmem>>, vector<1x128xf32>
    %add3A_710 = vector.broadcast %get3A_709 : vector<1x128xf32> to vector<2000x128xf32>
    %add3A_711 = arith.addf %add3A_706, %add3A_710 : vector<2000x128xf32>
    %swap3A = arith.constant 0 : index
    %swap3A_712 = arith.constant 0 : index
    %swap3A_713 = vector.load %arg24[%swap3A, %swap3A_712] : memref<2000x64xf32, #tpu.memory_space<vmem>>, vector<2000x64xf32>
    tpu.vector_store %arg24[%swap3A, %swap3A_712], %add3A_12 {strides = array<i32>} : memref<2000x64xf32, #tpu.memory_space<vmem>>, vector<2000x64xf32>,
    %swap3A_714 = arith.constant 0 : index
    %swap3A_715 = arith.constant 0 : index
    %swap3A_716 = vector.load %arg25[%swap3A_714, %swap3A_715] : memref<2000x64xf32, #tpu.memory_space<vmem>>, vector<2000x64xf32>
    tpu.vector_store %arg25[%swap3A_714, %swap3A_715], %add3A_695 {strides = array<i32>} : memref<2000x64xf32, #tpu.memory_space<vmem>>, vector<2000x64xf32>,
    %swap3A_717 = arith.constant 0 : index
    %swap3A_718 = arith.constant 0 : index
    %swap3A_719 = vector.load %arg26[%swap3A_717, %swap3A_718] : memref<2000x128xf32, #tpu.memory_space<vmem>>, vector<2000x128xf32>
    tpu.vector_store %arg26[%swap3A_717, %swap3A_718], %add3A_711 {strides = array<i32>} : memref<2000x128xf32, #tpu.memory_space<vmem>>, vector<2000x128xf32>,
    return
  }
  func.func @transform_0(%arg0: i32) -> (i32, i32) {
    %c0_i32 = arith.constant 0 : i32
    %c0_i32_0 = arith.constant 0 : i32
    return %arg0, %c0_i32 : i32, i32
  }
  func.func @transform_1(%arg0: i32) -> (i32, i32) {
    %c0_i32 = arith.constant 0 : i32
    %c0_i32_0 = arith.constant 0 : i32
    %c0_i32_1 = arith.constant 0 : i32
    return %c0_i32, %c0_i32_0 : i32, i32
  }
  func.func @transform_2(%arg0: i32) -> (i32, i32) {
    %c0_i32 = arith.constant 0 : i32
    %c0_i32_0 = arith.constant 0 : i32
    %c0_i32_1 = arith.constant 0 : i32
    return %c0_i32, %c0_i32_0 : i32, i32
  }
  func.func @transform_3(%arg0: i32) -> (i32, i32) {
    %c0_i32 = arith.constant 0 : i32
    %c0_i32_0 = arith.constant 0 : i32
    %c0_i32_1 = arith.constant 0 : i32
    return %c0_i32, %c0_i32_0 : i32, i32
  }
  func.func @transform_4(%arg0: i32) -> (i32, i32) {
    %c0_i32 = arith.constant 0 : i32
    %c0_i32_0 = arith.constant 0 : i32
    %c0_i32_1 = arith.constant 0 : i32
    return %c0_i32, %c0_i32_0 : i32, i32
  }
  func.func @transform_5(%arg0: i32) -> (i32, i32) {
    %c0_i32 = arith.constant 0 : i32
    %c0_i32_0 = arith.constant 0 : i32
    %c0_i32_1 = arith.constant 0 : i32
    return %c0_i32, %c0_i32_0 : i32, i32
  }
  func.func @transform_6(%arg0: i32) -> (i32, i32) {
    %c0_i32 = arith.constant 0 : i32
    %c0_i32_0 = arith.constant 0 : i32
    %c0_i32_1 = arith.constant 0 : i32
    return %c0_i32, %c0_i32_0 : i32, i32
  }
  func.func @transform_7(%arg0: i32) -> (i32, i32) {
    %c0_i32 = arith.constant 0 : i32
    %c0_i32_0 = arith.constant 0 : i32
    %c0_i32_1 = arith.constant 0 : i32
    return %c0_i32, %c0_i32_0 : i32, i32
  }
  func.func @transform_8(%arg0: i32) -> (i32, i32) {
    %c0_i32 = arith.constant 0 : i32
    %c0_i32_0 = arith.constant 0 : i32
    %c0_i32_1 = arith.constant 0 : i32
    return %c0_i32, %c0_i32_0 : i32, i32
  }
  func.func @transform_9(%arg0: i32) -> (i32, i32) {
    %c0_i32 = arith.constant 0 : i32
    %c0_i32_0 = arith.constant 0 : i32
    %c0_i32_1 = arith.constant 0 : i32
    return %c0_i32, %c0_i32_0 : i32, i32
  }
  func.func @transform_10(%arg0: i32) -> (i32, i32) {
    %c0_i32 = arith.constant 0 : i32
    %c0_i32_0 = arith.constant 0 : i32
    %c0_i32_1 = arith.constant 0 : i32
    return %c0_i32, %c0_i32_0 : i32, i32
  }
  func.func @transform_11(%arg0: i32) -> (i32, i32) {
    %c0_i32 = arith.constant 0 : i32
    %c0_i32_0 = arith.constant 0 : i32
    %c0_i32_1 = arith.constant 0 : i32
    return %c0_i32, %c0_i32_0 : i32, i32
  }
  func.func @transform_12(%arg0: i32) -> (i32, i32, i32, i32) {
    %c0_i32 = arith.constant 0 : i32
    %c0_i32_0 = arith.constant 0 : i32
    %c0_i32_1 = arith.constant 0 : i32
    %c0_i32_2 = arith.constant 0 : i32
    %c0_i32_3 = arith.constant 0 : i32
    return %c0_i32, %c0_i32_0, %c0_i32_1, %c0_i32_2 : i32, i32, i32, i32
  }
  func.func @transform_13(%arg0: i32) -> (i32, i32, i32) {
    %c0_i32 = arith.constant 0 : i32
    %c0_i32_0 = arith.constant 0 : i32
    %c0_i32_1 = arith.constant 0 : i32
    %c0_i32_2 = arith.constant 0 : i32
    return %c0_i32, %c0_i32_0, %c0_i32_1 : i32, i32, i32
  }
  func.func @transform_14(%arg0: i32) -> (i32, i32, i32, i32) {
    %c0_i32 = arith.constant 0 : i32
    %c0_i32_0 = arith.constant 0 : i32
    %c0_i32_1 = arith.constant 0 : i32
    %c0_i32_2 = arith.constant 0 : i32
    %c0_i32_3 = arith.constant 0 : i32
    return %c0_i32, %c0_i32_0, %c0_i32_1, %c0_i32_2 : i32, i32, i32, i32
  }
  func.func @transform_15(%arg0: i32) -> (i32, i32, i32) {
    %c0_i32 = arith.constant 0 : i32
    %c0_i32_0 = arith.constant 0 : i32
    %c0_i32_1 = arith.constant 0 : i32
    %c0_i32_2 = arith.constant 0 : i32
    return %c0_i32, %c0_i32_0, %c0_i32_1 : i32, i32, i32
  }
  func.func @transform_16(%arg0: i32) -> (i32, i32, i32) {
    %c0_i32 = arith.constant 0 : i32
    %c0_i32_0 = arith.constant 0 : i32
    %c0_i32_1 = arith.constant 0 : i32
    %c0_i32_2 = arith.constant 0 : i32
    return %c0_i32, %c0_i32_0, %c0_i32_1 : i32, i32, i32
  }
  func.func @transform_17(%arg0: i32) -> (i32, i32, i32, i32) {
    %c0_i32 = arith.constant 0 : i32
    %c0_i32_0 = arith.constant 0 : i32
    %c0_i32_1 = arith.constant 0 : i32
    %c0_i32_2 = arith.constant 0 : i32
    %c0_i32_3 = arith.constant 0 : i32
    return %c0_i32, %c0_i32_0, %c0_i32_1, %c0_i32_2 : i32, i32, i32, i32
  }
  func.func @transform_18(%arg0: i32) -> (i32, i32, i32) {
    %c0_i32 = arith.constant 0 : i32
    %c0_i32_0 = arith.constant 0 : i32
    %c0_i32_1 = arith.constant 0 : i32
    %c0_i32_2 = arith.constant 0 : i32
    return %c0_i32, %c0_i32_0, %c0_i32_1 : i32, i32, i32
  }
  func.func @transform_19(%arg0: i32) -> (i32, i32, i32) {
    %c0_i32 = arith.constant 0 : i32
    %c0_i32_0 = arith.constant 0 : i32
    %c0_i32_1 = arith.constant 0 : i32
    %c0_i32_2 = arith.constant 0 : i32
    return %c0_i32, %c0_i32_0, %c0_i32_1 : i32, i32, i32
  }
  func.func @transform_20(%arg0: i32) -> (i32, i32) {
    %c0_i32 = arith.constant 0 : i32
    %c0_i32_0 = arith.constant 0 : i32
    %c0_i32_1 = arith.constant 0 : i32
    return %c0_i32, %c0_i32_0 : i32, i32
  }
  func.func @transform_21(%arg0: i32) -> (i32, i32) {
    %c0_i32 = arith.constant 0 : i32
    %c0_i32_0 = arith.constant 0 : i32
    %c0_i32_1 = arith.constant 0 : i32
    return %c0_i32, %c0_i32_0 : i32, i32
  }
  func.func @transform_22(%arg0: i32) -> (i32, i32) {
    %c0_i32 = arith.constant 0 : i32
    %c0_i32_0 = arith.constant 0 : i32
    %c0_i32_1 = arith.constant 0 : i32
    return %c0_i32, %c0_i32_0 : i32, i32
  }
  func.func @transform_23(%arg0: i32) -> (i32, i32) {
    %c0_i32 = arith.constant 0 : i32
    %c0_i32_0 = arith.constant 0 : i32
    return %arg0, %c0_i32 : i32, i32
  }
  func.func @transform_24(%arg0: i32) -> (i32, i32) {
    %c0_i32 = arith.constant 0 : i32
    %c0_i32_0 = arith.constant 0 : i32
    return %arg0, %c0_i32 : i32, i32
  }
  func.func @transform_25(%arg0: i32) -> (i32, i32) {
    %c0_i32 = arith.constant 0 : i32
    %c0_i32_0 = arith.constant 0 : i32
    return %arg0, %c0_i32 : i32, i32
  }
}

module attributes {stable_mosaic.version = 14 : i64} {
  func.func @_k1_body(%arg0: i32, %arg1: memref<2000x128xf32, #tpu.memory_space<vmem>>, %arg2: memref<2000x128xf32, #tpu.memory_space<vmem>>, %arg3: memref<128x128xf32, #tpu.memory_space<vmem>>, %arg4: memref<128x128xf32, #tpu.memory_space<vmem>>, %arg5: memref<1x128xf32, #tpu.memory_space<vmem>>, %arg6: memref<128x128xf32, #tpu.memory_space<vmem>>, %arg7: memref<2000x128xf32, #tpu.memory_space<vmem>>, %arg8: memref<2000x128xf32, #tpu.memory_space<vmem>>, %arg9: memref<2000x128xf32, #tpu.memory_space<vmem>>) attributes {dimension_semantics = [#tpu.dimension_semantics<arbitrary>], iteration_bounds = array<i64: 5>, scalar_prefetch = 0 : i64, scratch_operands = 0 : i64, tpu.core_type = #tpu.core_type<tc>, window_params = [{transform_indices = @transform_0, window_bounds = array<i64: 2000, 128>}, {transform_indices = @transform_1, window_bounds = array<i64: 2000, 128>}, {pipeline_mode = #tpu.pipeline_mode<synchronous>, transform_indices = @transform_2, window_bounds = array<i64: 128, 128>}, {pipeline_mode = #tpu.pipeline_mode<synchronous>, transform_indices = @transform_3, window_bounds = array<i64: 128, 128>}, {pipeline_mode = #tpu.pipeline_mode<synchronous>, transform_indices = @transform_4, window_bounds = array<i64: 1, 128>}, {pipeline_mode = #tpu.pipeline_mode<synchronous>, transform_indices = @transform_5, window_bounds = array<i64: 128, 128>}, {transform_indices = @transform_6, window_bounds = array<i64: 2000, 128>}, {transform_indices = @transform_7, window_bounds = array<i64: 2000, 128>}, {transform_indices = @transform_8, window_bounds = array<i64: 2000, 128>}]} {
    %get3A = arith.constant 0 : index
    %get3A_0 = arith.constant 0 : index
    %get3A_1 = vector.load %arg1[%get3A, %get3A_0] : memref<2000x128xf32, #tpu.memory_space<vmem>>, vector<2000x128xf32>
    %get3A_2 = arith.constant 0 : index
    %get3A_3 = arith.constant 0 : index
    %get3A_4 = vector.load %arg2[%get3A_2, %get3A_3] : memref<2000x128xf32, #tpu.memory_space<vmem>>, vector<2000x128xf32>
    %get3A_5 = arith.constant 0 : index
    %get3A_6 = arith.constant 0 : index
    %get3A_7 = vector.load %arg3[%get3A_5, %get3A_6] : memref<128x128xf32, #tpu.memory_space<vmem>>, vector<128x128xf32>
    %dot_general3A = arith.constant dense<0.000000e+00> : vector<2000x128xf32>
    %dot_general3A_8 = tpu.matmul %get3A_4, %get3A_7, %dot_general3A {dimension_numbers = #tpu.dot_dimension_numbers<[1], [1], [0], [0], [0, 0, 1, 0], [], []>, transpose_lhs_hint = false} : vector<2000x128xf32>, vector<128x128xf32>, vector<2000x128xf32> -> vector<2000x128xf32>
    %add3A = arith.addf %get3A_1, %dot_general3A_8 : vector<2000x128xf32>
    %swap3A = arith.constant 0 : index
    %swap3A_9 = arith.constant 0 : index
    %swap3A_10 = vector.load %arg7[%swap3A, %swap3A_9] : memref<2000x128xf32, #tpu.memory_space<vmem>>, vector<2000x128xf32>
    tpu.vector_store %arg7[%swap3A, %swap3A_9], %add3A {strides = array<i32>} : memref<2000x128xf32, #tpu.memory_space<vmem>>, vector<2000x128xf32>,
    %get3A_11 = arith.constant 0 : index
    %get3A_12 = arith.constant 0 : index
    %get3A_13 = vector.load %arg4[%get3A_11, %get3A_12] : memref<128x128xf32, #tpu.memory_space<vmem>>, vector<128x128xf32>
    %dot_general3A_14 = arith.constant dense<0.000000e+00> : vector<2000x128xf32>
    %dot_general3A_15 = tpu.matmul %add3A, %get3A_13, %dot_general3A_14 {dimension_numbers = #tpu.dot_dimension_numbers<[1], [1], [0], [0], [0, 0, 1, 0], [], []>, transpose_lhs_hint = false} : vector<2000x128xf32>, vector<128x128xf32>, vector<2000x128xf32> -> vector<2000x128xf32>
    %get3A_16 = arith.constant 0 : index
    %get3A_17 = arith.constant 0 : index
    %get3A_18 = vector.load %arg5[%get3A_16, %get3A_17] : memref<1x128xf32, #tpu.memory_space<vmem>>, vector<1x128xf32>
    %add3A_19 = vector.broadcast %get3A_18 : vector<1x128xf32> to vector<2000x128xf32>
    %add3A_20 = arith.addf %dot_general3A_15, %add3A_19 : vector<2000x128xf32>
    %swap3A_21 = arith.constant 0 : index
    %swap3A_22 = arith.constant 0 : index
    %swap3A_23 = vector.load %arg8[%swap3A_21, %swap3A_22] : memref<2000x128xf32, #tpu.memory_space<vmem>>, vector<2000x128xf32>
    tpu.vector_store %arg8[%swap3A_21, %swap3A_22], %add3A_20 {strides = array<i32>} : memref<2000x128xf32, #tpu.memory_space<vmem>>, vector<2000x128xf32>,
    %get3A_24 = arith.constant 0 : index
    %get3A_25 = arith.constant 0 : index
    %get3A_26 = vector.load %arg6[%get3A_24, %get3A_25] : memref<128x128xf32, #tpu.memory_space<vmem>>, vector<128x128xf32>
    %dot_general3A_27 = arith.constant dense<0.000000e+00> : vector<2000x128xf32>
    %dot_general3A_28 = tpu.matmul %add3A, %get3A_26, %dot_general3A_27 {dimension_numbers = #tpu.dot_dimension_numbers<[1], [1], [0], [0], [0, 0, 1, 0], [], []>, transpose_lhs_hint = false} : vector<2000x128xf32>, vector<128x128xf32>, vector<2000x128xf32> -> vector<2000x128xf32>
    %swap3A_29 = arith.constant 0 : index
    %swap3A_30 = arith.constant 0 : index
    %swap3A_31 = vector.load %arg9[%swap3A_29, %swap3A_30] : memref<2000x128xf32, #tpu.memory_space<vmem>>, vector<2000x128xf32>
    tpu.vector_store %arg9[%swap3A_29, %swap3A_30], %dot_general3A_28 {strides = array<i32>} : memref<2000x128xf32, #tpu.memory_space<vmem>>, vector<2000x128xf32>,
    return
  }
  func.func @transform_0(%arg0: i32) -> (i32, i32) {
    %c0_i32 = arith.constant 0 : i32
    %c0_i32_0 = arith.constant 0 : i32
    return %arg0, %c0_i32 : i32, i32
  }
  func.func @transform_1(%arg0: i32) -> (i32, i32) {
    %c0_i32 = arith.constant 0 : i32
    %c0_i32_0 = arith.constant 0 : i32
    return %arg0, %c0_i32 : i32, i32
  }
  func.func @transform_2(%arg0: i32) -> (i32, i32) {
    %c0_i32 = arith.constant 0 : i32
    %c0_i32_0 = arith.constant 0 : i32
    %c0_i32_1 = arith.constant 0 : i32
    return %c0_i32, %c0_i32_0 : i32, i32
  }
  func.func @transform_3(%arg0: i32) -> (i32, i32) {
    %c0_i32 = arith.constant 0 : i32
    %c0_i32_0 = arith.constant 0 : i32
    %c0_i32_1 = arith.constant 0 : i32
    return %c0_i32, %c0_i32_0 : i32, i32
  }
  func.func @transform_4(%arg0: i32) -> (i32, i32) {
    %c0_i32 = arith.constant 0 : i32
    %c0_i32_0 = arith.constant 0 : i32
    %c0_i32_1 = arith.constant 0 : i32
    return %c0_i32, %c0_i32_0 : i32, i32
  }
  func.func @transform_5(%arg0: i32) -> (i32, i32) {
    %c0_i32 = arith.constant 0 : i32
    %c0_i32_0 = arith.constant 0 : i32
    %c0_i32_1 = arith.constant 0 : i32
    return %c0_i32, %c0_i32_0 : i32, i32
  }
  func.func @transform_6(%arg0: i32) -> (i32, i32) {
    %c0_i32 = arith.constant 0 : i32
    %c0_i32_0 = arith.constant 0 : i32
    return %arg0, %c0_i32 : i32, i32
  }
  func.func @transform_7(%arg0: i32) -> (i32, i32) {
    %c0_i32 = arith.constant 0 : i32
    %c0_i32_0 = arith.constant 0 : i32
    return %arg0, %c0_i32 : i32, i32
  }
  func.func @transform_8(%arg0: i32) -> (i32, i32) {
    %c0_i32 = arith.constant 0 : i32
    %c0_i32_0 = arith.constant 0 : i32
    return %arg0, %c0_i32 : i32, i32
  }
}

module attributes {stable_mosaic.version = 14 : i64} {
  func.func @_k2_body(%arg0: i32, %arg1: memref<3200x128xf32, #tpu.memory_space<vmem>>, %arg2: memref<128x128xf32, #tpu.memory_space<vmem>>, %arg3: memref<128x1xf32, #tpu.memory_space<vmem>>, %arg4: memref<128x3200xf32, #tpu.memory_space<vmem>>) attributes {dimension_semantics = [#tpu.dimension_semantics<arbitrary>], iteration_bounds = array<i64: 50>, scalar_prefetch = 0 : i64, scratch_operands = 0 : i64, tpu.core_type = #tpu.core_type<tc>, window_params = [{transform_indices = @transform_0, window_bounds = array<i64: 3200, 128>}, {pipeline_mode = #tpu.pipeline_mode<synchronous>, transform_indices = @transform_1, window_bounds = array<i64: 128, 128>}, {pipeline_mode = #tpu.pipeline_mode<synchronous>, transform_indices = @transform_2, window_bounds = array<i64: 128, 1>}, {transform_indices = @transform_3, window_bounds = array<i64: 128, 3200>}]} {
    %get3A = arith.constant 0 : index
    %get3A_0 = arith.constant 0 : index
    %get3A_1 = vector.load %arg2[%get3A, %get3A_0] : memref<128x128xf32, #tpu.memory_space<vmem>>, vector<128x128xf32>
    %get3A_2 = arith.constant 0 : index
    %get3A_3 = arith.constant 0 : index
    %get3A_4 = vector.load %arg1[%get3A_2, %get3A_3] : memref<3200x128xf32, #tpu.memory_space<vmem>>, vector<3200x128xf32>
    %max3A = arith.constant 0.000000e+00 : f32
    %max3A_5 = vector.broadcast %max3A : f32 to vector<3200x128xf32>
    %max3A_6 = arith.maximumf %get3A_4, %max3A_5 : vector<3200x128xf32>
    %dot_general3A = arith.constant dense<0.000000e+00> : vector<128x3200xf32>
    %dot_general3A_7 = tpu.matmul %get3A_1, %max3A_6, %dot_general3A {dimension_numbers = #tpu.dot_dimension_numbers<[1], [1], [0], [0], [0, 0, 1, 0], [], []>, transpose_lhs_hint = false} : vector<128x128xf32>, vector<3200x128xf32>, vector<128x3200xf32> -> vector<128x3200xf32>
    %get3A_8 = arith.constant 0 : index
    %get3A_9 = arith.constant 0 : index
    %get3A_10 = vector.load %arg3[%get3A_8, %get3A_9] : memref<128x1xf32, #tpu.memory_space<vmem>>, vector<128x1xf32>
    %add3A = vector.broadcast %get3A_10 : vector<128x1xf32> to vector<128x3200xf32>
    %add3A_11 = arith.addf %dot_general3A_7, %add3A : vector<128x3200xf32>
    %swap3A = arith.constant 0 : index
    %swap3A_12 = arith.constant 0 : index
    %swap3A_13 = vector.load %arg4[%swap3A, %swap3A_12] : memref<128x3200xf32, #tpu.memory_space<vmem>>, vector<128x3200xf32>
    tpu.vector_store %arg4[%swap3A, %swap3A_12], %add3A_11 {strides = array<i32>} : memref<128x3200xf32, #tpu.memory_space<vmem>>, vector<128x3200xf32>,
    return
  }
  func.func @transform_0(%arg0: i32) -> (i32, i32) {
    %c0_i32 = arith.constant 0 : i32
    %c0_i32_0 = arith.constant 0 : i32
    return %arg0, %c0_i32 : i32, i32
  }
  func.func @transform_1(%arg0: i32) -> (i32, i32) {
    %c0_i32 = arith.constant 0 : i32
    %c0_i32_0 = arith.constant 0 : i32
    %c0_i32_1 = arith.constant 0 : i32
    return %c0_i32, %c0_i32_0 : i32, i32
  }
  func.func @transform_2(%arg0: i32) -> (i32, i32) {
    %c0_i32 = arith.constant 0 : i32
    %c0_i32_0 = arith.constant 0 : i32
    %c0_i32_1 = arith.constant 0 : i32
    return %c0_i32, %c0_i32_0 : i32, i32
  }
  func.func @transform_3(%arg0: i32) -> (i32, i32) {
    %c0_i32 = arith.constant 0 : i32
    %c0_i32_0 = arith.constant 0 : i32
    return %c0_i32, %arg0 : i32, i32
  }
}

module attributes {stable_mosaic.version = 14 : i64} {
  func.func @_k3_body(%arg0: i32, %arg1: memref<10000x128xf32, #tpu.memory_space<vmem>>, %arg2: memref<2x128x10000xf32, #tpu.memory_space<vmem>>, %arg3: memref<10000x64xf32, #tpu.memory_space<vmem>>, %arg4: memref<128x128xf32, #tpu.memory_space<vmem>>, %arg5: memref<128x128xf32, #tpu.memory_space<vmem>>, %arg6: memref<1x128xf32, #tpu.memory_space<vmem>>, %arg7: memref<64x64xf32, #tpu.memory_space<vmem>>, %arg8: memref<64x128xf32, #tpu.memory_space<vmem>>, %arg9: memref<1x64xf32, #tpu.memory_space<vmem>>, %arg10: memref<10000x128xf32, #tpu.memory_space<vmem>>, %arg11: memref<10000x64xf32, #tpu.memory_space<vmem>>) attributes {dimension_semantics = [#tpu.dimension_semantics<arbitrary>], iteration_bounds = array<i64: 1>, scalar_prefetch = 0 : i64, scratch_operands = 0 : i64, tpu.core_type = #tpu.core_type<tc>, window_params = [{pipeline_mode = #tpu.pipeline_mode<synchronous>, transform_indices = @transform_0, window_bounds = array<i64: 10000, 128>}, {pipeline_mode = #tpu.pipeline_mode<synchronous>, transform_indices = @transform_1, window_bounds = array<i64: 2, 128, 10000>}, {pipeline_mode = #tpu.pipeline_mode<synchronous>, transform_indices = @transform_2, window_bounds = array<i64: 10000, 64>}, {pipeline_mode = #tpu.pipeline_mode<synchronous>, transform_indices = @transform_3, window_bounds = array<i64: 128, 128>}, {pipeline_mode = #tpu.pipeline_mode<synchronous>, transform_indices = @transform_4, window_bounds = array<i64: 128, 128>}, {pipeline_mode = #tpu.pipeline_mode<synchronous>, transform_indices = @transform_5, window_bounds = array<i64: 1, 128>}, {pipeline_mode = #tpu.pipeline_mode<synchronous>, transform_indices = @transform_6, window_bounds = array<i64: 64, 64>}, {pipeline_mode = #tpu.pipeline_mode<synchronous>, transform_indices = @transform_7, window_bounds = array<i64: 64, 128>}, {pipeline_mode = #tpu.pipeline_mode<synchronous>, transform_indices = @transform_8, window_bounds = array<i64: 1, 64>}, {pipeline_mode = #tpu.pipeline_mode<synchronous>, transform_indices = @transform_9, window_bounds = array<i64: 10000, 128>}, {pipeline_mode = #tpu.pipeline_mode<synchronous>, transform_indices = @transform_10, window_bounds = array<i64: 10000, 64>}]} {
    %get3A = arith.constant 0 : index
    %get3A_0 = arith.constant 0 : index
    %get3A_1 = arith.constant 0 : index
    %get3A_2 = vector.load %arg2[%get3A, %get3A_0, %get3A_1] : memref<2x128x10000xf32, #tpu.memory_space<vmem>>, vector<1x128x10000xf32>
    %get3A_3 = vector.shape_cast %get3A_2 : vector<1x128x10000xf32> to vector<128x10000xf32>
    %get3A_4 = arith.constant 1 : index
    %get3A_5 = arith.constant 0 : index
    %get3A_6 = arith.constant 0 : index
    %get3A_7 = vector.load %arg2[%get3A_4, %get3A_5, %get3A_6] : memref<2x128x10000xf32, #tpu.memory_space<vmem>>, vector<1x128x10000xf32>
    %get3A_8 = vector.shape_cast %get3A_7 : vector<1x128x10000xf32> to vector<128x10000xf32>
    %max3A = arith.maximumf %get3A_3, %get3A_8 : vector<128x10000xf32>
    %eq3A = arith.constant 0xFF800000 : f32
    %eq3A_9 = vector.broadcast %eq3A : f32 to vector<128x10000xf32>
    %eq3A_10 = arith.cmpf oeq, %max3A, %eq3A_9 : vector<128x10000xf32>
    %jit3A = arith.constant 0.000000e+00 : f32
    %broadcast_in_dim3A = vector.broadcast %jit3A : f32 to vector<128x10000xf32>
    %select_n3A = arith.select %eq3A_10, %broadcast_in_dim3A, %max3A : vector<128x10000xi1>, vector<128x10000xf32>
    %get3A_11 = arith.constant 0 : index
    %get3A_12 = arith.constant 0 : index
    %get3A_13 = vector.load %arg1[%get3A_11, %get3A_12] : memref<10000x128xf32, #tpu.memory_space<vmem>>, vector<10000x128xf32>
    %get3A_14 = arith.constant 0 : index
    %get3A_15 = arith.constant 0 : index
    %get3A_16 = vector.load %arg4[%get3A_14, %get3A_15] : memref<128x128xf32, #tpu.memory_space<vmem>>, vector<128x128xf32>
    %dot_general3A = arith.constant dense<0.000000e+00> : vector<10000x128xf32>
    %dot_general3A_17 = tpu.matmul %get3A_13, %get3A_16, %dot_general3A {dimension_numbers = #tpu.dot_dimension_numbers<[1], [1], [0], [0], [0, 0, 1, 0], [], []>, transpose_lhs_hint = false} : vector<10000x128xf32>, vector<128x128xf32>, vector<10000x128xf32> -> vector<10000x128xf32>
    %get3A_18 = arith.constant 0 : index
    %get3A_19 = arith.constant 0 : index
    %get3A_20 = vector.load %arg5[%get3A_18, %get3A_19] : memref<128x128xf32, #tpu.memory_space<vmem>>, vector<128x128xf32>
    %dot_general3A_21 = arith.constant dense<0.000000e+00> : vector<10000x128xf32>
    %dot_general3A_22 = tpu.matmul %select_n3A, %get3A_20, %dot_general3A_21 {dimension_numbers = #tpu.dot_dimension_numbers<[0], [1], [1], [0], [0, 1, 1, 0], [], []>, transpose_lhs_hint = false} : vector<128x10000xf32>, vector<128x128xf32>, vector<10000x128xf32> -> vector<10000x128xf32>
    %add3A = arith.addf %dot_general3A_17, %dot_general3A_22 : vector<10000x128xf32>
    %get3A_23 = arith.constant 0 : index
    %get3A_24 = arith.constant 0 : index
    %get3A_25 = vector.load %arg6[%get3A_23, %get3A_24] : memref<1x128xf32, #tpu.memory_space<vmem>>, vector<1x128xf32>
    %add3A_26 = vector.broadcast %get3A_25 : vector<1x128xf32> to vector<10000x128xf32>
    %add3A_27 = arith.addf %add3A, %add3A_26 : vector<10000x128xf32>
    %swap3A = arith.constant 0 : index
    %swap3A_28 = arith.constant 0 : index
    %swap3A_29 = vector.load %arg10[%swap3A, %swap3A_28] : memref<10000x128xf32, #tpu.memory_space<vmem>>, vector<10000x128xf32>
    tpu.vector_store %arg10[%swap3A, %swap3A_28], %add3A_27 {strides = array<i32>} : memref<10000x128xf32, #tpu.memory_space<vmem>>, vector<10000x128xf32>,
    %get3A_30 = arith.constant 0 : index
    %get3A_31 = arith.constant 0 : index
    %get3A_32 = vector.load %arg3[%get3A_30, %get3A_31] : memref<10000x64xf32, #tpu.memory_space<vmem>>, vector<10000x64xf32>
    %get3A_33 = arith.constant 0 : index
    %get3A_34 = arith.constant 0 : index
    %get3A_35 = vector.load %arg7[%get3A_33, %get3A_34] : memref<64x64xf32, #tpu.memory_space<vmem>>, vector<64x64xf32>
    %dot_general3A_36 = arith.constant dense<0.000000e+00> : vector<10000x64xf32>
    %dot_general3A_37 = tpu.matmul %get3A_32, %get3A_35, %dot_general3A_36 {dimension_numbers = #tpu.dot_dimension_numbers<[1], [1], [0], [0], [0, 0, 1, 0], [], []>, transpose_lhs_hint = false} : vector<10000x64xf32>, vector<64x64xf32>, vector<10000x64xf32> -> vector<10000x64xf32>
    %get3A_38 = arith.constant 0 : index
    %get3A_39 = arith.constant 0 : index
    %get3A_40 = vector.load %arg8[%get3A_38, %get3A_39] : memref<64x128xf32, #tpu.memory_space<vmem>>, vector<64x128xf32>
    %dot_general3A_41 = arith.constant dense<0.000000e+00> : vector<10000x64xf32>
    %dot_general3A_42 = tpu.matmul %add3A_27, %get3A_40, %dot_general3A_41 {dimension_numbers = #tpu.dot_dimension_numbers<[1], [1], [0], [0], [0, 0, 1, 0], [], []>, transpose_lhs_hint = false} : vector<10000x128xf32>, vector<64x128xf32>, vector<10000x64xf32> -> vector<10000x64xf32>
    %add3A_43 = arith.addf %dot_general3A_37, %dot_general3A_42 : vector<10000x64xf32>
    %get3A_44 = arith.constant 0 : index
    %get3A_45 = arith.constant 0 : index
    %get3A_46 = vector.load %arg9[%get3A_44, %get3A_45] : memref<1x64xf32, #tpu.memory_space<vmem>>, vector<1x64xf32>
    %add3A_47 = vector.broadcast %get3A_46 : vector<1x64xf32> to vector<10000x64xf32>
    %add3A_48 = arith.addf %add3A_43, %add3A_47 : vector<10000x64xf32>
    %swap3A_49 = arith.constant 0 : index
    %swap3A_50 = arith.constant 0 : index
    %swap3A_51 = vector.load %arg11[%swap3A_49, %swap3A_50] : memref<10000x64xf32, #tpu.memory_space<vmem>>, vector<10000x64xf32>
    tpu.vector_store %arg11[%swap3A_49, %swap3A_50], %add3A_48 {strides = array<i32>} : memref<10000x64xf32, #tpu.memory_space<vmem>>, vector<10000x64xf32>,
    return
  }
  func.func @transform_0(%arg0: i32) -> (i32, i32) {
    %c0_i32 = arith.constant 0 : i32
    %c0_i32_0 = arith.constant 0 : i32
    %c0_i32_1 = arith.constant 0 : i32
    return %c0_i32, %c0_i32_0 : i32, i32
  }
  func.func @transform_1(%arg0: i32) -> (i32, i32, i32) {
    %c0_i32 = arith.constant 0 : i32
    %c0_i32_0 = arith.constant 0 : i32
    %c0_i32_1 = arith.constant 0 : i32
    %c0_i32_2 = arith.constant 0 : i32
    return %c0_i32, %c0_i32_0, %c0_i32_1 : i32, i32, i32
  }
  func.func @transform_2(%arg0: i32) -> (i32, i32) {
    %c0_i32 = arith.constant 0 : i32
    %c0_i32_0 = arith.constant 0 : i32
    %c0_i32_1 = arith.constant 0 : i32
    return %c0_i32, %c0_i32_0 : i32, i32
  }
  func.func @transform_3(%arg0: i32) -> (i32, i32) {
    %c0_i32 = arith.constant 0 : i32
    %c0_i32_0 = arith.constant 0 : i32
    %c0_i32_1 = arith.constant 0 : i32
    return %c0_i32, %c0_i32_0 : i32, i32
  }
  func.func @transform_4(%arg0: i32) -> (i32, i32) {
    %c0_i32 = arith.constant 0 : i32
    %c0_i32_0 = arith.constant 0 : i32
    %c0_i32_1 = arith.constant 0 : i32
    return %c0_i32, %c0_i32_0 : i32, i32
  }
  func.func @transform_5(%arg0: i32) -> (i32, i32) {
    %c0_i32 = arith.constant 0 : i32
    %c0_i32_0 = arith.constant 0 : i32
    %c0_i32_1 = arith.constant 0 : i32
    return %c0_i32, %c0_i32_0 : i32, i32
  }
  func.func @transform_6(%arg0: i32) -> (i32, i32) {
    %c0_i32 = arith.constant 0 : i32
    %c0_i32_0 = arith.constant 0 : i32
    %c0_i32_1 = arith.constant 0 : i32
    return %c0_i32, %c0_i32_0 : i32, i32
  }
  func.func @transform_7(%arg0: i32) -> (i32, i32) {
    %c0_i32 = arith.constant 0 : i32
    %c0_i32_0 = arith.constant 0 : i32
    %c0_i32_1 = arith.constant 0 : i32
    return %c0_i32, %c0_i32_0 : i32, i32
  }
  func.func @transform_8(%arg0: i32) -> (i32, i32) {
    %c0_i32 = arith.constant 0 : i32
    %c0_i32_0 = arith.constant 0 : i32
    %c0_i32_1 = arith.constant 0 : i32
    return %c0_i32, %c0_i32_0 : i32, i32
  }
  func.func @transform_9(%arg0: i32) -> (i32, i32) {
    %c0_i32 = arith.constant 0 : i32
    %c0_i32_0 = arith.constant 0 : i32
    %c0_i32_1 = arith.constant 0 : i32
    return %c0_i32, %c0_i32_0 : i32, i32
  }
  func.func @transform_10(%arg0: i32) -> (i32, i32) {
    %c0_i32 = arith.constant 0 : i32
    %c0_i32_0 = arith.constant 0 : i32
    %c0_i32_1 = arith.constant 0 : i32
    return %c0_i32, %c0_i32_0 : i32, i32
  }
}

module attributes {stable_mosaic.version = 14 : i64} {
  func.func @_k4_body(%arg0: i32, %arg1: memref<2000x64xf32, #tpu.memory_space<vmem>>, %arg2: memref<8x64xf32, #tpu.memory_space<vmem>>, %arg3: memref<1x8xf32, #tpu.memory_space<vmem>>, %arg4: memref<2000x8xf32, #tpu.memory_space<vmem>>) attributes {dimension_semantics = [#tpu.dimension_semantics<arbitrary>], iteration_bounds = array<i64: 5>, scalar_prefetch = 0 : i64, scratch_operands = 0 : i64, tpu.core_type = #tpu.core_type<tc>, window_params = [{transform_indices = @transform_0, window_bounds = array<i64: 2000, 64>}, {pipeline_mode = #tpu.pipeline_mode<synchronous>, transform_indices = @transform_1, window_bounds = array<i64: 8, 64>}, {pipeline_mode = #tpu.pipeline_mode<synchronous>, transform_indices = @transform_2, window_bounds = array<i64: 1, 8>}, {transform_indices = @transform_3, window_bounds = array<i64: 2000, 8>}]} {
    %get3A = arith.constant 0 : index
    %get3A_0 = arith.constant 0 : index
    %get3A_1 = vector.load %arg1[%get3A, %get3A_0] : memref<2000x64xf32, #tpu.memory_space<vmem>>, vector<2000x64xf32>
    %get3A_2 = arith.constant 0 : index
    %get3A_3 = arith.constant 0 : index
    %get3A_4 = vector.load %arg2[%get3A_2, %get3A_3] : memref<8x64xf32, #tpu.memory_space<vmem>>, vector<8x64xf32>
    %dot_general3A = arith.constant dense<0.000000e+00> : vector<2000x8xf32>
    %dot_general3A_5 = tpu.matmul %get3A_1, %get3A_4, %dot_general3A {dimension_numbers = #tpu.dot_dimension_numbers<[1], [1], [0], [0], [0, 0, 1, 0], [], []>, transpose_lhs_hint = false} : vector<2000x64xf32>, vector<8x64xf32>, vector<2000x8xf32> -> vector<2000x8xf32>
    %get3A_6 = arith.constant 0 : index
    %get3A_7 = arith.constant 0 : index
    %get3A_8 = vector.load %arg3[%get3A_6, %get3A_7] : memref<1x8xf32, #tpu.memory_space<vmem>>, vector<1x8xf32>
    %add3A = vector.broadcast %get3A_8 : vector<1x8xf32> to vector<2000x8xf32>
    %add3A_9 = arith.addf %dot_general3A_5, %add3A : vector<2000x8xf32>
    %swap3A = arith.constant 0 : index
    %swap3A_10 = arith.constant 0 : index
    %swap3A_11 = vector.load %arg4[%swap3A, %swap3A_10] : memref<2000x8xf32, #tpu.memory_space<vmem>>, vector<2000x8xf32>
    tpu.vector_store %arg4[%swap3A, %swap3A_10], %add3A_9 {strides = array<i32>} : memref<2000x8xf32, #tpu.memory_space<vmem>>, vector<2000x8xf32>,
    return
  }
  func.func @transform_0(%arg0: i32) -> (i32, i32) {
    %c0_i32 = arith.constant 0 : i32
    %c0_i32_0 = arith.constant 0 : i32
    return %arg0, %c0_i32 : i32, i32
  }
  func.func @transform_1(%arg0: i32) -> (i32, i32) {
    %c0_i32 = arith.constant 0 : i32
    %c0_i32_0 = arith.constant 0 : i32
    %c0_i32_1 = arith.constant 0 : i32
    return %c0_i32, %c0_i32_0 : i32, i32
  }
  func.func @transform_2(%arg0: i32) -> (i32, i32) {
    %c0_i32 = arith.constant 0 : i32
    %c0_i32_0 = arith.constant 0 : i32
    %c0_i32_1 = arith.constant 0 : i32
    return %c0_i32, %c0_i32_0 : i32, i32
  }
  func.func @transform_3(%arg0: i32) -> (i32, i32) {
    %c0_i32 = arith.constant 0 : i32
    %c0_i32_0 = arith.constant 0 : i32
    return %arg0, %c0_i32 : i32, i32
  }
}

</mosaic_0001>

<sc_bundles>
// kernel: body.17.cloned.1.call-start
scs
__scs_entry_jumppad:
0x0: {  	(pc) =	sbr.rel $0x88, $3  }
0x1: {  	(tag) =	ssettag $0x0;
	lr =	simm.s32 $0x1  }
0x2: {  	[smem:$0x3F54] =	sst lr;
	_ =	strace $0xD0000000  }
0x3: {  	_ = 	snop  }
0x4: {  	_ = 	snop  }
0x5: {  	_ = 	snop  }
0x6: {  	_ = 	snop  }
0x7: {  	_ = 	snop  }
__scs_overlays_trampoline_lowered:
0x8: {  	[smem:$0x3F63] =	sst s0  }
0x9: {  	[smem:$0x3F64] =	sst s1  }
0xa: {  	[smem:$0x3F65] =	sst s2  }
0xb: {  	[smem:$0x3F66] =	sst s3  }
0xc: {  	[smem:$0x3F67] =	sst s4  }
0xd: {  	[smem:$0x3F68] =	sst s5  }
0xe: {  	[smem:$0x3F69] =	sst s6  }
0xf: {  	[smem:$0x3F6A] =	sst s7  }
0x10: {  	[smem:$0x3F6B] =	sst s8  }
0x11: {  	[smem:$0x3F6C] =	sst s9;
	s0 =	simm.s32 @!p0 $0x0  }
0x12: {  	s1 =	sld [smem:$0x3F52];
	s0 =	simm.s32 @p0 $0x1  }
0x13: {  	[smem:$0x3F6D] =	sst s0;
	s0 =	simm.s32 @!p1 $0x0  }
0x14: {  	s2 =	sld [smem:$0x3F51];
	s0 =	simm.s32 @p1 $0x1  }
0x15: {  	[smem:$0x3F6E] =	sst s0;
	s0 =	simm.s32 @!p2 $0x0  }
0x16: {  	s3 =	sld [smem:$0x3FDB];
	s0 =	simm.s32 @p2 $0x1  }
0x17: {  	s4 =	simm.s32 $0x1BF5;
	[smem:$0x3F70] =	sst s0  }
0x18: {  	s0 =	sld [smem:$0x3F53];
	_ =	swait.ge [sflag:s4], $0x0  }
0x19: {  	s7 =	sld [smem:$0x3F54]  }
0x1a: {  	s8 =	sadd.s32 $0xFFFFE003, lr  }
0x1b: {  	s9 =	sadd.s32 $0xFFFFFEF7, lr;
	s5 =	simm.s32 $0xFFFFFFFF;
	p2 =	slt.u32 s8, $0xFFFFF086  }
0x1c: {  	p1 =	slt.u32 s9, $0xF7A;
	s5 =	simm.s32 @!p2 $0x0  }
0x1d: {  	s5 =	simm.s32 @p1 $0x1;
	p0 =	seq.s32 s7, s2  }
0x1e: {  	s7 =	smul.u32 @!p0 $0xF7A, s2;
	p2 =	seq.s32 @!p0 s5, $0x0  }
0x1f: {  	s9 =	smul.u32 $0xF7A, s1;
	s8 =	simm.s32 @!p0 $0x1BF5;
	p2 =	por !p2, p0  }
0x20: {  	[sflag:s8] =	ssyncset.s32 @!p0 $0xFFFFF086;
	s6 =	sadd.s32 @!p0 s3, s7;
	s7 =	simm.s32 @!p0 $0x108  }
0x21: {  	s3 =	sadd.s32 s3, s9;
	s6 =	sadd.s32 @!p0 $0x88, s6;
	s7 =	simm.s32 @p2 $0x1082  }
0x22: {  	[simem:s7], [sflag:s8] =	dma.local @!p0 [hbm:s6], $0xF7A  }
0x23: {  	s9 =	sor.u32 $0xD0000000, s2;
	s6 =	simm.s32 $0x108;
	_ =	swait.ge @!p0 [sflag:s8], $0x0  }
0x24: {  	s3 =	sadd.s32 $0x88, s3;
	s6 =	simm.s32 @!p1 $0x1082;
	[sflag:s4] =	ssyncset.s32 $0xFFFFF086  }
0x25: {  	[simem:s6], [sflag:s4] =	dma.local [hbm:s3], $0xF7A  }
0x26: {  	[smem:$0x3F54] =	sst s1;
	(tag) =	ssettag s2;
	_ =	strace s9  }
0x27: {  	s1 =	sld [smem:$0x3F64]  }
0x28: {  	s2 =	sld [smem:$0x3F65]  }
0x29: {  	s4 =	sld [smem:$0x3F67]  }
0x2a: {  	p0 =	seq.s32 s5, $0x0;
	s5 =	sld [smem:$0x3F68]  }
0x2b: {  	s6 =	sld [smem:$0x3F69]  }
0x2c: {  	s7 =	sld [smem:$0x3F6A]  }
0x2d: {  	s3 =	simm.s32 $0x108;
	s8 =	sld [smem:$0x3F6B]  }
0x2e: {  	s3 =	simm.s32 @!p0 $0x1082;
	s9 =	sld [smem:$0x3F6C]  }
0x2f: {  	lr =	sadd.s32 s0, s3;
	s0 =	sld [smem:$0x3F63]  }
0x30: {  	s3 =	sld [smem:$0x3F66]  }
0x31: {  	[smem:$0x3F6F] =	sst s10  }
0x32: {  	s10 =	sld [smem:$0x3F6D];
	_ =	sdelay $0x3  }
0x33: {  	p0 =	seq.s32 s10, $0x1;
	s10 =	sld [smem:$0x3F6F];
	_ =	sdelay $0x3  }
0x34: {  	[smem:$0x3F6F] =	sst s10  }
0x35: {  	s10 =	sld [smem:$0x3F6E];
	_ =	sdelay $0x3  }
0x36: {  	p1 =	seq.s32 s10, $0x1;
	s10 =	sld [smem:$0x3F6F];
	_ =	sdelay $0x3  }
0x37: {  	[smem:$0x3F6F] =	sst s10  }
0x38: {  	s10 =	sld [smem:$0x3F70]  }
0x39: {  	_ = 	snop;
	(pc) =	sbr.ind lr, $3  }
0x3a: {  	_ = 	snop  }
0x3b: {  	_ = 	snop  }
0x3c: {  	p2 =	seq.s32 s10, $0x1;
	s10 =	sld [smem:$0x3F6F]  }
0x3d: {  	_ =	shalt  }
0x3e: {  	_ =	shalt  }
0x3f: {  	_ =	shalt  }
0x40: {  	_ =	shalt  }
0x41: {  	_ =	shalt  }
0x42: {  	_ =	shalt  }
0x43: {  	_ =	shalt  }
0x44: {  	_ =	shalt  }
0x45: {  	_ =	shalt  }
0x46: {  	_ =	shalt  }
0x47: {  	_ =	shalt  }
0x48: {  	_ =	shalt  }
0x49: {  	_ =	shalt  }
0x4a: {  	_ =	shalt  }
0x4b: {  	_ =	shalt  }
0x4c: {  	_ =	shalt  }
0x4d: {  	_ =	shalt  }
0x4e: {  	_ =	shalt  }
0x4f: {  	_ =	shalt  }
0x50: {  	_ =	shalt  }
0x51: {  	_ =	shalt  }
0x52: {  	_ =	shalt  }
0x53: {  	_ =	shalt  }
0x54: {  	_ =	shalt  }
0x55: {  	_ =	shalt  }
0x56: {  	_ =	shalt  }
0x57: {  	_ =	shalt  }
0x58: {  	_ =	shalt  }
0x59: {  	_ =	shalt  }
0x5a: {  	_ =	shalt  }
0x5b: {  	_ =	shalt  }
0x5c: {  	_ =	shalt  }
0x5d: {  	_ =	shalt  }
0x5e: {  	_ =	shalt  }
0x5f: {  	_ =	shalt  }
0x60: {  	_ =	shalt  }
0x61: {  	_ =	shalt  }
0x62: {  	_ =	shalt  }
0x63: {  	_ =	shalt  }
0x64: {  	_ =	shalt  }
0x65: {  	_ =	shalt  }
0x66: {  	_ =	shalt  }
0x67: {  	_ =	shalt  }
0x68: {  	_ =	shalt  }
0x69: {  	_ =	shalt  }
0x6a: {  	_ =	shalt  }
0x6b: {  	_ =	shalt  }
0x6c: {  	_ =	shalt  }
0x6d: {  	_ =	shalt  }
0x6e: {  	_ =	shalt  }
0x6f: {  	_ =	shalt  }
0x70: {  	_ =	shalt  }
0x71: {  	_ =	shalt  }
0x72: {  	_ =	shalt  }
0x73: {  	_ =	shalt  }
0x74: {  	_ =	shalt  }
0x75: {  	_ =	shalt  }
0x76: {  	_ =	shalt  }
0x77: {  	_ =	shalt  }
0x78: {  	_ =	shalt  }
0x79: {  	_ =	shalt  }
0x7a: {  	_ =	shalt  }
0x7b: {  	_ =	shalt  }
0x7c: {  	_ =	shalt  }
0x7d: {  	_ =	shalt  }
0x7e: {  	_ =	shalt  }
0x7f: {  	_ =	shalt  }
0x80: {  	_ =	shalt  }
0x81: {  	_ =	shalt  }
0x82: {  	_ =	shalt  }
0x83: {  	_ =	shalt  }
0x84: {  	_ =	shalt  }
0x85: {  	_ =	shalt  }
0x86: {  	_ =	shalt  }
0x87: {  	_ =	shalt  }
.Lfunc_end0:
.L_simem_size_0:
called_computation_lowered:
.L_overlay_start_0:
0x88: {  	s2 =	sld [smem:$0x3FD9]  }
0x89: {  	s3 =	sld [smem:$0x3FFE];
	_ =	sdelay $0x1  }
0x8a: {  	s1 =	srdreg.scid  }
0x8b: {  	s0 =	sand.u32 $0x1, s1  }
0x8c: {  	s16 =	sshll.u32 s0, $0xA;
	s2 =	sadd.s32 s3, s2  }
0x8d: {  	s2 =	sadd.s32 s2, s16  }
0x8e: {  	[smem:$0x3F7B] =	sst s2  }
0x8f: {  	_ = 	snop  }
0x90: {  	(tm) =	ssettm $0x1  }
0x91: {  	s17 =	sld [smem:$0x3FFB];
	_ =	sdelay $0x3  }
0x92: {  	_ =	strace s17  }
0x93: {  	s2 =	sld [smem:$0x3FFC];
	_ =	sdelay $0x3  }
0x94: {  	_ =	strace s2  }
0x95: {  	s2 =	sld [smem:$0x3FFD];
	_ =	sdelay $0x3  }
0x96: {  	_ =	strace s2  }
0x97: {  	_ =	strace $0x8FFFFFFF  }
0x98: {  	s18 =	sld [smem:$0x3FDB];
	_ =	sdelay $0x1  }
0x99: {  	s19 =	simm.s32 $_scs_section_size  }
0x9a: {  	s4 =	simm.s32 $_size__tile_overlayer_lowered;
	s5 =	simm.s32 $_tile_overlayer_lowered  }
0x9b: {  	s22 =	simm.s32 $0x1BFF;
	s21 =	sshll.u32 s5, $0x1;
	s2 =	sadd.s32 s19, s18  }
0x9c: {  	s6 =	simm.s32 $0x0;
	s20 =	sshll.u32 s4, $0x1;
	s4 =	sadd.s32 s21, s2  }
0x9d: {  	[timem:s6], [sflag:s22] =	dma.local [hbm:s4], s20  }
0x9e: {  	_ =	swait.ge [sflag:s22], s20  }
0x9f: {  	s3 =	ssub.s32 $0x0, s20;
	[sflag:s22] =	ssyncset.done $0x0  }
0xa0: {  	[sflag:s22] =	ssyncadd.s32 s3;
	_ =	sdelay $0x1  }
0xa1: {  	s23 =	simm.s32 $0x1B8B  }
0xa2: {  	_ =	swait.ge [sflag:s23], $0x1  }
0xa3: {  	[sflag:s23] =	ssyncset.done $0x0  }
0xa4: {  	s25 =	simm.s32 $0x1B8E;
	s24 =	sld [smem:$0x3FFE];
	[sflag:s23] =	ssyncadd.s32 $0xFFFFFFFF  }
0xa5: {  	s26 =	simm.s32 $execute0_lowered;
	[smem:$0x3FD2] =	sst s25  }
0xa6: {  	s4 =	sshll.u32 s26, $0x1;
	_ =	strace $0x80000046;
	[dreg:$0x1] =	wrdreg $0xFFFFFFFF  }
0xa7: {  	s28 =	simm.s32 $_size_execute0_lowered;
	s2 =	sadd.s32 s2, s4;
	[dreg:$0x0] =	wrdreg $0x0  }
0xa8: {  	s4 =	sshll.u32 s28, $0x1;
	[dreg:$0x2] =	wrdreg s2  }
0xa9: {  	[dreg:$0x3] =	wrdreg s4  }
0xaa: {  	[dreg:$0x4] =	wrdreg $0xC0  }
0xab: {  	_ =	task [dreg:s6], $0x5FFFF  }
0xac: {  	[dreg:$0x1] =	wrdreg $0xFFFFFFFF  }
0xad: {  	[dreg:$0x0] =	wrdreg $0x60  }
0xae: {  	[dreg:$0x2] =	wrdreg s24  }
0xaf: {  	[dreg:$0x3] =	wrdreg $0x9  }
0xb0: {  	_ =	task.clear_ibuf [dreg:s6], $0x4FFFF;
	_ =	strace $0x90000046  }
0xb1: {  	s29 =	simm.s32 $0x9;
	_ =	strace $0x80000048  }
0xb2: {  	_ =	swait.ge [sflag:s29], $0x1  }
0xb3: {  	[sflag:s29] =	ssyncadd.s32 $0xFFFFFFFF  }
0xb4: {  	_ =	strace $0x90000048  }
0xb5: {  	_ =	sfence  }
0xb6: {  	s30 =	sld [smem:$0x0];
	_ =	sdelay $0x2  }
0xb7: {  	s31 =	sshll.u32 s1, $0xD;
	s1 =	sshrl.u32 s1, $0x2  }
0xb8: {  	s3 =	sand.u32 $0x4000, s31;
	s1 =	sadd.s32 s1, s30  }
0xb9: {  	s0 =	sor.u32 s3, s0;
	s1 =	sshll.u32 s1, $0x11  }
0xba: {  	s0 =	sor.u32 s1, s0  }
0xbb: {  	s0 =	sadd.s32 $0x8F2B, s0  }
0xbc: {  	[sflag:s0] =	ssyncadd.remote.s32 $0x1  }
0xbd: {  	_ =	sfence.sel $0xFFFF  }
0xbe: {  	[dreg:$0x0] =	wrdreg $0xFFFFFFFF;
	(pc) =	sbr.abs _section_cstart, $3  }
0xbf: {  	[dreg:$0x1] =	wrdreg $0xFFFFFFFF  }
0xc0: {  	_ =	task.clear_ibuf [dreg:s6], $0x2FFFF;
	_ =	strace $0x9FFFFFFF  }
0xc1: {  	(tm) =	ssettm $0x7FFFFFFF  }
tec
execute0_lowered:
.L_overlay_start_1:
0x0: {  	(tag) =	ssettag $0x1  }
0x1: {  	s0 =	rddreg [dreg:$0x0];
	s2 =	simm.s32 $0x0  }
0x2: {  	s1 =	srdreg.scid;
	s3 =	stileid.u32;
	s13 =	simm.s32 $0x5  }
0x3: {  	s14 =	simm.s32 $0x100;
	s15 =	simm.s32 $0xC8;
	s16 =	simm.s32 $0x200  }
0x4: {  	s17 =	simm.s32 $0x6600;
	s18 =	simm.s32 $0x1;
	s19 =	simm.s32 $0x19400  }
0x5: {  	s20 =	simm.s32 $0x1C400;
	s21 =	simm.s32 $0x3;
	s22 =	simm.s32 $0x4  }
0x6: {  	s23 =	simm.s32 $0xCA00;
	s24 =	simm.s32 $0xCB00;
	s25 =	simm.s32 $0xCC00  }
0x7: {  	s26 =	simm.s32 $0x13000;
	s1 =	sand.u32 $0x1, s1;
	s3 =	sshll.u32 s3, $0x1  }
0x8: {  	s28 =	simm.s32 $0x2;
	s29 =	simm.s32 $0x0;
	s5 =	sor.u32 s1, s3  }
0x9: {  	[smem:$0x7FF] =	sst s2;
	s4 =	sadd.s32 $0xB4600, s0;
	s5 =	smul.u32 $0x1388, s5  }
.Ltmp0:
0xa: {  	s6 =	sadd.s32 $0x61200, s0;
	s7 =	sadd.s32 $0x5C200, s0;
	(pc) =	sbr.rel .LBB2_1-.Ltmp0, $4  }
0xb: {  	s8 =	sadd.s32 $0x102A00, s0;
	s11 =	sadd.s32 $0x103000, s0;
	s1 =	ssub.s32 $0x2, s1  }
0xc: {  	_ =	strace $0x80000047;
	s9 =	sshrl.u32 s1, $0x1;
	s10 =	sshrl.u32 s5, $0x3  }
0xd: {  	s3 =	sadd.s32 $0x8D400, s0;
	s1 =	ssub.s32 s1, s9;
	s31 =	sadd.s32 s6, s10  }
0xe: {  	s12 =	smax.u32 s1, $0x1;
	s10 =	sadd.s32 s7, s10;
	[dreg:$0x2] =	wrdreg s31  }
.LBB2_16:
0xf: {  	s29 =	sadd.s32 $0x1, s29  }
0x10: {  	_ =	swait.ge [sflag:s21], $0x3000;
	p0 =	sne.s32 s29, s12  }
.Ltmp1:
0x11: {  	[sflag:s21] =	ssyncset.done $0x0;
	(pc) =	sbr.rel @!p0 .LBB2_17-.Ltmp1, $4  }
0x12: {  	[sflag:s21] =	ssyncadd.s32 $0xFFFFD000  }
0x13: {  	_ =	swait.ge [sflag:s22], $0x3400  }
0x14: {  	[sflag:s22] =	ssyncset.done $0x0  }
0x15: {  	[sflag:s22] =	ssyncadd.s32 $0xFFFFCC00  }
.LBB2_1:
0x16: {  	s0 =	rddreg [dreg:$0x2]  }
0x17: {  	[tilespmem:s2], [sflag:$0x5] =	stream.linear.gather [hbm4b:s0+s2], $0xC8, $0x38;
	[tilespmem:$0x1F800] =	vst v63  }
0x18: {  	_ =	swait.ge [sflag:s13], $0xC8  }
0x19: {  	[sflag:s13] =	ssyncset.done $0x0  }
0x1a: {  	[sflag:s13] =	ssyncadd.s32 $0xFFFFFF38  }
0x1b: {  	[tilespmem:s14], [sflag:$0x5] =	stream.linear.gather [hbm4b:s10+s2], $0xC8, $0x38;
	[tilespmem:$0x1F800] =	vst v63  }
0x1c: {  	_ =	swait.ge [sflag:s13], $0xC8  }
.Ltmp2:
0x1d: {  	[sflag:s13] =	ssyncset.done $0x0;
	(pc) =	sbr.rel .LBB2_2-.Ltmp2, $4  }
0x1e: {  	[sflag:s13] =	ssyncadd.s32 $0xFFFFFF38  }
0x1f: {  	[tilespmem:s16], [sflag:$0x1] =	stream.indirect.gather [hbm4b:s3+s15], $0x80, s2, s15, $0xb8;
	[tilespmem:$0x1F800] =	vst v63  }
0x20: {  	s31 =	simm.s32 $0x0  }
0x21: {  	[tilespmem:s17], [sflag:$0x1] =	stream.indirect.gather [hbm4b:s4+s15], $0x80, s14, s15, $0xb8;
	[tilespmem:$0x1F800] =	vst v63  }
.LBB2_14:
0x22: {  	v6 =	vld [tilespmem:s1+$0x16070]  }
0x23: {  	v7 =	vld [tilespmem:s1+$0xFC00];
	[tilespmem:s0+$0x1C440] =	vst v5;
	v2 =	vadd.f32 v3, v2  }
0x24: {  	v51 =	vld [tilespmem:s1+$0x16000]  }
0x25: {  	v0 =	vadd.f32 v4, v0;
	v5 =	vld [tilespmem:s1+$0xFC10];
	[tilespmem:s0+$0x1C450] =	vst v2  }
0x26: {  	v2 =	vld [tilespmem:s1+$0x16010]  }
0x27: {  	v52 =	vld [tilespmem:s1+$0xFC20];
	[tilespmem:s0+$0x1C460] =	vst v0  }
0x28: {  	v54 =	vld [tilespmem:s1+$0x16020]  }
0x29: {  	v55 =	vld [tilespmem:s1+$0xFC30]  }
0x2a: {  	v56 =	vld [tilespmem:s1+$0x16030]  }
0x2b: {  	v57 =	vld [tilespmem:s1+$0xFC40]  }
0x2c: {  	v58 =	vld [tilespmem:s1+$0x16040]  }
0x2d: {  	v59 =	vld [tilespmem:s1+$0xFC50]  }
0x2e: {  	v60 =	vld [tilespmem:s1+$0x16050];
	v53 =	vadd.f32 v6, v1  }
0x2f: {  	v61 =	vld [tilespmem:s1+$0xFC60];
	v3 =	vadd.f32 v51, v7  }
0x30: {  	v62 =	vld [tilespmem:s1+$0x16060];
	[tilespmem:s1+$0x1C470] =	vst v53;
	v2 =	vadd.f32 v2, v5  }
0x31: {  	[tilespmem:s1+$0x1C400] =	vst v3;
	v1 =	vadd.f32 v54, v52  }
0x32: {  	v0 =	vadd.f32 v56, v55;
	[tilespmem:s1+$0x1C410] =	vst v2  }
0x33: {  	v3 =	vadd.f32 v58, v57;
	[tilespmem:s1+$0x1C420] =	vst v1  }
0x34: {  	v63 =	vadd.f32 v60, v59;
	[tilespmem:s1+$0x1C430] =	vst v0  }
0x35: {  	[tilespmem:s1+$0x1C440] =	vst v3;
	v1 =	vadd.f32 v62, v61  }
0x36: {  	[tilespmem:s1+$0x1C450] =	vst v63  }
0x37: {  	[tilespmem:s1+$0x1C460] =	vst v1  }
.LBB2_15:
0x38: {  	p0 =	sne.s32 s30, $0x19  }
.Ltmp3:
0x39: {  	_ = 	snop;
	(pc) =	sbr.rel @!p0 .LBB2_16-.Ltmp3, $3  }
0x3a: {  	_ =	sdelay $0x1  }
0x3b: {  	s0 =	sadd.s32 s31, s11;
	s31 =	smov.u32 s30  }
0x3c: {  	[hbm4b:s0+s2] =	stream.linear.scatter [tilespmem:s20], [sflag:$0x4], $0x3400, $0x38;
	[tilespmem:$0x1F800] =	vst v63  }
.LBB2_2:
0x3d: {  	p0 =	seq.s32 s31, $0x18  }
.Ltmp4:
0x3e: {  	_ = 	snop;
	(pc) =	sbr.rel @p0 .LBB2_5-.Ltmp4, $2  }
0x3f: {  	_ =	sdelay $0x2  }
0x40: {  	s30 =	sadd.s32 $0x1, s31  }
0x41: {  	s1 =	sand.u32 $0x1, s31  }
0x42: {  	s0 =	smul.u32 $0xC8, s30;
	p0 =	seq.s32 s1, $0x1  }
.Ltmp5:
0x43: {  	_ = 	snop;
	(pc) =	sbr.rel @p0 .LBB2_10-.Ltmp5, $4  }
0x44: {  	_ = 	snop  }
0x45: {  	s0 =	sadd.s32 s5, s0  }
0x46: {  	s0 =	sshrl.u32 s0, $0x3  }
0x47: {  	s1 =	sadd.s32 s6, s0;
	s0 =	sadd.s32 s7, s0  }
0x48: {  	[tilespmem:s23], [sflag:$0x5] =	stream.linear.gather [hbm4b:s1+s2], $0xC8, $0x38;
	[tilespmem:$0x1F800] =	vst v63  }
0x49: {  	_ =	swait.ge [sflag:s13], $0xC8  }
0x4a: {  	[sflag:s13] =	ssyncset.done $0x0  }
0x4b: {  	[sflag:s13] =	ssyncadd.s32 $0xFFFFFF38  }
0x4c: {  	[tilespmem:s24], [sflag:$0x5] =	stream.linear.gather [hbm4b:s0+s2], $0xC8, $0x38;
	[tilespmem:$0x1F800] =	vst v63  }
0x4d: {  	_ =	swait.ge [sflag:s13], $0xC8  }
0x4e: {  	[sflag:s13] =	ssyncset.done $0x0  }
0x4f: {  	[sflag:s13] =	ssyncadd.s32 $0xFFFFFF38  }
0x50: {  	[tilespmem:s25], [sflag:$0x2] =	stream.indirect.gather [hbm4b:s3+s15], $0x80, s23, s15, $0xb8;
	[tilespmem:$0x1F800] =	vst v63  }
0x51: {  	_ = 	snop  }
0x52: {  	[tilespmem:s26], [sflag:$0x2] =	stream.indirect.gather [hbm4b:s4+s15], $0x80, s24, s15, $0xb8;
	[tilespmem:$0x1F800] =	vst v63  }
.LBB2_5:
0x53: {  	_ =	swait.ge [sflag:s18], $0x6400  }
0x54: {  	[sflag:s18] =	ssyncset.done $0x0  }
0x55: {  	[sflag:s18] =	ssyncadd.s32 $0xFFFF9C00  }
0x56: {  	_ =	swait.ge [sflag:s18], $0x6400  }
0x57: {  	p0 =	seq.s32 s31, $0x0;
	[sflag:s18] =	ssyncset.done $0x0  }
0x58: {  	s0 =	simm.s32 @!p0 $0x3;
	[sflag:s18] =	ssyncadd.s32 $0xFFFF9C00  }
0x59: {  	_ =	swait.ge @!p0 [sflag:s0], $0x3000  }
0x5a: {  	[sflag:s0] =	ssyncset.done @!p0 $0x0  }
0x5b: {  	[sflag:s0] =	ssyncadd.s32 @!p0 $0xFFFFD000;
	s0 =	simm.s32 $0x0  }
0x5c: {  	v0 =	vld [tilespmem:s0+$0x270]  }
0x5d: {  	v1 =	vld [tilespmem:s0+$0x6670]  }
0x5e: {  	v2 =	vld [tilespmem:s0+$0x200]  }
0x5f: {  	v3 =	vld [tilespmem:s0+$0x6600]  }
0x60: {  	v4 =	vld [tilespmem:s0+$0x210]  }
0x61: {  	v5 =	vld [tilespmem:s0+$0x6610]  }
0x62: {  	v6 =	vld [tilespmem:s0+$0x220]  }
0x63: {  	v7 =	vld [tilespmem:s0+$0x230]  }
0x64: {  	v0 =	vadd.f32 v1, v0;
	v1 =	vld [tilespmem:s0+$0x6620]  }
0x65: {  	v8 =	vld [tilespmem:s0+$0x6630]  }
0x66: {  	v9 =	vld [tilespmem:s0+$0x6640]  }
0x67: {  	[tilespmem:s0+$0x19470] =	vst v0;
	v0 =	vadd.f32 v5, v4;
	v5 =	vld [tilespmem:s0+$0x240]  }
0x68: {  	v2 =	vadd.f32 v3, v2;
	v3 =	vld [tilespmem:s0+$0x6650]  }
0x69: {  	[tilespmem:s0+$0x19410] =	vst v0;
	v0 =	vadd.f32 v1, v6;
	v1 =	vld [tilespmem:s0+$0x250]  }
0x6a: {  	s9 =	smul.u32 $0xC8, s31;
	[tilespmem:s0+$0x19400] =	vst v2;
	v4 =	vld [tilespmem:s0+$0x6660];
	v6 =	vadd.f32 v8, v7  }
0x6b: {  	s1 =	simm.s32 $0x80;
	[tilespmem:s0+$0x19420] =	vst v0;
	v0 =	vld [tilespmem:s0+$0x260]  }
0x6c: {  	s31 =	sadd.s32 s5, s9;
	s9 =	simm.s32 $0x400;
	v5 =	vadd.f32 v9, v5;
	v2 =	vld [tilespmem:s1+$0x270];
	[tilespmem:s0+$0x19430] =	vst v6  }
.LBB2_6:
0x6d: {  	p1 =	sne.s32 s9, $0xBE00;
	v6 =	vld [tilespmem:s1+$0x6670]  }
0x6e: {  	v7 =	vld [tilespmem:s1+$0x200];
	[tilespmem:s0+$0x19440] =	vst v5;
	v1 =	vadd.f32 v3, v1  }
0x6f: {  	v3 =	vld [tilespmem:s1+$0x6600]  }
0x70: {  	v5 =	vld [tilespmem:s1+$0x210];
	[tilespmem:s0+$0x19450] =	vst v1;
	v0 =	vadd.f32 v4, v0  }
0x71: {  	v1 =	vld [tilespmem:s1+$0x6610]  }
0x72: {  	v4 =	vld [tilespmem:s1+$0x220];
	v2 =	vadd.f32 v6, v2;
	[tilespmem:s0+$0x19460] =	vst v0;
	s0 =	smov.u32 s1  }
0x73: {  	v0 =	vld [tilespmem:s0+$0x6620]  }
0x74: {  	v3 =	vadd.f32 v3, v7;
	v6 =	vld [tilespmem:s0+$0x230];
	[tilespmem:s0+$0x19470] =	vst v2  }
0x75: {  	v2 =	vld [tilespmem:s0+$0x6630]  }
0x76: {  	[tilespmem:s0+$0x19400] =	vst v3;
	v1 =	vadd.f32 v1, v5;
	v5 =	vld [tilespmem:s0+$0x240]  }
0x77: {  	v7 =	vld [tilespmem:s0+$0x6640]  }
.Ltmp6:
0x78: {  	[tilespmem:s0+$0x19410] =	vst v1;
	v0 =	vadd.f32 v0, v4;
	v1 =	vld [tilespmem:s0+$0x250];
	(pc) =	sbr.rel @p1 .LBB2_6-.Ltmp6, $4  }
0x79: {  	v3 =	vld [tilespmem:s0+$0x6650]  }
0x7a: {  	[tilespmem:s0+$0x19420] =	vst v0;
	v6 =	vadd.f32 v2, v6;
	v0 =	vld [tilespmem:s0+$0x260]  }
0x7b: {  	s1 =	sshra.s32 s9, $0x2;
	v4 =	vld [tilespmem:s0+$0x6660]  }
0x7c: {  	s9 =	sadd.s32 $0x200, s9;
	v2 =	vld [tilespmem:s1+$0x270];
	[tilespmem:s0+$0x19430] =	vst v6;
	v5 =	vadd.f32 v7, v5  }
0x7d: {  	v6 =	vld [tilespmem:s1+$0x6670]  }
0x7e: {  	v7 =	vld [tilespmem:s1+$0x200];
	[tilespmem:s0+$0x19440] =	vst v5;
	v1 =	vadd.f32 v3, v1  }
0x7f: {  	v3 =	vld [tilespmem:s1+$0x6600]  }
0x80: {  	v5 =	vld [tilespmem:s1+$0x210];
	[tilespmem:s0+$0x19450] =	vst v1;
	v0 =	vadd.f32 v4, v0  }
0x81: {  	v1 =	vld [tilespmem:s1+$0x6610]  }
0x82: {  	v4 =	vld [tilespmem:s1+$0x220];
	[tilespmem:s0+$0x19460] =	vst v0  }
0x83: {  	v0 =	vadd.f32 v6, v2;
	v2 =	vld [tilespmem:s1+$0x6620]  }
0x84: {  	v6 =	vld [tilespmem:s1+$0x230]  }
0x85: {  	v3 =	vadd.f32 v3, v7;
	[tilespmem:s1+$0x19470] =	vst v0;
	v0 =	vld [tilespmem:s1+$0x6630]  }
0x86: {  	v7 =	vld [tilespmem:s1+$0x6660]  }
0x87: {  	[tilespmem:s1+$0x19400] =	vst v3;
	v1 =	vadd.f32 v1, v5;
	v3 =	vld [tilespmem:s1+$0x240]  }
0x88: {  	v5 =	vld [tilespmem:s1+$0x6640]  }
0x89: {  	[tilespmem:s1+$0x19410] =	vst v1;
	v1 =	vadd.f32 v2, v4;
	v2 =	vld [tilespmem:s1+$0x250]  }
0x8a: {  	v4 =	vld [tilespmem:s1+$0x6650]  }
0x8b: {  	[tilespmem:s1+$0x19420] =	vst v1;
	v1 =	vld [tilespmem:s1+$0x260];
	_ =	sdelay $0x1  }
0x8c: {  	v0 =	vadd.f32 v0, v6  }
0x8d: {  	v3 =	vadd.f32 v5, v3  }
0x8e: {  	[tilespmem:s1+$0x19430] =	vst v0;
	v0 =	vadd.f32 v4, v2  }
0x8f: {  	[tilespmem:s1+$0x19440] =	vst v3;
	v1 =	vadd.f32 v7, v1  }
0x90: {  	s31 =	sshll.u32 s31, $0x4;
	[tilespmem:s1+$0x19450] =	vst v0  }
0x91: {  	s9 =	sadd.s32 s8, s31;
	s0 =	simm.s32 @!p0 $0x4;
	[tilespmem:s1+$0x19460] =	vst v1  }
0x92: {  	[hbm4b:s9+s2] =	stream.linear.scatter [tilespmem:s19], [sflag:$0x3], $0x3000, $0x38;
	[tilespmem:$0x1F800] =	vst v63  }
0x93: {  	_ =	swait.ge @!p0 [sflag:s0], $0x3400  }
0x94: {  	[sflag:s0] =	ssyncset.done @!p0 $0x0  }
0x95: {  	[sflag:s0] =	ssyncadd.s32 @!p0 $0xFFFFCC00;
	s0 =	simm.s32 $0x0  }
0x96: {  	v0 =	vld [tilespmem:s0+$0x3270]  }
0x97: {  	v1 =	vld [tilespmem:s0+$0x9670]  }
0x98: {  	v2 =	vld [tilespmem:s0+$0x3200]  }
0x99: {  	v3 =	vld [tilespmem:s0+$0x9600]  }
0x9a: {  	v4 =	vld [tilespmem:s0+$0x3210]  }
0x9b: {  	v5 =	vld [tilespmem:s0+$0x9610]  }
0x9c: {  	v6 =	vld [tilespmem:s0+$0x3220]  }
0x9d: {  	v7 =	vld [tilespmem:s0+$0x3230]  }
0x9e: {  	v0 =	vadd.f32 v1, v0;
	v1 =	vld [tilespmem:s0+$0x9620]  }
0x9f: {  	v8 =	vld [tilespmem:s0+$0x9630]  }
0xa0: {  	v9 =	vld [tilespmem:s0+$0x9640];
	v2 =	vadd.f32 v3, v2  }
0xa1: {  	[tilespmem:s0+$0x1C470] =	vst v0;
	v0 =	vadd.f32 v5, v4;
	v5 =	vld [tilespmem:s0+$0x3240]  }
0xa2: {  	v3 =	vld [tilespmem:s0+$0x9650];
	[tilespmem:s0+$0x1C400] =	vst v2  }
0xa3: {  	v2 =	vld [tilespmem:s0+$0x3250];
	[tilespmem:s0+$0x1C410] =	vst v0;
	v0 =	vadd.f32 v1, v6  }
0xa4: {  	v4 =	vld [tilespmem:s0+$0x9660];
	v6 =	vadd.f32 v8, v7  }
0xa5: {  	s1 =	simm.s32 $0x80;
	[tilespmem:s0+$0x1C420] =	vst v0;
	v0 =	vld [tilespmem:s0+$0x3260]  }
0xa6: {  	s9 =	simm.s32 $0x400;
	v5 =	vadd.f32 v9, v5;
	v1 =	vld [tilespmem:s1+$0x3270];
	[tilespmem:s0+$0x1C430] =	vst v6  }
.LBB2_8:
0xa7: {  	p0 =	sne.s32 s9, $0xCE00;
	v6 =	vld [tilespmem:s1+$0x9670]  }
0xa8: {  	v7 =	vld [tilespmem:s1+$0x3200];
	[tilespmem:s0+$0x1C440] =	vst v5;
	v2 =	vadd.f32 v3, v2  }
0xa9: {  	v3 =	vld [tilespmem:s1+$0x9600]  }
0xaa: {  	v5 =	vld [tilespmem:s1+$0x3210];
	[tilespmem:s0+$0x1C450] =	vst v2;
	v0 =	vadd.f32 v4, v0  }
0xab: {  	v2 =	vld [tilespmem:s1+$0x9610]  }
0xac: {  	v4 =	vld [tilespmem:s1+$0x3220];
	v1 =	vadd.f32 v6, v1;
	[tilespmem:s0+$0x1C460] =	vst v0;
	s0 =	smov.u32 s1  }
0xad: {  	v0 =	vld [tilespmem:s0+$0x9620]  }
0xae: {  	v3 =	vadd.f32 v3, v7;
	v6 =	vld [tilespmem:s0+$0x3230];
	[tilespmem:s0+$0x1C470] =	vst v1  }
0xaf: {  	v1 =	vld [tilespmem:s0+$0x9630]  }
0xb0: {  	[tilespmem:s0+$0x1C400] =	vst v3;
	v2 =	vadd.f32 v2, v5;
	v5 =	vld [tilespmem:s0+$0x3240]  }
0xb1: {  	v7 =	vld [tilespmem:s0+$0x9640]  }
.Ltmp7:
0xb2: {  	[tilespmem:s0+$0x1C410] =	vst v2;
	v0 =	vadd.f32 v0, v4;
	v2 =	vld [tilespmem:s0+$0x3250];
	(pc) =	sbr.rel @p0 .LBB2_8-.Ltmp7, $4  }
0xb3: {  	v3 =	vld [tilespmem:s0+$0x9650]  }
0xb4: {  	[tilespmem:s0+$0x1C420] =	vst v0;
	v6 =	vadd.f32 v1, v6;
	v0 =	vld [tilespmem:s0+$0x3260]  }
0xb5: {  	s1 =	sshra.s32 s9, $0x2;
	v4 =	vld [tilespmem:s0+$0x9660]  }
0xb6: {  	s9 =	sadd.s32 $0x200, s9;
	v1 =	vld [tilespmem:s1+$0x3270];
	[tilespmem:s0+$0x1C430] =	vst v6;
	v5 =	vadd.f32 v7, v5  }
0xb7: {  	v6 =	vld [tilespmem:s1+$0x9670]  }
0xb8: {  	v7 =	vld [tilespmem:s1+$0x3200];
	[tilespmem:s0+$0x1C440] =	vst v5;
	v2 =	vadd.f32 v3, v2  }
0xb9: {  	v51 =	vld [tilespmem:s1+$0x9600]  }
0xba: {  	v5 =	vld [tilespmem:s1+$0x3210];
	[tilespmem:s0+$0x1C450] =	vst v2;
	v0 =	vadd.f32 v4, v0  }
0xbb: {  	v2 =	vld [tilespmem:s1+$0x9610]  }
0xbc: {  	v52 =	vld [tilespmem:s1+$0x3220];
	[tilespmem:s0+$0x1C460] =	vst v0  }
0xbd: {  	v54 =	vld [tilespmem:s1+$0x9620]  }
0xbe: {  	v55 =	vld [tilespmem:s1+$0x3230]  }
0xbf: {  	v56 =	vld [tilespmem:s1+$0x9630]  }
0xc0: {  	v57 =	vld [tilespmem:s1+$0x3240]  }
0xc1: {  	v58 =	vld [tilespmem:s1+$0x9640]  }
0xc2: {  	v59 =	vld [tilespmem:s1+$0x3250]  }
0xc3: {  	v53 =	vadd.f32 v6, v1;
	v60 =	vld [tilespmem:s1+$0x9650]  }
0xc4: {  	v61 =	vld [tilespmem:s1+$0x3260];
	v3 =	vadd.f32 v51, v7  }
0xc5: {  	v62 =	vld [tilespmem:s1+$0x9660];
	[tilespmem:s1+$0x1C470] =	vst v53;
	v2 =	vadd.f32 v2, v5  }
0xc6: {  	[tilespmem:s1+$0x1C400] =	vst v3;
	v1 =	vadd.f32 v54, v52  }
0xc7: {  	[tilespmem:s1+$0x1C410] =	vst v2;
	v0 =	vadd.f32 v56, v55  }
.Ltmp8:
0xc8: {  	v3 =	vadd.f32 v58, v57;
	[tilespmem:s1+$0x1C420] =	vst v1;
	(pc) =	sbr.rel .LBB2_15-.Ltmp8, $4  }
0xc9: {  	v63 =	vadd.f32 v60, v59;
	[tilespmem:s1+$0x1C430] =	vst v0  }
0xca: {  	[tilespmem:s1+$0x1C440] =	vst v3;
	v1 =	vadd.f32 v62, v61  }
0xcb: {  	[tilespmem:s1+$0x1C450] =	vst v63  }
0xcc: {  	[tilespmem:s1+$0x1C460] =	vst v1  }
.LBB2_10:
0xcd: {  	s9 =	simm.s32 $0x0  }
0xce: {  	[tilespmem:s9], [sflag:$0x5] =	stream.linear.gather [hbm4b:s1+s9], $0xC8, $0x38;
	[tilespmem:$0x1F800] =	vst v63  }
0xcf: {  	_ =	swait.ge [sflag:s13], $0xC8  }
0xd0: {  	[sflag:s13] =	ssyncset.done $0x0  }
0xd1: {  	[sflag:s13] =	ssyncadd.s32 $0xFFFFFF38  }
0xd2: {  	[tilespmem:s14], [sflag:$0x5] =	stream.linear.gather [hbm4b:s0+s9], $0xC8, $0x38;
	[tilespmem:$0x1F800] =	vst v63  }
0xd3: {  	_ =	swait.ge [sflag:s13], $0xC8  }
0xd4: {  	[sflag:s13] =	ssyncset.done $0x0  }
0xd5: {  	[sflag:s13] =	ssyncadd.s32 $0xFFFFFF38  }
0xd6: {  	[tilespmem:s16], [sflag:$0x1] =	stream.indirect.gather [hbm4b:s3+s15], $0x80, s9, s15, $0xb8;
	[tilespmem:$0x1F800] =	vst v63  }
0xd7: {  	_ = 	snop  }
0xd8: {  	[tilespmem:s17], [sflag:$0x1] =	stream.indirect.gather [hbm4b:s4+s15], $0x80, s14, s15, $0xb8;
	[tilespmem:$0x1F800] =	vst v63  }
0xd9: {  	_ =	swait.ge [sflag:s28], $0x6400  }
0xda: {  	[sflag:s28] =	ssyncset.done $0x0  }
0xdb: {  	[sflag:s28] =	ssyncadd.s32 $0xFFFF9C00  }
0xdc: {  	_ =	swait.ge [sflag:s28], $0x6400  }
0xdd: {  	[sflag:s28] =	ssyncset.done $0x0  }
0xde: {  	[sflag:s28] =	ssyncadd.s32 $0xFFFF9C00  }
0xdf: {  	_ =	swait.ge [sflag:s21], $0x3000  }
0xe0: {  	[sflag:s21] =	ssyncset.done $0x0  }
0xe1: {  	s0 =	simm.s32 $0x0;
	[sflag:s21] =	ssyncadd.s32 $0xFFFFD000  }
0xe2: {  	v0 =	vld [tilespmem:s0+$0xCC70]  }
0xe3: {  	v1 =	vld [tilespmem:s0+$0x13070]  }
0xe4: {  	v2 =	vld [tilespmem:s0+$0xCC00]  }
0xe5: {  	v3 =	vld [tilespmem:s0+$0x13000]  }
0xe6: {  	v4 =	vld [tilespmem:s0+$0xCC10]  }
0xe7: {  	v5 =	vld [tilespmem:s0+$0x13010]  }
0xe8: {  	v6 =	vld [tilespmem:s0+$0xCC20]  }
0xe9: {  	v7 =	vld [tilespmem:s0+$0xCC30]  }
0xea: {  	v0 =	vadd.f32 v1, v0;
	v1 =	vld [tilespmem:s0+$0x13020]  }
0xeb: {  	v8 =	vld [tilespmem:s0+$0x13030]  }
0xec: {  	v9 =	vld [tilespmem:s0+$0x13040];
	v2 =	vadd.f32 v3, v2  }
0xed: {  	[tilespmem:s0+$0x19470] =	vst v0;
	v0 =	vadd.f32 v5, v4;
	v5 =	vld [tilespmem:s0+$0xCC40]  }
0xee: {  	v3 =	vld [tilespmem:s0+$0x13050];
	[tilespmem:s0+$0x19400] =	vst v2  }
0xef: {  	v2 =	vld [tilespmem:s0+$0xCC50];
	[tilespmem:s0+$0x19410] =	vst v0;
	v0 =	vadd.f32 v1, v6  }
0xf0: {  	v4 =	vld [tilespmem:s0+$0x13060];
	v6 =	vadd.f32 v8, v7  }
0xf1: {  	s1 =	simm.s32 $0x80;
	[tilespmem:s0+$0x19420] =	vst v0;
	v0 =	vld [tilespmem:s0+$0xCC60]  }
0xf2: {  	s9 =	simm.s32 $0x400;
	v5 =	vadd.f32 v9, v5;
	v1 =	vld [tilespmem:s1+$0xCC70];
	[tilespmem:s0+$0x19430] =	vst v6  }
.LBB2_11:
0xf3: {  	p0 =	sne.s32 s9, $0xBE00;
	v6 =	vld [tilespmem:s1+$0x13070]  }
0xf4: {  	v7 =	vld [tilespmem:s1+$0xCC00];
	[tilespmem:s0+$0x19440] =	vst v5;
	v2 =	vadd.f32 v3, v2  }
0xf5: {  	v3 =	vld [tilespmem:s1+$0x13000]  }
0xf6: {  	v5 =	vld [tilespmem:s1+$0xCC10];
	[tilespmem:s0+$0x19450] =	vst v2;
	v0 =	vadd.f32 v4, v0  }
0xf7: {  	v2 =	vld [tilespmem:s1+$0x13010]  }
0xf8: {  	v4 =	vld [tilespmem:s1+$0xCC20];
	v1 =	vadd.f32 v6, v1;
	[tilespmem:s0+$0x19460] =	vst v0;
	s0 =	smov.u32 s1  }
0xf9: {  	v0 =	vld [tilespmem:s0+$0x13020]  }
0xfa: {  	v3 =	vadd.f32 v3, v7;
	v6 =	vld [tilespmem:s0+$0xCC30];
	[tilespmem:s0+$0x19470] =	vst v1  }
0xfb: {  	v1 =	vld [tilespmem:s0+$0x13030]  }
0xfc: {  	[tilespmem:s0+$0x19400] =	vst v3;
	v2 =	vadd.f32 v2, v5;
	v5 =	vld [tilespmem:s0+$0xCC40]  }
0xfd: {  	v7 =	vld [tilespmem:s0+$0x13040]  }
.Ltmp9:
0xfe: {  	[tilespmem:s0+$0x19410] =	vst v2;
	v0 =	vadd.f32 v0, v4;
	v2 =	vld [tilespmem:s0+$0xCC50];
	(pc) =	sbr.rel @p0 .LBB2_11-.Ltmp9, $4  }
0xff: {  	v3 =	vld [tilespmem:s0+$0x13050]  }
0x100: {  	[tilespmem:s0+$0x19420] =	vst v0;
	v6 =	vadd.f32 v1, v6;
	v0 =	vld [tilespmem:s0+$0xCC60]  }
0x101: {  	s1 =	sshra.s32 s9, $0x2;
	v4 =	vld [tilespmem:s0+$0x13060]  }
0x102: {  	s9 =	sadd.s32 $0x200, s9;
	v1 =	vld [tilespmem:s1+$0xCC70];
	[tilespmem:s0+$0x19430] =	vst v6;
	v5 =	vadd.f32 v7, v5  }
0x103: {  	v6 =	vld [tilespmem:s1+$0x13070]  }
0x104: {  	v7 =	vld [tilespmem:s1+$0xCC00];
	[tilespmem:s0+$0x19440] =	vst v5;
	v2 =	vadd.f32 v3, v2  }
0x105: {  	v3 =	vld [tilespmem:s1+$0x13000]  }
0x106: {  	v5 =	vld [tilespmem:s1+$0xCC10];
	[tilespmem:s0+$0x19450] =	vst v2;
	v0 =	vadd.f32 v4, v0  }
0x107: {  	v2 =	vld [tilespmem:s1+$0x13010]  }
0x108: {  	v4 =	vld [tilespmem:s1+$0xCC20];
	[tilespmem:s0+$0x19460] =	vst v0  }
0x109: {  	v0 =	vadd.f32 v6, v1;
	v1 =	vld [tilespmem:s1+$0x13020]  }
0x10a: {  	v6 =	vld [tilespmem:s1+$0xCC30]  }
0x10b: {  	v3 =	vadd.f32 v3, v7;
	[tilespmem:s1+$0x19470] =	vst v0;
	v0 =	vld [tilespmem:s1+$0x13030]  }
0x10c: {  	v7 =	vld [tilespmem:s1+$0x13060]  }
0x10d: {  	[tilespmem:s1+$0x19400] =	vst v3;
	v2 =	vadd.f32 v2, v5;
	v3 =	vld [tilespmem:s1+$0xCC40]  }
0x10e: {  	v5 =	vld [tilespmem:s1+$0x13040]  }
0x10f: {  	[tilespmem:s1+$0x19410] =	vst v2;
	v1 =	vadd.f32 v1, v4;
	v2 =	vld [tilespmem:s1+$0xCC50]  }
0x110: {  	v4 =	vld [tilespmem:s1+$0x13050]  }
0x111: {  	[tilespmem:s1+$0x19420] =	vst v1;
	v1 =	vld [tilespmem:s1+$0xCC60];
	_ =	sdelay $0x1  }
0x112: {  	v0 =	vadd.f32 v0, v6  }
0x113: {  	s9 =	smul.u32 $0xC8, s31;
	v3 =	vadd.f32 v5, v3  }
0x114: {  	[tilespmem:s1+$0x19430] =	vst v0;
	v0 =	vadd.f32 v4, v2  }
0x115: {  	s0 =	sadd.s32 s5, s9;
	[tilespmem:s1+$0x19440] =	vst v3;
	v1 =	vadd.f32 v7, v1  }
0x116: {  	s31 =	sshll.u32 s0, $0x4;
	[tilespmem:s1+$0x19450] =	vst v0  }
0x117: {  	s9 =	simm.s32 $0x0;
	s0 =	sadd.s32 s8, s31;
	[tilespmem:s1+$0x19460] =	vst v1  }
0x118: {  	[hbm4b:s0+s9] =	stream.linear.scatter [tilespmem:s19], [sflag:$0x3], $0x3000, $0x38;
	[tilespmem:$0x1F800] =	vst v63  }
0x119: {  	_ =	swait.ge [sflag:s22], $0x3400  }
0x11a: {  	[sflag:s22] =	ssyncset.done $0x0  }
0x11b: {  	s0 =	simm.s32 $0x0;
	[sflag:s22] =	ssyncadd.s32 $0xFFFFCC00  }
0x11c: {  	v0 =	vld [tilespmem:s0+$0xFC70]  }
0x11d: {  	v1 =	vld [tilespmem:s0+$0x16070]  }
0x11e: {  	v2 =	vld [tilespmem:s0+$0xFC00]  }
0x11f: {  	v3 =	vld [tilespmem:s0+$0x16000]  }
0x120: {  	v4 =	vld [tilespmem:s0+$0xFC10]  }
0x121: {  	v5 =	vld [tilespmem:s0+$0x16010]  }
0x122: {  	v6 =	vld [tilespmem:s0+$0xFC20]  }
0x123: {  	v7 =	vld [tilespmem:s0+$0xFC30]  }
0x124: {  	v0 =	vadd.f32 v1, v0;
	v1 =	vld [tilespmem:s0+$0x16020]  }
0x125: {  	v8 =	vld [tilespmem:s0+$0x16030]  }
0x126: {  	v9 =	vld [tilespmem:s0+$0x16040];
	v2 =	vadd.f32 v3, v2  }
0x127: {  	[tilespmem:s0+$0x1C470] =	vst v0;
	v0 =	vadd.f32 v5, v4;
	v5 =	vld [tilespmem:s0+$0xFC40]  }
0x128: {  	v3 =	vld [tilespmem:s0+$0x16050];
	[tilespmem:s0+$0x1C400] =	vst v2  }
0x129: {  	v2 =	vld [tilespmem:s0+$0xFC50];
	[tilespmem:s0+$0x1C410] =	vst v0;
	v0 =	vadd.f32 v1, v6  }
0x12a: {  	v4 =	vld [tilespmem:s0+$0x16060];
	v6 =	vadd.f32 v8, v7  }
0x12b: {  	s1 =	simm.s32 $0x80;
	[tilespmem:s0+$0x1C420] =	vst v0;
	v0 =	vld [tilespmem:s0+$0xFC60]  }
0x12c: {  	s9 =	simm.s32 $0x400;
	v5 =	vadd.f32 v9, v5;
	v1 =	vld [tilespmem:s1+$0xFC70];
	[tilespmem:s0+$0x1C430] =	vst v6  }
.LBB2_13:
0x12d: {  	p0 =	seq.s32 s9, $0xCE00;
	v6 =	vld [tilespmem:s1+$0x16070]  }
0x12e: {  	v2 =	vadd.f32 v3, v2;
	v7 =	vld [tilespmem:s1+$0xFC00];
	[tilespmem:s0+$0x1C440] =	vst v5  }
0x12f: {  	v3 =	vld [tilespmem:s1+$0x16000]  }
0x130: {  	v0 =	vadd.f32 v4, v0;
	v5 =	vld [tilespmem:s1+$0xFC10];
	[tilespmem:s0+$0x1C450] =	vst v2  }
0x131: {  	v2 =	vld [tilespmem:s1+$0x16010]  }
0x132: {  	v4 =	vld [tilespmem:s1+$0xFC20];
	v1 =	vadd.f32 v6, v1;
	[tilespmem:s0+$0x1C460] =	vst v0;
	s0 =	smov.u32 s1  }
0x133: {  	v0 =	vld [tilespmem:s0+$0x16020]  }
0x134: {  	v3 =	vadd.f32 v3, v7;
	v6 =	vld [tilespmem:s0+$0xFC30];
	[tilespmem:s0+$0x1C470] =	vst v1  }
0x135: {  	v1 =	vld [tilespmem:s0+$0x16030]  }
0x136: {  	[tilespmem:s0+$0x1C400] =	vst v3;
	v2 =	vadd.f32 v2, v5;
	v5 =	vld [tilespmem:s0+$0xFC40]  }
0x137: {  	v7 =	vld [tilespmem:s0+$0x16040]  }
.Ltmp10:
0x138: {  	[tilespmem:s0+$0x1C410] =	vst v2;
	v0 =	vadd.f32 v0, v4;
	v2 =	vld [tilespmem:s0+$0xFC50];
	(pc) =	sbr.rel @!p0 .LBB2_13-.Ltmp10, $4  }
0x139: {  	v3 =	vld [tilespmem:s0+$0x16050]  }
0x13a: {  	[tilespmem:s0+$0x1C420] =	vst v0;
	v6 =	vadd.f32 v1, v6;
	v0 =	vld [tilespmem:s0+$0xFC60]  }
0x13b: {  	s1 =	sshra.s32 s9, $0x2;
	v4 =	vld [tilespmem:s0+$0x16060]  }
0x13c: {  	s9 =	sadd.s32 $0x200, s9;
	v1 =	vld [tilespmem:s1+$0xFC70];
	[tilespmem:s0+$0x1C430] =	vst v6;
	v5 =	vadd.f32 v7, v5  }
.Ltmp11:
0x13d: {  	_ = 	snop;
	(pc) =	sbr.rel .LBB2_14-.Ltmp11, $1  }
0x13e: {  	_ =	sdelay $0x3  }
.LBB2_17:
0x13f: {  	_ =	sfence.sel $0x180000  }
0x140: {  	[bflag:$0x0] =	sbarrier.arrive $0xFFFF  }
0x141: {  	_ =	strace $0x90000047  }
0x142: {  	s0 =	stileid.u32;
	[bflag:$0x2] =	sbarrier.arrive $0xFFFF  }
0x143: {  	p0 =	sne.s32 s0, $0x0;
	s0 =	rddreg [dreg:$0x1]  }
0x144: {  	s0 =	sadd.s32 @!p0 $0x100000, s0  }
0x145: {  	[sflag:s0] =	ssyncadd.tile.s32 @!p0 $0x1;
	_ =	shalt  }
.Lfunc_end2:
_tile_overlayer_lowered:
.L_overlay_start_2:
0x146: {  	(tag) =	ssettag $0x2  }
0x147: {  	s0 =	rddreg [dreg:$0x0];
	s2 =	stileid.u32  }
0x148: {  	s1 =	rddreg [dreg:$0x1];
	p0 =	sne.s32 s2, $0x0  }
0x149: {  	s3 =	rddreg [dreg:$0x2];
	[bflag:$0x3] =	sbarrier.arrive $0xFFFF;
	s2 =	simm.s32 @!p0 $0x1C05  }
0x14a: {  	[timem:s3], [sflag:s2] =	dma.local @!p0 [hbm:s0], s1  }
0x14b: {  	s0 =	simm.s32 @!p0 $0x5  }
0x14c: {  	_ =	swait.ge @!p0 [sflag:s0], s1  }
0x14d: {  	s1 =	ssub.s32 @!p0 $0x0, s1;
	[sflag:s0] =	ssyncset.done @!p0 $0x0  }
0x14e: {  	[sflag:s0] =	ssyncadd.s32 @!p0 s1  }
0x14f: {  	[bflag:$0x3] =	sbarrier.arrive $0xFFFF  }
0x150: {  	_ =	shalt  }

// kernel: body.20.cloned.1.call-start
scs
__scs_entry_jumppad:
0x0: {  	(pc) =	sbr.rel $0x88, $3  }
0x1: {  	(tag) =	ssettag $0x0;
	lr =	simm.s32 $0x1  }
0x2: {  	[smem:$0x3F54] =	sst lr;
	_ =	strace $0xD0000000  }
0x3: {  	_ = 	snop  }
0x4: {  	_ = 	snop  }
0x5: {  	_ = 	snop  }
0x6: {  	_ = 	snop  }
0x7: {  	_ = 	snop  }
__scs_overlays_trampoline_lowered:
0x8: {  	[smem:$0x3F63] =	sst s0  }
0x9: {  	[smem:$0x3F64] =	sst s1  }
0xa: {  	[smem:$0x3F65] =	sst s2  }
0xb: {  	[smem:$0x3F66] =	sst s3  }
0xc: {  	[smem:$0x3F67] =	sst s4  }
0xd: {  	[smem:$0x3F68] =	sst s5  }
0xe: {  	[smem:$0x3F69] =	sst s6  }
0xf: {  	[smem:$0x3F6A] =	sst s7  }
0x10: {  	[smem:$0x3F6B] =	sst s8  }
0x11: {  	[smem:$0x3F6C] =	sst s9;
	s0 =	simm.s32 @!p0 $0x0  }
0x12: {  	s1 =	sld [smem:$0x3F52];
	s0 =	simm.s32 @p0 $0x1  }
0x13: {  	[smem:$0x3F6D] =	sst s0;
	s0 =	simm.s32 @!p1 $0x0  }
0x14: {  	s2 =	sld [smem:$0x3F51];
	s0 =	simm.s32 @p1 $0x1  }
0x15: {  	[smem:$0x3F6E] =	sst s0;
	s0 =	simm.s32 @!p2 $0x0  }
0x16: {  	s3 =	sld [smem:$0x3FDB];
	s0 =	simm.s32 @p2 $0x1  }
0x17: {  	s4 =	simm.s32 $0x1BF5;
	[smem:$0x3F70] =	sst s0  }
0x18: {  	s0 =	sld [smem:$0x3F53];
	_ =	swait.ge [sflag:s4], $0x0  }
0x19: {  	s7 =	sld [smem:$0x3F54]  }
0x1a: {  	s8 =	sadd.s32 $0xFFFFE003, lr  }
0x1b: {  	s9 =	sadd.s32 $0xFFFFFEF7, lr;
	s5 =	simm.s32 $0xFFFFFFFF;
	p2 =	slt.u32 s8, $0xFFFFF086  }
0x1c: {  	p1 =	slt.u32 s9, $0xF7A;
	s5 =	simm.s32 @!p2 $0x0  }
0x1d: {  	s5 =	simm.s32 @p1 $0x1;
	p0 =	seq.s32 s7, s2  }
0x1e: {  	s7 =	smul.u32 @!p0 $0xF7A, s2;
	p2 =	seq.s32 @!p0 s5, $0x0  }
0x1f: {  	s9 =	smul.u32 $0xF7A, s1;
	s8 =	simm.s32 @!p0 $0x1BF5;
	p2 =	por !p2, p0  }
0x20: {  	[sflag:s8] =	ssyncset.s32 @!p0 $0xFFFFF086;
	s6 =	sadd.s32 @!p0 s3, s7;
	s7 =	simm.s32 @!p0 $0x108  }
0x21: {  	s3 =	sadd.s32 s3, s9;
	s6 =	sadd.s32 @!p0 $0x88, s6;
	s7 =	simm.s32 @p2 $0x1082  }
0x22: {  	[simem:s7], [sflag:s8] =	dma.local @!p0 [hbm:s6], $0xF7A  }
0x23: {  	s9 =	sor.u32 $0xD0000000, s2;
	s6 =	simm.s32 $0x108;
	_ =	swait.ge @!p0 [sflag:s8], $0x0  }
0x24: {  	s3 =	sadd.s32 $0x88, s3;
	s6 =	simm.s32 @!p1 $0x1082;
	[sflag:s4] =	ssyncset.s32 $0xFFFFF086  }
0x25: {  	[simem:s6], [sflag:s4] =	dma.local [hbm:s3], $0xF7A  }
0x26: {  	[smem:$0x3F54] =	sst s1;
	(tag) =	ssettag s2;
	_ =	strace s9  }
0x27: {  	s1 =	sld [smem:$0x3F64]  }
0x28: {  	s2 =	sld [smem:$0x3F65]  }
0x29: {  	s4 =	sld [smem:$0x3F67]  }
0x2a: {  	p0 =	seq.s32 s5, $0x0;
	s5 =	sld [smem:$0x3F68]  }
0x2b: {  	s6 =	sld [smem:$0x3F69]  }
0x2c: {  	s7 =	sld [smem:$0x3F6A]  }
0x2d: {  	s3 =	simm.s32 $0x108;
	s8 =	sld [smem:$0x3F6B]  }
0x2e: {  	s3 =	simm.s32 @!p0 $0x1082;
	s9 =	sld [smem:$0x3F6C]  }
0x2f: {  	lr =	sadd.s32 s0, s3;
	s0 =	sld [smem:$0x3F63]  }
0x30: {  	s3 =	sld [smem:$0x3F66]  }
0x31: {  	[smem:$0x3F6F] =	sst s10  }
0x32: {  	s10 =	sld [smem:$0x3F6D];
	_ =	sdelay $0x3  }
0x33: {  	p0 =	seq.s32 s10, $0x1;
	s10 =	sld [smem:$0x3F6F];
	_ =	sdelay $0x3  }
0x34: {  	[smem:$0x3F6F] =	sst s10  }
0x35: {  	s10 =	sld [smem:$0x3F6E];
	_ =	sdelay $0x3  }
0x36: {  	p1 =	seq.s32 s10, $0x1;
	s10 =	sld [smem:$0x3F6F];
	_ =	sdelay $0x3  }
0x37: {  	[smem:$0x3F6F] =	sst s10  }
0x38: {  	s10 =	sld [smem:$0x3F70]  }
0x39: {  	_ = 	snop;
	(pc) =	sbr.ind lr, $3  }
0x3a: {  	_ = 	snop  }
0x3b: {  	_ = 	snop  }
0x3c: {  	p2 =	seq.s32 s10, $0x1;
	s10 =	sld [smem:$0x3F6F]  }
0x3d: {  	_ =	shalt  }
0x3e: {  	_ =	shalt  }
0x3f: {  	_ =	shalt  }
0x40: {  	_ =	shalt  }
0x41: {  	_ =	shalt  }
0x42: {  	_ =	shalt  }
0x43: {  	_ =	shalt  }
0x44: {  	_ =	shalt  }
0x45: {  	_ =	shalt  }
0x46: {  	_ =	shalt  }
0x47: {  	_ =	shalt  }
0x48: {  	_ =	shalt  }
0x49: {  	_ =	shalt  }
0x4a: {  	_ =	shalt  }
0x4b: {  	_ =	shalt  }
0x4c: {  	_ =	shalt  }
0x4d: {  	_ =	shalt  }
0x4e: {  	_ =	shalt  }
0x4f: {  	_ =	shalt  }
0x50: {  	_ =	shalt  }
0x51: {  	_ =	shalt  }
0x52: {  	_ =	shalt  }
0x53: {  	_ =	shalt  }
0x54: {  	_ =	shalt  }
0x55: {  	_ =	shalt  }
0x56: {  	_ =	shalt  }
0x57: {  	_ =	shalt  }
0x58: {  	_ =	shalt  }
0x59: {  	_ =	shalt  }
0x5a: {  	_ =	shalt  }
0x5b: {  	_ =	shalt  }
0x5c: {  	_ =	shalt  }
0x5d: {  	_ =	shalt  }
0x5e: {  	_ =	shalt  }
0x5f: {  	_ =	shalt  }
0x60: {  	_ =	shalt  }
0x61: {  	_ =	shalt  }
0x62: {  	_ =	shalt  }
0x63: {  	_ =	shalt  }
0x64: {  	_ =	shalt  }
0x65: {  	_ =	shalt  }
0x66: {  	_ =	shalt  }
0x67: {  	_ =	shalt  }
0x68: {  	_ =	shalt  }
0x69: {  	_ =	shalt  }
0x6a: {  	_ =	shalt  }
0x6b: {  	_ =	shalt  }
0x6c: {  	_ =	shalt  }
0x6d: {  	_ =	shalt  }
0x6e: {  	_ =	shalt  }
0x6f: {  	_ =	shalt  }
0x70: {  	_ =	shalt  }
0x71: {  	_ =	shalt  }
0x72: {  	_ =	shalt  }
0x73: {  	_ =	shalt  }
0x74: {  	_ =	shalt  }
0x75: {  	_ =	shalt  }
0x76: {  	_ =	shalt  }
0x77: {  	_ =	shalt  }
0x78: {  	_ =	shalt  }
0x79: {  	_ =	shalt  }
0x7a: {  	_ =	shalt  }
0x7b: {  	_ =	shalt  }
0x7c: {  	_ =	shalt  }
0x7d: {  	_ =	shalt  }
0x7e: {  	_ =	shalt  }
0x7f: {  	_ =	shalt  }
0x80: {  	_ =	shalt  }
0x81: {  	_ =	shalt  }
0x82: {  	_ =	shalt  }
0x83: {  	_ =	shalt  }
0x84: {  	_ =	shalt  }
0x85: {  	_ =	shalt  }
0x86: {  	_ =	shalt  }
0x87: {  	_ =	shalt  }
.Lfunc_end0:
.L_simem_size_0:
called_computation.1_lowered:
.L_overlay_start_0:
0x88: {  	s2 =	sld [smem:$0x3FD9]  }
0x89: {  	s3 =	sld [smem:$0x3FFE];
	_ =	sdelay $0x1  }
0x8a: {  	s1 =	srdreg.scid  }
0x8b: {  	s0 =	sand.u32 $0x1, s1  }
0x8c: {  	s16 =	sshll.u32 s0, $0xA;
	s2 =	sadd.s32 s3, s2  }
0x8d: {  	s2 =	sadd.s32 s2, s16  }
0x8e: {  	[smem:$0x3F7B] =	sst s2  }
0x8f: {  	_ = 	snop  }
0x90: {  	(tm) =	ssettm $0x1  }
0x91: {  	s17 =	sld [smem:$0x3FFB];
	_ =	sdelay $0x3  }
0x92: {  	_ =	strace s17  }
0x93: {  	s2 =	sld [smem:$0x3FFC];
	_ =	sdelay $0x3  }
0x94: {  	_ =	strace s2  }
0x95: {  	s2 =	sld [smem:$0x3FFD];
	_ =	sdelay $0x3  }
0x96: {  	_ =	strace s2  }
0x97: {  	_ =	strace $0x8FFFFFFF  }
0x98: {  	s18 =	sld [smem:$0x3FDB];
	_ =	sdelay $0x1  }
0x99: {  	s19 =	simm.s32 $_scs_section_size  }
0x9a: {  	s4 =	simm.s32 $_size__tile_overlayer_lowered;
	s5 =	simm.s32 $_tile_overlayer_lowered  }
0x9b: {  	s22 =	simm.s32 $0x1BFF;
	s21 =	sshll.u32 s5, $0x1;
	s2 =	sadd.s32 s19, s18  }
0x9c: {  	s6 =	simm.s32 $0x0;
	s20 =	sshll.u32 s4, $0x1;
	s4 =	sadd.s32 s21, s2  }
0x9d: {  	[timem:s6], [sflag:s22] =	dma.local [hbm:s4], s20  }
0x9e: {  	_ =	swait.ge [sflag:s22], s20  }
0x9f: {  	s3 =	ssub.s32 $0x0, s20;
	[sflag:s22] =	ssyncset.done $0x0  }
0xa0: {  	[sflag:s22] =	ssyncadd.s32 s3;
	_ =	sdelay $0x1  }
0xa1: {  	s23 =	simm.s32 $0x1B8B  }
0xa2: {  	_ =	swait.ge [sflag:s23], $0x1  }
0xa3: {  	[sflag:s23] =	ssyncset.done $0x0  }
0xa4: {  	s25 =	simm.s32 $0x1B8E;
	s24 =	sld [smem:$0x3FFE];
	[sflag:s23] =	ssyncadd.s32 $0xFFFFFFFF  }
0xa5: {  	s26 =	simm.s32 $execute0_lowered;
	[smem:$0x3FD2] =	sst s25  }
0xa6: {  	s4 =	sshll.u32 s26, $0x1;
	_ =	strace $0x80000049;
	[dreg:$0x1] =	wrdreg $0xFFFFFFFF  }
0xa7: {  	s28 =	simm.s32 $_size_execute0_lowered;
	s2 =	sadd.s32 s2, s4;
	[dreg:$0x0] =	wrdreg $0x0  }
0xa8: {  	s4 =	sshll.u32 s28, $0x1;
	[dreg:$0x2] =	wrdreg s2  }
0xa9: {  	[dreg:$0x3] =	wrdreg s4  }
0xaa: {  	[dreg:$0x4] =	wrdreg $0xC0  }
0xab: {  	_ =	task [dreg:s6], $0x5FFFF  }
0xac: {  	[dreg:$0x1] =	wrdreg $0xFFFFFFFF  }
0xad: {  	[dreg:$0x0] =	wrdreg $0x60  }
0xae: {  	[dreg:$0x2] =	wrdreg s24  }
0xaf: {  	[dreg:$0x3] =	wrdreg $0x9  }
0xb0: {  	_ =	task.clear_ibuf [dreg:s6], $0x4FFFF;
	_ =	strace $0x90000049  }
0xb1: {  	s29 =	simm.s32 $0x9;
	_ =	strace $0x8000004B  }
0xb2: {  	_ =	swait.ge [sflag:s29], $0x1  }
0xb3: {  	[sflag:s29] =	ssyncadd.s32 $0xFFFFFFFF  }
0xb4: {  	_ =	strace $0x9000004B  }
0xb5: {  	_ =	sfence  }
0xb6: {  	s30 =	sld [smem:$0x0];
	_ =	sdelay $0x2  }
0xb7: {  	s31 =	sshll.u32 s1, $0xD;
	s1 =	sshrl.u32 s1, $0x2  }
0xb8: {  	s3 =	sand.u32 $0x4000, s31;
	s1 =	sadd.s32 s1, s30  }
0xb9: {  	s0 =	sor.u32 s3, s0;
	s1 =	sshll.u32 s1, $0x11  }
0xba: {  	s0 =	sor.u32 s1, s0  }
0xbb: {  	s0 =	sadd.s32 $0x8F2B, s0  }
0xbc: {  	[sflag:s0] =	ssyncadd.remote.s32 $0x1  }
0xbd: {  	_ =	sfence.sel $0xFFFF  }
0xbe: {  	[dreg:$0x0] =	wrdreg $0xFFFFFFFF;
	(pc) =	sbr.abs _section_cstart, $3  }
0xbf: {  	[dreg:$0x1] =	wrdreg $0xFFFFFFFF  }
0xc0: {  	_ =	task.clear_ibuf [dreg:s6], $0x2FFFF;
	_ =	strace $0x9FFFFFFF  }
0xc1: {  	(tm) =	ssettm $0x7FFFFFFF  }
tec
execute0_lowered:
.L_overlay_start_1:
0x0: {  	(tag) =	ssettag $0x1  }
0x1: {  	s0 =	stileid.u32  }
0x2: {  	s1 =	srdreg.scid;
	s4 =	rddreg [dreg:$0x0]  }
0x3: {  	s2 =	simm.s32 $0x0;
	s10 =	simm.s32 $0x13C00;
	s3 =	smul.u32 $0x27100, s0  }
0x4: {  	v0 =	vimm.s32 $0x0;
	vm0 =	vcmask $0x704;
	s11 =	simm.s32 $0x1;
	s5 =	sand.u32 $0x1, s1;
	s7 =	smul.u32 $0x13C00, s0  }
0x5: {  	s12 =	simm.s32 $0x1AC80;
	s13 =	simm.s32 $0x0;
	v0 =	vsel vm0, $0x80, v0;
	vm0 =	vcmask $0xB08;
	s6 =	smul.u32 $0x13C000, s5  }
0x6: {  	[smem:$0x7FF] =	sst s2;
	s31 =	ssub.s32 $0x2, s5;
	v0 =	vsel vm0, $0x100, v0;
	vm0 =	vcmask $0xF0C;
	s5 =	smul.u32 $0x13880, s5  }
.Ltmp0:
0x7: {  	s1 =	rddreg [dreg:$0x1];
	_ =	strace $0x8000004A;
	v0 =	vsel vm0, $0x180, v0;
	vm0 =	vcmask $0x1310;
	(pc) =	sbr.rel .LBB2_1-.Ltmp0, $4  }
0x8: {  	s8 =	sadd.s32 s3, s4;
	s9 =	sshrl.u32 s31, $0x1;
	s6 =	sadd.s32 s7, s6;
	v1 =	vsel vm0, $0x200, v0;
	vm0 =	vcmask $0x1714  }
0x9: {  	vm1 =	vcmask $0x1F1C;
	s3 =	sadd.s32 $0x5C200, s4;
	s7 =	ssub.s32 s31, s9;
	s6 =	sshrl.u32 s6, $0x3;
	v2 =	vsel vm0, $0x280, v1;
	vm0 =	vcmask $0x1B18  }
0xa: {  	v0 =	vimm.f32 $-Inf;
	s9 =	simm.s32 $0x2;
	v1 =	vlaneseq.u32;
	s6 =	sadd.s32 s6, s4;
	s4 =	sadd.s32 $0x373A00, s8;
	v3 =	vsel vm0, $0x300, v2  }
0xb: {  	s7 =	smax.u32 s7, $0x1;
	s8 =	simm.s32 $0x1A000;
	v2 =	vimm.f32 $1.000000000e+00;
	vm0 =	vmmov $0xff;
	s6 =	sadd.s32 $0x102A00, s6;
	v3 =	vsel vm1, $0x380, v3  }
.LBB2_25:
0xc: {  	s13 =	sadd.s32 $0x1, s13  }
0xd: {  	p0 =	sne.s32 s13, s7  }
.Ltmp1:
0xe: {  	_ = 	snop;
	(pc) =	sbr.rel @!p0 .LBB2_26-.Ltmp1, $4  }
0xf: {  	[hbm4b:s6+s2] =	stream.linear.scatter [tilespmem:s2], [sflag:$0x2], $0x13C00, $0x38;
	[tilespmem:$0x1D400] =	vst v63  }
0x10: {  	_ =	swait.ge [sflag:s9], $0x13C00  }
0x11: {  	[sflag:s9] =	ssyncset.done $0x0  }
0x12: {  	[sflag:s9] =	ssyncadd.s32 $0xFFFEC400  }
.LBB2_1:
0x13: {  	s14 =	sand.u32 $0x70, s2;
	s15 =	sand.u32 $0x1FC00, s2  }
0x14: {  	s14 =	sor.u32 s14, s15  }
0x15: {  	s16 =	simm.s32 $0x0;
	s15 =	simm.s32 $0x10;
	[tilespmem:s14+$0x0] =	vst v0  }
.LBB2_2:
0x16: {  	p0 =	sne.s32 s15, $0x2700  }
.Ltmp2:
0x17: {  	_ = 	snop;
	(pc) =	sbr.rel @p0 .LBB2_2-.Ltmp2, $4  }
0x18: {  	s16 =	sadd.s32 $0x80, s16  }
0x19: {  	s14 =	sand.u32 $0x70, s15;
	s17 =	sand.u32 $0x1FC00, s16  }
0x1a: {  	s14 =	sor.u32 s14, s17  }
0x1b: {  	s15 =	sadd.s32 $0x10, s15;
	[tilespmem:s14+$0x0] =	vst v0;
	s14 =	simm.s32 $0x0  }
0x1c: {  	s15 =	sand.u32 $0x70, s14;
	s16 =	sand.u32 $0x1FC00, s14  }
0x1d: {  	s15 =	sor.u32 s15, s16  }
0x1e: {  	s17 =	simm.s32 $0x0;
	s16 =	simm.s32 $0x10;
	[tilespmem:s15+$0x80] =	vst v0  }
.LBB2_4:
0x1f: {  	p0 =	sne.s32 s16, $0x2700  }
.Ltmp3:
0x20: {  	_ = 	snop;
	(pc) =	sbr.rel @p0 .LBB2_4-.Ltmp3, $4  }
0x21: {  	s17 =	sadd.s32 $0x80, s17  }
0x22: {  	s18 =	sand.u32 $0x70, s16;
	s19 =	sand.u32 $0x1FC00, s17  }
0x23: {  	s18 =	sor.u32 s18, s19  }
0x24: {  	s16 =	sadd.s32 $0x10, s16;
	[tilespmem:s18+$0x80] =	vst v0  }
0x25: {  	s16 =	simm.s32 $0x10;
	[tilespmem:s15+$0x100] =	vst v0  }
.LBB2_6:
0x26: {  	p0 =	sne.s32 s16, $0x2700  }
.Ltmp4:
0x27: {  	_ = 	snop;
	(pc) =	sbr.rel @p0 .LBB2_6-.Ltmp4, $4  }
0x28: {  	s14 =	sadd.s32 $0x80, s14  }
0x29: {  	s15 =	sand.u32 $0x70, s16;
	s17 =	sand.u32 $0x1FC00, s14  }
0x2a: {  	s15 =	sor.u32 s15, s17  }
0x2b: {  	s16 =	sadd.s32 $0x10, s16;
	[tilespmem:s15+$0x100] =	vst v0;
	s15 =	simm.s32 $0x0  }
0x2c: {  	s14 =	sand.u32 $0x70, s15;
	s16 =	sand.u32 $0x1FC00, s15  }
0x2d: {  	s14 =	sor.u32 s14, s16  }
0x2e: {  	s17 =	simm.s32 $0x0;
	s16 =	simm.s32 $0x10;
	[tilespmem:s14+$0x180] =	vst v0  }
.LBB2_8:
0x2f: {  	p0 =	sne.s32 s16, $0x2700  }
.Ltmp5:
0x30: {  	_ = 	snop;
	(pc) =	sbr.rel @p0 .LBB2_8-.Ltmp5, $4  }
0x31: {  	s17 =	sadd.s32 $0x80, s17  }
0x32: {  	s18 =	sand.u32 $0x70, s16;
	s19 =	sand.u32 $0x1FC00, s17  }
0x33: {  	s18 =	sor.u32 s18, s19  }
0x34: {  	s16 =	sadd.s32 $0x10, s16;
	[tilespmem:s18+$0x180] =	vst v0  }
0x35: {  	s17 =	simm.s32 $0x10;
	[tilespmem:s14+$0x200] =	vst v0  }
.LBB2_10:
0x36: {  	p0 =	sne.s32 s17, $0x2700  }
.Ltmp6:
0x37: {  	_ = 	snop;
	(pc) =	sbr.rel @p0 .LBB2_10-.Ltmp6, $4  }
0x38: {  	s15 =	sadd.s32 $0x80, s15  }
0x39: {  	s14 =	sand.u32 $0x70, s17;
	s16 =	sand.u32 $0x1FC00, s15  }
0x3a: {  	s14 =	sor.u32 s14, s16  }
0x3b: {  	s17 =	sadd.s32 $0x10, s17;
	s16 =	simm.s32 $0x0;
	[tilespmem:s14+$0x200] =	vst v0  }
0x3c: {  	s14 =	sand.u32 $0x70, s16;
	s15 =	sand.u32 $0x1FC00, s16  }
0x3d: {  	s14 =	sor.u32 s14, s15  }
0x3e: {  	s17 =	simm.s32 $0x0;
	s15 =	simm.s32 $0x10;
	[tilespmem:s14+$0x280] =	vst v0  }
.LBB2_12:
0x3f: {  	p0 =	sne.s32 s15, $0x2700  }
.Ltmp7:
0x40: {  	_ = 	snop;
	(pc) =	sbr.rel @p0 .LBB2_12-.Ltmp7, $4  }
0x41: {  	s17 =	sadd.s32 $0x80, s17  }
0x42: {  	s18 =	sand.u32 $0x70, s15;
	s19 =	sand.u32 $0x1FC00, s17  }
0x43: {  	s18 =	sor.u32 s18, s19  }
0x44: {  	s15 =	sadd.s32 $0x10, s15;
	[tilespmem:s18+$0x280] =	vst v0  }
0x45: {  	s15 =	simm.s32 $0x10;
	[tilespmem:s14+$0x300] =	vst v0  }
.LBB2_14:
0x46: {  	p0 =	sne.s32 s15, $0x2700  }
.Ltmp8:
0x47: {  	_ = 	snop;
	(pc) =	sbr.rel @p0 .LBB2_14-.Ltmp8, $4  }
0x48: {  	s16 =	sadd.s32 $0x80, s16  }
0x49: {  	s14 =	sand.u32 $0x70, s15;
	s17 =	sand.u32 $0x1FC00, s16  }
0x4a: {  	s14 =	sor.u32 s14, s17  }
0x4b: {  	s15 =	sadd.s32 $0x10, s15;
	[tilespmem:s14+$0x300] =	vst v0;
	s14 =	simm.s32 $0x0  }
0x4c: {  	s15 =	sand.u32 $0x7, s14  }
0x4d: {  	s15 =	sshll.u32 s15, $0x4  }
0x4e: {  	s15 =	sadd.s32 $0x0, s15  }
0x4f: {  	s16 =	sor.u32 $0x380, s15  }
0x50: {  	s17 =	simm.s32 $0x0;
	s15 =	simm.s32 $0x10;
	[tilespmem:s16+$0x0] =	vst v0;
	s16 =	simm.s32 $0x1  }
.LBB2_16:
0x51: {  	s18 =	sand.u32 $0x7, s16;
	p0 =	sne.s32 s15, $0x2700;
	s15 =	sadd.s32 $0x10, s15  }
.Ltmp9:
0x52: {  	s17 =	sadd.s32 $0x80, s17;
	s18 =	sshll.u32 s18, $0x4;
	(pc) =	sbr.rel @p0 .LBB2_16-.Ltmp9, $4  }
0x53: {  	s18 =	sadd.s32 s18, s17  }
0x54: {  	s18 =	sor.u32 $0x380, s18  }
0x55: {  	[tilespmem:s18+$0x0] =	vst v0  }
0x56: {  	s16 =	sadd.s32 $0x1, s16  }
.Ltmp10:
0x57: {  	_ = 	snop;
	(pc) =	sbr.rel .LBB2_17-.Ltmp10, $1  }
0x58: {  	_ =	sdelay $0x3  }
.LBB2_24:
0x59: {  	s14 =	sadd.s32 $0x1, s14  }
0x5a: {  	p0 =	sne.s32 s14, $0x19  }
.Ltmp11:
0x5b: {  	_ = 	snop;
	(pc) =	sbr.rel @!p0 .LBB2_25-.Ltmp11, $1  }
0x5c: {  	_ =	sdelay $0x3  }
.LBB2_17:
0x5d: {  	s15 =	smul.u32 $0xC80, s14;
	_ =	sdelay $0x1  }
0x5e: {  	s16 =	sadd.s32 s5, s15  }
0x5f: {  	s15 =	sshrl.u32 s16, $0x3  }
0x60: {  	s17 =	sadd.s32 s3, s15;
	s15 =	simm.s32 $0x0  }
0x61: {  	[tilespmem:s8], [sflag:$0x2] =	stream.linear.gather [hbm4b:s17+s15], $0xC80, $0x38;
	[tilespmem:$0x1D400] =	vst v63  }
0x62: {  	_ =	swait.ge [sflag:s9], $0xC80  }
0x63: {  	[sflag:s9] =	ssyncset.done $0x0  }
.Ltmp12:
0x64: {  	s16 =	sadd.s32 s16, s4;
	[sflag:s9] =	ssyncadd.s32 $0xFFFFF380;
	(pc) =	sbr.rel .LBB2_18-.Ltmp12, $4  }
0x65: {  	[tilespmem:s10], [sflag:$0x1] =	stream.linear.gather [hbm4b:s16+s15], $0x6400, $0x38;
	[tilespmem:$0x1D400] =	vst v63  }
0x66: {  	_ =	swait.ge [sflag:s11], $0x6400  }
0x67: {  	[sflag:s11] =	ssyncset.done $0x0  }
0x68: {  	s17 =	simm.s32 $0x0;
	s16 =	simm.s32 $0x0;
	[sflag:s11] =	ssyncadd.s32 $0xFFFF9C00  }
.LBB2_22:
0x69: {  	v5 =	vshll.u32 v4, $0x3  }
0x6a: {  	v4 =	vand.u32 $0x7F, v4;
	v5 =	vand.u32 $0xFFFFFC00, v5  }
0x6b: {  	v4 =	vor.u32 v4, v5  }
0x6c: {  	s19 =	sshll.u32 s17, $0x7  }
0x6d: {  	s18 =	sand.u32 $0x70, s18;
	s20 =	sand.u32 $0x7C00, s19  }
0x6e: {  	s20 =	sor.u32 s18, s20  }
0x6f: {  	v5 =	vld [tilespmem:s20+$0x13C00]  }
0x70: {  	v6 =	vld.idx.msk [tilespmem:v4+s2+$0x0], $0xffff;
	_ =	sdelay $0x2  }
0x71: {  	v7 =	vor.u32 $0x80, v4;
	_ =	sdelay $0x1  }
0x72: {  	v5 =	vmax.f32 v6, v5  }
0x73: {  	s20 =	sadd.s32 $0x13C00, s20;
	[tilespmem:v4+s2+$0x0] =	vst.idx.msk $0xffff, v5  }
0x74: {  	v5 =	vld [tilespmem:s20+$0x80]  }
0x75: {  	v53 =	vld.idx.msk [tilespmem:v7+s2+$0x0], $0xffff;
	_ =	sdelay $0x2  }
0x76: {  	v8 =	vor.u32 $0x100, v4;
	_ =	sdelay $0x1  }
0x77: {  	v5 =	vmax.f32 v53, v5  }
0x78: {  	[tilespmem:v7+s2+$0x0] =	vst.idx.msk $0xffff, v5  }
0x79: {  	v5 =	vld [tilespmem:s20+$0x100]  }
0x7a: {  	v54 =	vld.idx.msk [tilespmem:v8+s2+$0x0], $0xffff;
	_ =	sdelay $0x2  }
0x7b: {  	v55 =	vor.u32 $0x180, v4;
	_ =	sdelay $0x1  }
0x7c: {  	v5 =	vmax.f32 v54, v5  }
0x7d: {  	[tilespmem:v8+s2+$0x0] =	vst.idx.msk $0xffff, v5  }
0x7e: {  	v5 =	vld [tilespmem:s20+$0x180]  }
0x7f: {  	v56 =	vld.idx.msk [tilespmem:v55+s2+$0x0], $0xffff;
	_ =	sdelay $0x2  }
0x80: {  	v57 =	vor.u32 $0x200, v4;
	_ =	sdelay $0x1  }
0x81: {  	v5 =	vmax.f32 v56, v5  }
0x82: {  	[tilespmem:v55+s2+$0x0] =	vst.idx.msk $0xffff, v5  }
0x83: {  	v5 =	vld [tilespmem:s20+$0x200]  }
0x84: {  	v58 =	vld.idx.msk [tilespmem:v57+s2+$0x0], $0xffff;
	_ =	sdelay $0x2  }
0x85: {  	v59 =	vor.u32 $0x280, v4;
	_ =	sdelay $0x1  }
0x86: {  	v5 =	vmax.f32 v58, v5  }
0x87: {  	[tilespmem:v57+s2+$0x0] =	vst.idx.msk $0xffff, v5  }
0x88: {  	v5 =	vld [tilespmem:s20+$0x280]  }
0x89: {  	v60 =	vld.idx.msk [tilespmem:v59+s2+$0x0], $0xffff;
	_ =	sdelay $0x2  }
0x8a: {  	v61 =	vor.u32 $0x300, v4;
	_ =	sdelay $0x1  }
0x8b: {  	v5 =	vmax.f32 v60, v5  }
0x8c: {  	[tilespmem:v59+s2+$0x0] =	vst.idx.msk $0xffff, v5  }
0x8d: {  	v5 =	vld [tilespmem:s20+$0x300]  }
0x8e: {  	v62 =	vld.idx.msk [tilespmem:v61+s2+$0x0], $0xffff;
	_ =	sdelay $0x2  }
0x8f: {  	v4 =	vor.u32 $0x380, v4;
	_ =	sdelay $0x1  }
0x90: {  	s18 =	sor.u32 s18, s19;
	v5 =	vmax.f32 v62, v5  }
0x91: {  	s18 =	sor.u32 $0x380, s18;
	[tilespmem:v61+s2+$0x0] =	vst.idx.msk $0xffff, v5  }
0x92: {  	v5 =	vld [tilespmem:s18+$0x13C00]  }
0x93: {  	v63 =	vld.idx.msk [tilespmem:v4+s2+$0x0], $0xffff;
	_ =	sdelay $0x4  }
0x94: {  	v5 =	vmax.f32 v63, v5  }
0x95: {  	[tilespmem:v4+s2+$0x0] =	vst.idx.msk $0xffff, v5  }
.LBB2_23:
0x96: {  	s17 =	sadd.s32 $0x1, s17  }
0x97: {  	p0 =	sne.s32 s17, $0xC8  }
.Ltmp13:
0x98: {  	_ = 	snop;
	(pc) =	sbr.rel @!p0 .LBB2_24-.Ltmp13, $2  }
0x99: {  	_ =	sdelay $0x2  }
0x9a: {  	s16 =	sadd.s32 $0x10, s16  }
.LBB2_18:
0x9b: {  	s18 =	sshll.u32 s17, $0x4  }
0x9c: {  	v4 =	vld [tilespmem:s18+$0x1A000];
	_ =	sdelay $0x7  }
0x9d: {  	[tilespmem:v4+s12+$0x0] =	vst.idx.msk $0xffff, v1  }
0x9e: {  	v5 =	vld.idx.msk [tilespmem:v4+s12+$0x0], $0xffff;
	_ =	sdelay $0x4  }
0x9f: {  	vm1 =	veq.s32 v5, v1  }
0xa0: {  	v5 =	vsel vm1, $0x0, v2  }
0xa1: {  	(xrf0) =	vmax.scan.msk.f32 $0xffff, v5;
	_ =	sdelay $0x5  }
0xa2: {  	v5, _, _ =	vpop (xrf0)  }
0xa3: {  	(v2sf) =	vpush v5, $0xF;
	_ =	sdelay $0xe  }
0xa4: {  	s19 =	spop (v2sf)  }
0xa5: {  	p0 =	sgt.f32 s19, $0.0e+00  }
.Ltmp14:
0xa6: {  	_ = 	snop;
	(pc) =	sbr.rel @!p0 .LBB2_22-.Ltmp14, $1  }
0xa7: {  	_ =	sdelay $0x3  }
0xa8: {  	s18 =	sadd.s32 s15, s16  }
0xa9: {  	v4 =	vmov s18;
	_ =	sdelay $0x4  }
0xaa: {  	v5 =	vld.idx.msk [tilespmem:v4+s8+$0x0], $0xff;
	_ =	sdelay $0x4  }
0xab: {  	v6 =	vshll.u32 v4, $0x3;
	v5 =	vnsel vm0, $0x0, v5  }
0xac: {  	v6 =	vand.u32 $0x7C00, v6;
	v4 =	vand.u32 $0x7F, v4;
	v7 =	vshll.u32 v5, $0x3  }
0xad: {  	v4 =	vor.u32 v6, v4;
	v5 =	vand.u32 $0x7F, v5;
	v6 =	vand.u32 $0xFFFFFC00, v7  }
0xae: {  	v7 =	vor.u32 v3, v4;
	v4 =	vor.u32 v6, v5  }
0xaf: {  	v4 =	vor.u32 v3, v4;
	_ =	sdelay $0x3  }
0xb0: {  	v5 =	vld.idx.msk [tilespmem:v7+s10+$0x0], $0xff  }
0xb1: {  	s31 =	sadd.s32 $0x1, s15;
	v6 =	vld.idx.msk [tilespmem:v4+s2+$0x0], $0xff  }
0xb2: {  	s19 =	sadd.s32 s31, s16;
	s18 =	sadd.s32 $0x1, s31  }
.LBB2_20:
0xb3: {  	p0 =	seq.s32 s18, $0xF;
	v7 =	vmov s19;
	_ =	sdelay $0x2  }
0xb4: {  	v5 =	vmax.f32 v6, v5  }
0xb5: {  	[tilespmem:v4+s2+$0x0] =	vst.idx.msk $0xff, v5  }
0xb6: {  	v4 =	vld.idx.msk [tilespmem:v7+s8+$0x0], $0xff;
	_ =	sdelay $0x5  }
0xb7: {  	v5 =	vshll.u32 v7, $0x3;
	v4 =	vnsel vm0, $0x0, v4  }
0xb8: {  	v6 =	vand.u32 $0x7F, v7;
	v5 =	vand.u32 $0x7C00, v5;
	v7 =	vshll.u32 v4, $0x3  }
0xb9: {  	v5 =	vor.u32 v5, v6;
	v4 =	vand.u32 $0x7F, v4;
	v6 =	vand.u32 $0xFFFFFC00, v7  }
0xba: {  	v5 =	vor.u32 v3, v5;
	v4 =	vor.u32 v6, v4  }
0xbb: {  	v4 =	vor.u32 v3, v4;
	_ =	sdelay $0x2  }
.Ltmp15:
0xbc: {  	(pc) =	sbr.rel @!p0 .LBB2_20-.Ltmp15, $3  }
0xbd: {  	v5 =	vld.idx.msk [tilespmem:v5+s10+$0x0], $0xff  }
0xbe: {  	v6 =	vld.idx.msk [tilespmem:v4+s2+$0x0], $0xff;
	_ =	sdelay $0x1  }
0xbf: {  	s19 =	sadd.s32 s18, s16;
	s18 =	sadd.s32 $0x1, s18  }
0xc0: {  	v7 =	vmov s19;
	_ =	sdelay $0x2  }
0xc1: {  	v5 =	vmax.f32 v6, v5  }
0xc2: {  	[tilespmem:v4+s2+$0x0] =	vst.idx.msk $0xff, v5  }
0xc3: {  	v4 =	vld.idx.msk [tilespmem:v7+s8+$0x0], $0xff;
	_ =	sdelay $0x4  }
0xc4: {  	v5 =	vshll.u32 v7, $0x3;
	v4 =	vnsel vm0, $0x0, v4  }
0xc5: {  	v60 =	vand.u32 $0x7F, v7;
	v5 =	vand.u32 $0x7C00, v5;
	v61 =	vshll.u32 v4, $0x3  }
0xc6: {  	v5 =	vor.u32 v5, v60;
	v4 =	vand.u32 $0x7F, v4;
	v62 =	vand.u32 $0xFFFFFC00, v61  }
0xc7: {  	v5 =	vor.u32 v3, v5;
	v4 =	vor.u32 v62, v4  }
0xc8: {  	v4 =	vor.u32 v3, v4;
	_ =	sdelay $0x3  }
0xc9: {  	v5 =	vld.idx.msk [tilespmem:v5+s10+$0x0], $0xff  }
0xca: {  	v63 =	vld.idx.msk [tilespmem:v4+s2+$0x0], $0xff;
	_ =	sdelay $0x1  }
.Ltmp16:
0xcb: {  	_ = 	snop;
	(pc) =	sbr.rel .LBB2_23-.Ltmp16, $3  }
0xcc: {  	_ =	sdelay $0x1  }
0xcd: {  	v5 =	vmax.f32 v63, v5  }
0xce: {  	[tilespmem:v4+s2+$0x0] =	vst.idx.msk $0xff, v5  }
.LBB2_26:
0xcf: {  	_ =	sfence.sel $0x180000  }
0xd0: {  	[bflag:$0x0] =	sbarrier.arrive $0xFFFF  }
0xd1: {  	p0 =	sne.s32 s0, $0x0;
	_ =	strace $0x9000004A  }
0xd2: {  	s0 =	sadd.s32 @!p0 $0x100000, s1;
	[bflag:$0x2] =	sbarrier.arrive $0xFFFF  }
0xd3: {  	[sflag:s0] =	ssyncadd.tile.s32 @!p0 $0x1;
	_ =	shalt  }
.Lfunc_end2:
_tile_overlayer_lowered:
.L_overlay_start_2:
0xd4: {  	(tag) =	ssettag $0x2  }
0xd5: {  	s0 =	rddreg [dreg:$0x0];
	s2 =	stileid.u32  }
0xd6: {  	s1 =	rddreg [dreg:$0x1];
	p0 =	sne.s32 s2, $0x0  }
0xd7: {  	s3 =	rddreg [dreg:$0x2];
	[bflag:$0x3] =	sbarrier.arrive $0xFFFF;
	s2 =	simm.s32 @!p0 $0x1C02  }
0xd8: {  	[timem:s3], [sflag:s2] =	dma.local @!p0 [hbm:s0], s1  }
0xd9: {  	s0 =	simm.s32 @!p0 $0x2  }
0xda: {  	_ =	swait.ge @!p0 [sflag:s0], s1  }
0xdb: {  	s1 =	ssub.s32 @!p0 $0x0, s1;
	[sflag:s0] =	ssyncset.done @!p0 $0x0  }
0xdc: {  	[sflag:s0] =	ssyncadd.s32 @!p0 s1  }
0xdd: {  	[bflag:$0x3] =	sbarrier.arrive $0xFFFF  }
0xde: {  	_ =	shalt  }

</sc_bundles>
